<compile_context>
chip_gen: v7x
topology: tpu7x:2x2x1
jax: 0.10.2.dev20260603
libtpu: 0.0.44.dev20260713+nightly
codegen_flags: <defaults>
</compile_context>

<pallas_src>
import functools

import jax
import jax.numpy as jnp
from jax import lax
from jax.experimental import pallas as pl
from jax.experimental.pallas import tpu as pltpu
from jax.experimental.pallas import tpu_sc as plsc

N_ROWS = 100000
N_UPD = 16384
WIDTH = 128
L = 16
NW = 32
RPW = 3128
M_VECS = (RPW + L - 1) // L
M_PAD = M_VECS * L
GCH = 128
W_CAP = M_PAD + 2 * GCH
CPY = 128
SCAN_VECS = N_UPD // L


def _impl(planes_x, idx32, planes_v):
    np_ = len(planes_x)
    mesh = plsc.VectorSubcoreMesh(
        core_axis_name="c", subcore_axis_name="s", num_cores=2,
        num_subcores=16)

    scratch = [
        pltpu.VMEM((N_UPD,), jnp.int32),
        pltpu.VMEM((M_PAD,), jnp.int32),
        pltpu.VMEM((W_CAP,), jnp.int32),
        pltpu.VMEM((W_CAP,), jnp.int32),
        pltpu.VMEM((GCH,), jnp.int32),
    ]
    for _ in range(np_):
        scratch.append(pltpu.VMEM((GCH, WIDTH), jnp.int32))
        scratch.append(pltpu.VMEM((2, CPY, WIDTH), jnp.int32))
        scratch.append(pltpu.SemaphoreType.DMA((2,)))
        scratch.append(pltpu.SemaphoreType.DMA((2,)))
        scratch.append(pltpu.SemaphoreType.DMA)
        scratch.append(pltpu.SemaphoreType.DMA)

    @functools.partial(
        pl.kernel,
        out_type=tuple(jax.ShapeDtypeStruct((N_ROWS, WIDTH), jnp.int32)
                       for _ in range(np_)),
        mesh=mesh,
        compiler_params=pltpu.CompilerParams(needs_layout_passes=False),
        scratch_types=scratch,
    )
    def run(*refs):
        xs = refs[:np_]
        idx_hbm = refs[np_]
        vs = refs[np_ + 1:2 * np_ + 1]
        outs = refs[2 * np_ + 1:3 * np_ + 1]
        idx_v, m_v, wpos, wrow, sidx = refs[3 * np_ + 1:3 * np_ + 6]
        pp = refs[3 * np_ + 6:]
        gbufs = [pp[6 * p + 0] for p in range(np_)]
        cbs = [pp[6 * p + 1] for p in range(np_)]
        isems = [pp[6 * p + 2] for p in range(np_)]
        osems = [pp[6 * p + 3] for p in range(np_)]
        gsems = [pp[6 * p + 4] for p in range(np_)]
        ssems = [pp[6 * p + 5] for p in range(np_)]

        i32 = jnp.int32
        wid = lax.axis_index("s") * i32(2) + lax.axis_index("c")
        lo = pl.multiple_of(wid * i32(RPW), 8)
        rows_mine = jnp.minimum(i32(RPW), i32(N_ROWS) - lo)
        lanes = lax.iota(jnp.int32, L)

        pltpu.sync_copy(idx_hbm, idx_v)

        def init_m(v, carry):
            m_v[pl.ds(v * i32(L), L)] = jnp.full((L,), -1, jnp.int32)
            return carry
        lax.fori_loop(i32(0), i32(M_VECS), init_m, i32(0))

        def scan_step(v, carry):
            base = v * i32(L)
            ivec = idx_v[pl.ds(base, L)]
            r = ivec - lo
            inm = (r >= 0) & (r < rows_mine)
            cnt = plsc.all_reduce_population_count(inm)[0]
            pos = base + lanes
            rc = jnp.where(inm, r, i32(0))

            @pl.when(cnt == 1)
            def _():
                plsc.store_scatter(m_v, [rc], pos, mask=inm)

            @pl.when(cnt > 1)
            def _():
                rm = jnp.where(inm, r, i32(-1))
                lose = jnp.zeros((L,), jnp.bool_)
                for k in range(1, L):
                    shifted = rm.at[jnp.minimum(lanes + i32(k), i32(L - 1))].get(
                        mode="promise_in_bounds")
                    valid = lanes < i32(L - k)
                    lose = lose | (valid & (shifted == rm))
                keep = inm & jnp.logical_not(lose)
                plsc.store_scatter(m_v, [rc], pos, mask=keep)

            return carry

        def scan_range(a, b_):
            lax.fori_loop(a, b_, scan_step, i32(0))

        nt = (rows_mine + i32(CPY - 1)) // i32(CPY)
        last_rel = rows_mine - i32(CPY)

        def chunk_abs(c):
            rel = jnp.minimum(c * i32(CPY), last_rel)
            return pl.multiple_of(lo + rel, 8)

        def in_descs(c, b):
            return [pltpu.make_async_copy(
                xs[p].at[pl.ds(chunk_abs(c), CPY)], cbs[p].at[b],
                isems[p].at[b]) for p in range(np_)]

        def out_descs(c, b):
            return [pltpu.make_async_copy(
                cbs[p].at[b], outs[p].at[pl.ds(chunk_abs(c), CPY)],
                osems[p].at[b]) for p in range(np_)]

        for d in in_descs(i32(0), i32(0)):
            d.start()

        seg = (SCAN_VECS + 23) // 24

        def copy_body(c, carry):
            b = c & i32(1)
            bn = (c + i32(1)) & i32(1)

            @pl.when(c + i32(1) < nt)
            def _():
                @pl.when(c >= i32(1))
                def _():
                    for d in out_descs(c - i32(1), bn):
                        d.wait()
                for d in in_descs(c + i32(1), bn):
                    d.start()

            scan_range(jnp.minimum(c * i32(seg), i32(SCAN_VECS)),
                       jnp.minimum((c + i32(1)) * i32(seg), i32(SCAN_VECS)))

            for d in in_descs(c, b):
                d.wait()
            for d in out_descs(c, b):
                d.start()
            return carry
        lax.fori_loop(i32(0), nt, copy_body, i32(0))
        scan_range(jnp.minimum(nt * i32(seg), i32(SCAN_VECS)), i32(SCAN_VECS))

        for d in out_descs(nt - i32(2), nt & i32(1)):
            d.wait()
        for d in out_descs(nt - i32(1), (nt - i32(1)) & i32(1)):
            d.wait()

        def compress_step(v, carry):
            wcount, lastrow, lastpos = carry
            m = m_v[pl.ds(v * i32(L), L)]
            msk = m >= i32(0)
            cnt = plsc.all_reduce_population_count(msk)[0]
            rows = lo + v * i32(L) + lanes
            plsc.store_compressed(wpos.at[pl.ds(wcount, L)], m, mask=msk)
            plsc.store_compressed(wrow.at[pl.ds(wcount, L)], rows, mask=msk)
            lr = jnp.max(jnp.where(msk, rows, i32(-1)))
            lp = jnp.max(jnp.where(msk & (rows == lr), m, i32(-1)))
            lastrow = jnp.where(cnt > i32(0), lr, lastrow)
            lastpos = jnp.where(cnt > i32(0), lp, lastpos)
            return (wcount + cnt, lastrow, lastpos)

        wcount, lastrow, lastpos = lax.fori_loop(
            i32(0), i32(M_VECS), compress_step,
            (jnp.int32(0), jnp.int32(0), jnp.int32(0)))

        @pl.when(wcount > i32(0))
        def _():
            prow = jnp.full((L,), lastrow, jnp.int32)
            ppos = jnp.full((L,), lastpos, jnp.int32)
            for j in range(GCH // L):
                wrow[pl.ds(wcount + i32(j * L), L)] = prow
                wpos[pl.ds(wcount + i32(j * L), L)] = ppos

        nch = (wcount + i32(GCH - 1)) // i32(GCH)

        def win_step(c, carry):
            off = c * i32(GCH)
            gds = [pltpu.make_async_copy(
                vs[p].at[wpos.at[pl.ds(off, GCH)]], gbufs[p], gsems[p])
                for p in range(np_)]
            for d in gds:
                d.start()
            for j in range(GCH // L):
                sidx[pl.ds(j * L, L)] = wrow[pl.ds(off + i32(j * L), L)]
            for d in gds:
                d.wait()
            sds = [pltpu.make_async_copy(
                gbufs[p], outs[p].at[sidx], ssems[p]) for p in range(np_)]
            for d in sds:
                d.start()
            for d in sds:
                d.wait()
            return carry
        lax.fori_loop(i32(0), nch, win_step, i32(0))

    return run(*planes_x, idx32, *planes_v)


def kernel(input, index, value):
    idx32 = index.astype(jnp.int32)
    if input.dtype == jnp.int64:
        mask = jnp.int64(0xFFFFFFFF)

        def split(a):
            lo_p = lax.bitcast_convert_type(
                lax.convert_element_type(a & mask, jnp.uint32), jnp.int32)
            hi_p = lax.convert_element_type(a >> jnp.int64(32), jnp.int32)
            return lo_p, hi_p

        xlo, xhi = split(input)
        vlo, vhi = split(value)
        outlo, outhi = _impl([xlo, xhi], idx32, [vlo, vhi])
        lo64 = lax.convert_element_type(
            lax.bitcast_convert_type(outlo, jnp.uint32), jnp.int64)
        hi64 = lax.convert_element_type(outhi, jnp.int64) << jnp.int64(32)
        return hi64 | lo64
    out, = _impl([input], idx32, [value])
    return out

# --- scband reference (transcript-rebuilt; emitter-appended) ---
"""Pipeline reference for scband-index-put2-dint-non-accumulate-module-39444979647270 (READ-ONLY COPY).

The authoritative reference and input builder live on the scoring server;
editing this copy changes nothing except your own understanding.
"""

import jax, jax.numpy as jnp
import numpy as np
jax.config.update("jax_enable_x64", True)


def setup_inputs(seed: int = 0) -> dict:
    key = jax.random.key(seed)
    k1, k2, k3 = jax.random.split(key, 3)
    inp = {
        "input": jax.random.randint(k1, (100000, 128), 0, 1000, dtype=jnp.int64),
        "index": jax.random.randint(k2, (16384,), 0, 100000, dtype=jnp.int64),
        "value": jax.random.randint(k3, (16384, 128), 0, 1000, dtype=jnp.int64),
    }
    return inp


def reference(input, index, value):
    # torch.ops.aten.index_put(input, (index,), value, accumulate=False)
    # -> scatter-overwrite rows of `input` at positions `index` with `value`.
    return input.at[index].set(value)

if __name__ == "__main__":
    import jax
    _d = setup_inputs()
    print(jax.jit(kernel)(*tuple(_d.values())))

</pallas_src>

<mosaic_0001>
#map = affine_map<(d0, d1) -> (0, 0)>
#map1 = affine_map<(d0, d1) -> (0)>
module attributes {stable_mosaic.version = 14 : i64} {
  func.func @run(%arg0: i32, %arg1: i32, %arg2: memref<100000x128xi32, #tpu.memory_space<hbm>>, %arg3: memref<100000x128xi32, #tpu.memory_space<hbm>>, %arg4: memref<16384xi32, #tpu.memory_space<hbm>>, %arg5: memref<16384x128xi32, #tpu.memory_space<hbm>>, %arg6: memref<16384x128xi32, #tpu.memory_space<hbm>>, %arg7: memref<100000x128xi32, #tpu.memory_space<hbm>>, %arg8: memref<100000x128xi32, #tpu.memory_space<hbm>>, %arg9: memref<16384xi32, #tpu.memory_space<vmem>>, %arg10: memref<3136xi32, #tpu.memory_space<vmem>>, %arg11: memref<3392xi32, #tpu.memory_space<vmem>>, %arg12: memref<3392xi32, #tpu.memory_space<vmem>>, %arg13: memref<128xi32, #tpu.memory_space<vmem>>, %arg14: memref<128x128xi32, #tpu.memory_space<vmem>>, %arg15: memref<2x128x128xi32, #tpu.memory_space<vmem>>, %arg16: memref<2x!tpu.dma_semaphore, #tpu.memory_space<semaphore_mem>>, %arg17: memref<2x!tpu.dma_semaphore, #tpu.memory_space<semaphore_mem>>, %arg18: memref<!tpu.dma_semaphore, #tpu.memory_space<semaphore_mem>>, %arg19: memref<!tpu.dma_semaphore, #tpu.memory_space<semaphore_mem>>, %arg20: memref<128x128xi32, #tpu.memory_space<vmem>>, %arg21: memref<2x128x128xi32, #tpu.memory_space<vmem>>, %arg22: memref<2x!tpu.dma_semaphore, #tpu.memory_space<semaphore_mem>>, %arg23: memref<2x!tpu.dma_semaphore, #tpu.memory_space<semaphore_mem>>, %arg24: memref<!tpu.dma_semaphore, #tpu.memory_space<semaphore_mem>>, %arg25: memref<!tpu.dma_semaphore, #tpu.memory_space<semaphore_mem>>) attributes {dimension_semantics = [#tpu.dimension_semantics<core_parallel>, #tpu.dimension_semantics<subcore_parallel>], iteration_bounds = array<i64: 2, 16>, scalar_prefetch = 0 : i64, scratch_operands = 17 : i64, tpu.core_type = #tpu.core_type<sc_vector_subcore>, window_params = [{transform_indices = #map}, {transform_indices = #map}, {transform_indices = #map1}, {transform_indices = #map}, {transform_indices = #map}, {transform_indices = #map}, {transform_indices = #map}]} {
    %mul3A = arith.constant 2 : i32
    %mul3A_0 = arith.muli %arg1, %mul3A : i32
    %add3A = arith.addi %mul3A_0, %arg0 : i32
    %mul3A_1 = arith.constant 3128 : i32
    %mul3A_2 = arith.muli %add3A, %mul3A_1 : i32
    %multiple_of3A = tpu.assume_multiple %mul3A_2, 8 : i32
    %sub3A = arith.constant 100000 : i32
    %sub3A_3 = arith.subi %sub3A, %multiple_of3A : i32
    %min3A = arith.constant 3128 : i32
    %min3A_4 = arith.minsi %min3A, %sub3A_3 : i32
    %iota3A = tpu.iota {dimensions = array<i32: 0>} : vector<16xi32>
    "tpu.region"() ({
      %run_scoped3A = tpu.sem_alloc : memref<!tpu.dma_semaphore, #tpu.memory_space<semaphore_mem>>
      tpu.enqueue_dma source(%arg4 : memref<16384xi32, #tpu.memory_space<hbm>>) target(%arg9 : memref<16384xi32, #tpu.memory_space<vmem>>) target_semaphore(%run_scoped3A : memref<!tpu.dma_semaphore, #tpu.memory_space<semaphore_mem>>)
      tpu.wait_dma2 semaphore(%run_scoped3A : memref<!tpu.dma_semaphore, #tpu.memory_space<semaphore_mem>>) src(%arg4 : memref<16384xi32, #tpu.memory_space<hbm>>) dst(%arg9 : memref<16384xi32, #tpu.memory_space<vmem>>)
      tpu.yield
    }) : () -> ()
    %while3A = arith.constant 0 : i32
    %while3A_5 = arith.constant 0 : i32
    %while3A_6 = arith.constant 196 : i32
    %while3A_7 = arith.subi %while3A_6, %while3A_5 : i32
    %while3A_8 = arith.addi %while3A_5, %while3A_7 : i32
    %while3A_9 = arith.constant 1 : i32
    %while3A_10 = arith.divsi %while3A_7, %while3A_9 : i32
    %while3A_11 = arith.muli %while3A_10, %while3A_9 : i32
    %while3A_12 = arith.addi %while3A_5, %while3A_11 : i32
    %while3A_13 = arith.constant 1 : i32
    scf.for %while3A_241 = %while3A_5 to %while3A_12 step %while3A_13  : i32 {
      %broadcast_in_dim3A = arith.constant -1 : i32
      %broadcast_in_dim3A_242 = vector.broadcast %broadcast_in_dim3A : i32 to vector<16xi32>
      %mul3A_243 = arith.constant 16 : i32
      %mul3A_244 = arith.muli %while3A_241, %mul3A_243 : i32
      %swap3A = arith.index_cast %mul3A_244 : i32 to index
      %swap3A_245 = tpu.vector_load %arg10[%swap3A] {strides = array<i32>} : memref<3136xi32, #tpu.memory_space<vmem>>, vector<16xi32>,
      tpu.vector_store %arg10[%swap3A], %broadcast_in_dim3A_242 {strides = array<i32>} : memref<3136xi32, #tpu.memory_space<vmem>>, vector<16xi32>,
    }
    %while3A_14 = arith.constant 1 : i32
    scf.for %while3A_241 = %while3A_12 to %while3A_8 step %while3A_14  : i32 {
      %broadcast_in_dim3A = arith.constant -1 : i32
      %broadcast_in_dim3A_242 = vector.broadcast %broadcast_in_dim3A : i32 to vector<16xi32>
      %mul3A_243 = arith.constant 16 : i32
      %mul3A_244 = arith.muli %while3A_241, %mul3A_243 : i32
      %swap3A = arith.index_cast %mul3A_244 : i32 to index
      %swap3A_245 = tpu.vector_load %arg10[%swap3A] {strides = array<i32>} : memref<3136xi32, #tpu.memory_space<vmem>>, vector<16xi32>,
      tpu.vector_store %arg10[%swap3A], %broadcast_in_dim3A_242 {strides = array<i32>} : memref<3136xi32, #tpu.memory_space<vmem>>, vector<16xi32>,
    }
    %add3A_15 = arith.constant 127 : i32
    %add3A_16 = arith.addi %min3A_4, %add3A_15 : i32
    %jit3A = arith.constant 128 : i32
    %div3A = arith.divsi %add3A_16, %jit3A : i32
    %sign3A = arith.constant 0 : i32
    %sign3A_17 = arith.cmpi sgt, %add3A_16, %sign3A : i32
    %sign3A_18 = arith.extui %sign3A_17 : i1 to i32
    %sign3A_19 = arith.constant 0 : i32
    %sign3A_20 = arith.cmpi slt, %add3A_16, %sign3A_19 : i32
    %sign3A_21 = arith.extui %sign3A_20 : i1 to i32
    %sign3A_22 = arith.subi %sign3A_18, %sign3A_21 : i32
    %sign3A_23 = arith.constant 0 : i32
    %sign3A_24 = arith.cmpi sgt, %jit3A, %sign3A_23 : i32
    %sign3A_25 = arith.extui %sign3A_24 : i1 to i32
    %sign3A_26 = arith.constant 0 : i32
    %sign3A_27 = arith.cmpi slt, %jit3A, %sign3A_26 : i32
    %sign3A_28 = arith.extui %sign3A_27 : i1 to i32
    %sign3A_29 = arith.subi %sign3A_25, %sign3A_28 : i32
    %ne3A = arith.cmpi ne, %sign3A_22, %sign3A_29 : i32
    %rem3A = arith.remsi %add3A_16, %jit3A : i32
    %ne3A_30 = arith.constant 0 : i32
    %ne3A_31 = arith.cmpi ne, %rem3A, %ne3A_30 : i32
    %and3A = arith.andi %ne3A, %ne3A_31 : i1
    %sub3A_32 = arith.constant 1 : i32
    %sub3A_33 = arith.subi %div3A, %sub3A_32 : i32
    %select_n3A = arith.select %and3A, %sub3A_33, %div3A : i32
    %sub3A_34 = arith.constant 128 : i32
    %sub3A_35 = arith.subi %min3A_4, %sub3A_34 : i32
    %mul3A_36 = arith.constant 0 : i32
    %mul3A_37 = arith.constant 128 : i32
    %mul3A_38 = arith.muli %mul3A_36, %mul3A_37 : i32
    %min3A_39 = arith.minsi %mul3A_38, %sub3A_35 : i32
    %add3A_40 = arith.addi %multiple_of3A, %min3A_39 : i32
    %multiple_of3A_41 = tpu.assume_multiple %add3A_40, 8 : i32
    %mul3A_42 = arith.constant 0 : i32
    %mul3A_43 = arith.constant 128 : i32
    %mul3A_44 = arith.muli %mul3A_42, %mul3A_43 : i32
    %min3A_45 = arith.minsi %mul3A_44, %sub3A_35 : i32
    %add3A_46 = arith.addi %multiple_of3A, %min3A_45 : i32
    %multiple_of3A_47 = tpu.assume_multiple %add3A_46, 8 : i32
    %dma_start3A = arith.constant 0 : i32
    %dma_start3A_48 = arith.constant 0 : i32
    %dma_start3A_49 = arith.constant 0 : i32
    %dma_start3A_50 = arith.constant 0 : i32
    %dma_start3A_51 = tpu.memref_slice %arg15[%dma_start3A, %dma_start3A_49, %dma_start3A_50] : memref<2x128x128xi32, #tpu.memory_space<vmem>> -> memref<1x128x128xi32, #tpu.memory_space<vmem>>
    %dma_start3A_52 = tpu.memref_squeeze %dma_start3A_51 : memref<1x128x128xi32, #tpu.memory_space<vmem>> -> memref<128x128xi32, #tpu.memory_space<vmem>>
    %dma_start3A_53 = arith.constant 0 : i32
    %dma_start3A_54 = tpu.memref_slice %arg2[%multiple_of3A_41, %dma_start3A_53] : memref<100000x128xi32, #tpu.memory_space<hbm>> -> memref<128x128xi32, #tpu.memory_space<hbm>>
    %dma_start3A_55 = tpu.memref_slice %arg16[%dma_start3A_48] : memref<2x!tpu.dma_semaphore, #tpu.memory_space<semaphore_mem>> -> memref<1x!tpu.dma_semaphore, #tpu.memory_space<semaphore_mem>>
    %dma_start3A_56 = tpu.memref_squeeze %dma_start3A_55 : memref<1x!tpu.dma_semaphore, #tpu.memory_space<semaphore_mem>> -> memref<!tpu.dma_semaphore, #tpu.memory_space<semaphore_mem>>
    %dma_start3A_57 = arith.constant 0 : i32
    %dma_start3A_58 = arith.constant 0 : i32
    %dma_start3A_59 = tpu.memref_slice %arg15[%dma_start3A, %dma_start3A_57, %dma_start3A_58] : memref<2x128x128xi32, #tpu.memory_space<vmem>> -> memref<1x128x128xi32, #tpu.memory_space<vmem>>
    %dma_start3A_60 = tpu.memref_squeeze %dma_start3A_59 : memref<1x128x128xi32, #tpu.memory_space<vmem>> -> memref<128x128xi32, #tpu.memory_space<vmem>>
    %dma_start3A_61 = arith.constant 0 : i32
    %dma_start3A_62 = tpu.memref_slice %arg2[%multiple_of3A_41, %dma_start3A_61] : memref<100000x128xi32, #tpu.memory_space<hbm>> -> memref<128x128xi32, #tpu.memory_space<hbm>>
    tpu.enqueue_dma source(%dma_start3A_62 : memref<128x128xi32, #tpu.memory_space<hbm>>) target(%dma_start3A_60 : memref<128x128xi32, #tpu.memory_space<vmem>>) target_semaphore(%dma_start3A_56 : memref<!tpu.dma_semaphore, #tpu.memory_space<semaphore_mem>>)
    %dma_start3A_63 = arith.constant 0 : i32
    %dma_start3A_64 = arith.constant 0 : i32
    %dma_start3A_65 = arith.constant 0 : i32
    %dma_start3A_66 = arith.constant 0 : i32
    %dma_start3A_67 = tpu.memref_slice %arg21[%dma_start3A_63, %dma_start3A_65, %dma_start3A_66] : memref<2x128x128xi32, #tpu.memory_space<vmem>> -> memref<1x128x128xi32, #tpu.memory_space<vmem>>
    %dma_start3A_68 = tpu.memref_squeeze %dma_start3A_67 : memref<1x128x128xi32, #tpu.memory_space<vmem>> -> memref<128x128xi32, #tpu.memory_space<vmem>>
    %dma_start3A_69 = arith.constant 0 : i32
    %dma_start3A_70 = tpu.memref_slice %arg3[%multiple_of3A_47, %dma_start3A_69] : memref<100000x128xi32, #tpu.memory_space<hbm>> -> memref<128x128xi32, #tpu.memory_space<hbm>>
    %dma_start3A_71 = tpu.memref_slice %arg22[%dma_start3A_64] : memref<2x!tpu.dma_semaphore, #tpu.memory_space<semaphore_mem>> -> memref<1x!tpu.dma_semaphore, #tpu.memory_space<semaphore_mem>>
    %dma_start3A_72 = tpu.memref_squeeze %dma_start3A_71 : memref<1x!tpu.dma_semaphore, #tpu.memory_space<semaphore_mem>> -> memref<!tpu.dma_semaphore, #tpu.memory_space<semaphore_mem>>
    %dma_start3A_73 = arith.constant 0 : i32
    %dma_start3A_74 = arith.constant 0 : i32
    %dma_start3A_75 = tpu.memref_slice %arg21[%dma_start3A_63, %dma_start3A_73, %dma_start3A_74] : memref<2x128x128xi32, #tpu.memory_space<vmem>> -> memref<1x128x128xi32, #tpu.memory_space<vmem>>
    %dma_start3A_76 = tpu.memref_squeeze %dma_start3A_75 : memref<1x128x128xi32, #tpu.memory_space<vmem>> -> memref<128x128xi32, #tpu.memory_space<vmem>>
    %dma_start3A_77 = arith.constant 0 : i32
    %dma_start3A_78 = tpu.memref_slice %arg3[%multiple_of3A_47, %dma_start3A_77] : memref<100000x128xi32, #tpu.memory_space<hbm>> -> memref<128x128xi32, #tpu.memory_space<hbm>>
    tpu.enqueue_dma source(%dma_start3A_78 : memref<128x128xi32, #tpu.memory_space<hbm>>) target(%dma_start3A_76 : memref<128x128xi32, #tpu.memory_space<vmem>>) target_semaphore(%dma_start3A_72 : memref<!tpu.dma_semaphore, #tpu.memory_space<semaphore_mem>>)
    %while3A_79 = arith.constant 0 : i32
    %while3A_80 = arith.constant 0 : i32
    %while3A_81 = arith.subi %select_n3A, %while3A_80 : i32
    %while3A_82 = arith.addi %while3A_80, %while3A_81 : i32
    %while3A_83 = arith.constant 1 : i32
    %while3A_84 = arith.divsi %while3A_81, %while3A_83 : i32
    %while3A_85 = arith.muli %while3A_84, %while3A_83 : i32
    %while3A_86 = arith.addi %while3A_80, %while3A_85 : i32
    %while3A_87 = arith.constant 1 : i32
    scf.for %while3A_241 = %while3A_80 to %while3A_86 step %while3A_87  : i32 {
      %and3A_242 = arith.constant 1 : i32
      %and3A_243 = arith.andi %while3A_241, %and3A_242 : i32
      %add3A_244 = arith.constant 1 : i32
      %add3A_245 = arith.addi %while3A_241, %add3A_244 : i32
      %and3A_246 = arith.constant 1 : i32
      %and3A_247 = arith.andi %add3A_245, %and3A_246 : i32
      %add3A_248 = arith.constant 1 : i32
      %add3A_249 = arith.addi %while3A_241, %add3A_248 : i32
      %lt3A = arith.cmpi slt, %add3A_249, %select_n3A : i32
      %convert_element_type3A_250 = arith.extui %lt3A : i1 to i32
      %cond3A_251 = arith.constant 0 : i32
      %cond3A_252 = arith.cmpi ne, %convert_element_type3A_250, %cond3A_251 : i32
      scf.if %cond3A_252 {
        %ge3A = arith.constant 1 : i32
        %ge3A_348 = arith.cmpi sge, %while3A_241, %ge3A : i32
        %convert_element_type3A_349 = arith.extui %ge3A_348 : i1 to i32
        %cond3A_350 = arith.constant 0 : i32
        %cond3A_351 = arith.cmpi ne, %convert_element_type3A_349, %cond3A_350 : i32
        scf.if %cond3A_351 {
          %sub3A_392 = arith.constant 1 : i32
          %sub3A_393 = arith.subi %while3A_241, %sub3A_392 : i32
          %mul3A_394 = arith.constant 128 : i32
          %mul3A_395 = arith.muli %sub3A_393, %mul3A_394 : i32
          %min3A_396 = arith.minsi %mul3A_395, %sub3A_35 : i32
          %add3A_397 = arith.addi %multiple_of3A, %min3A_396 : i32
          %multiple_of3A_398 = tpu.assume_multiple %add3A_397, 8 : i32
          %mul3A_399 = arith.constant 128 : i32
          %mul3A_400 = arith.muli %sub3A_393, %mul3A_399 : i32
          %min3A_401 = arith.minsi %mul3A_400, %sub3A_35 : i32
          %add3A_402 = arith.addi %multiple_of3A, %min3A_401 : i32
          %multiple_of3A_403 = tpu.assume_multiple %add3A_402, 8 : i32
          %dma_wait3A_404 = arith.constant 0 : i32
          %dma_wait3A_405 = arith.constant 0 : i32
          %dma_wait3A_406 = tpu.memref_slice %arg15[%and3A_247, %dma_wait3A_404, %dma_wait3A_405] : memref<2x128x128xi32, #tpu.memory_space<vmem>> -> memref<1x128x128xi32, #tpu.memory_space<vmem>>
          %dma_wait3A_407 = tpu.memref_squeeze %dma_wait3A_406 : memref<1x128x128xi32, #tpu.memory_space<vmem>> -> memref<128x128xi32, #tpu.memory_space<vmem>>
          %dma_wait3A_408 = arith.constant 0 : i32
          %dma_wait3A_409 = tpu.memref_slice %arg7[%multiple_of3A_398, %dma_wait3A_408] : memref<100000x128xi32, #tpu.memory_space<hbm>> -> memref<128x128xi32, #tpu.memory_space<hbm>>
          %dma_wait3A_410 = tpu.memref_slice %arg17[%and3A_247] : memref<2x!tpu.dma_semaphore, #tpu.memory_space<semaphore_mem>> -> memref<1x!tpu.dma_semaphore, #tpu.memory_space<semaphore_mem>>
          %dma_wait3A_411 = tpu.memref_squeeze %dma_wait3A_410 : memref<1x!tpu.dma_semaphore, #tpu.memory_space<semaphore_mem>> -> memref<!tpu.dma_semaphore, #tpu.memory_space<semaphore_mem>>
          %dma_wait3A_412 = arith.constant 0 : i32
          %dma_wait3A_413 = tpu.memref_slice %arg7[%multiple_of3A_398, %dma_wait3A_412] : memref<100000x128xi32, #tpu.memory_space<hbm>> -> memref<128x128xi32, #tpu.memory_space<hbm>>
          %dma_wait3A_414 = arith.constant 0 : i32
          %dma_wait3A_415 = arith.constant 0 : i32
          %dma_wait3A_416 = tpu.memref_slice %arg15[%and3A_247, %dma_wait3A_414, %dma_wait3A_415] : memref<2x128x128xi32, #tpu.memory_space<vmem>> -> memref<1x128x128xi32, #tpu.memory_space<vmem>>
          %dma_wait3A_417 = tpu.memref_squeeze %dma_wait3A_416 : memref<1x128x128xi32, #tpu.memory_space<vmem>> -> memref<128x128xi32, #tpu.memory_space<vmem>>
          tpu.wait_dma2 semaphore(%dma_wait3A_411 : memref<!tpu.dma_semaphore, #tpu.memory_space<semaphore_mem>>) src(%dma_wait3A_417 : memref<128x128xi32, #tpu.memory_space<vmem>>) dst(%dma_wait3A_413 : memref<128x128xi32, #tpu.memory_space<hbm>>)
          %dma_wait3A_418 = arith.constant 0 : i32
          %dma_wait3A_419 = arith.constant 0 : i32
          %dma_wait3A_420 = tpu.memref_slice %arg21[%and3A_247, %dma_wait3A_418, %dma_wait3A_419] : memref<2x128x128xi32, #tpu.memory_space<vmem>> -> memref<1x128x128xi32, #tpu.memory_space<vmem>>
          %dma_wait3A_421 = tpu.memref_squeeze %dma_wait3A_420 : memref<1x128x128xi32, #tpu.memory_space<vmem>> -> memref<128x128xi32, #tpu.memory_space<vmem>>
          %dma_wait3A_422 = arith.constant 0 : i32
          %dma_wait3A_423 = tpu.memref_slice %arg8[%multiple_of3A_403, %dma_wait3A_422] : memref<100000x128xi32, #tpu.memory_space<hbm>> -> memref<128x128xi32, #tpu.memory_space<hbm>>
          %dma_wait3A_424 = tpu.memref_slice %arg23[%and3A_247] : memref<2x!tpu.dma_semaphore, #tpu.memory_space<semaphore_mem>> -> memref<1x!tpu.dma_semaphore, #tpu.memory_space<semaphore_mem>>
          %dma_wait3A_425 = tpu.memref_squeeze %dma_wait3A_424 : memref<1x!tpu.dma_semaphore, #tpu.memory_space<semaphore_mem>> -> memref<!tpu.dma_semaphore, #tpu.memory_space<semaphore_mem>>
          %dma_wait3A_426 = arith.constant 0 : i32
          %dma_wait3A_427 = tpu.memref_slice %arg8[%multiple_of3A_403, %dma_wait3A_426] : memref<100000x128xi32, #tpu.memory_space<hbm>> -> memref<128x128xi32, #tpu.memory_space<hbm>>
          %dma_wait3A_428 = arith.constant 0 : i32
          %dma_wait3A_429 = arith.constant 0 : i32
          %dma_wait3A_430 = tpu.memref_slice %arg21[%and3A_247, %dma_wait3A_428, %dma_wait3A_429] : memref<2x128x128xi32, #tpu.memory_space<vmem>> -> memref<1x128x128xi32, #tpu.memory_space<vmem>>
          %dma_wait3A_431 = tpu.memref_squeeze %dma_wait3A_430 : memref<1x128x128xi32, #tpu.memory_space<vmem>> -> memref<128x128xi32, #tpu.memory_space<vmem>>
          tpu.wait_dma2 semaphore(%dma_wait3A_425 : memref<!tpu.dma_semaphore, #tpu.memory_space<semaphore_mem>>) src(%dma_wait3A_431 : memref<128x128xi32, #tpu.memory_space<vmem>>) dst(%dma_wait3A_427 : memref<128x128xi32, #tpu.memory_space<hbm>>)
        } else {
        }
        %add3A_352 = arith.constant 1 : i32
        %add3A_353 = arith.addi %while3A_241, %add3A_352 : i32
        %mul3A_354 = arith.constant 128 : i32
        %mul3A_355 = arith.muli %add3A_353, %mul3A_354 : i32
        %min3A_356 = arith.minsi %mul3A_355, %sub3A_35 : i32
        %add3A_357 = arith.addi %multiple_of3A, %min3A_356 : i32
        %multiple_of3A_358 = tpu.assume_multiple %add3A_357, 8 : i32
        %mul3A_359 = arith.constant 128 : i32
        %mul3A_360 = arith.muli %add3A_353, %mul3A_359 : i32
        %min3A_361 = arith.minsi %mul3A_360, %sub3A_35 : i32
        %add3A_362 = arith.addi %multiple_of3A, %min3A_361 : i32
        %multiple_of3A_363 = tpu.assume_multiple %add3A_362, 8 : i32
        %dma_start3A_364 = arith.constant 0 : i32
        %dma_start3A_365 = arith.constant 0 : i32
        %dma_start3A_366 = tpu.memref_slice %arg15[%and3A_247, %dma_start3A_364, %dma_start3A_365] : memref<2x128x128xi32, #tpu.memory_space<vmem>> -> memref<1x128x128xi32, #tpu.memory_space<vmem>>
        %dma_start3A_367 = tpu.memref_squeeze %dma_start3A_366 : memref<1x128x128xi32, #tpu.memory_space<vmem>> -> memref<128x128xi32, #tpu.memory_space<vmem>>
        %dma_start3A_368 = arith.constant 0 : i32
        %dma_start3A_369 = tpu.memref_slice %arg2[%multiple_of3A_358, %dma_start3A_368] : memref<100000x128xi32, #tpu.memory_space<hbm>> -> memref<128x128xi32, #tpu.memory_space<hbm>>
        %dma_start3A_370 = tpu.memref_slice %arg16[%and3A_247] : memref<2x!tpu.dma_semaphore, #tpu.memory_space<semaphore_mem>> -> memref<1x!tpu.dma_semaphore, #tpu.memory_space<semaphore_mem>>
        %dma_start3A_371 = tpu.memref_squeeze %dma_start3A_370 : memref<1x!tpu.dma_semaphore, #tpu.memory_space<semaphore_mem>> -> memref<!tpu.dma_semaphore, #tpu.memory_space<semaphore_mem>>
        %dma_start3A_372 = arith.constant 0 : i32
        %dma_start3A_373 = arith.constant 0 : i32
        %dma_start3A_374 = tpu.memref_slice %arg15[%and3A_247, %dma_start3A_372, %dma_start3A_373] : memref<2x128x128xi32, #tpu.memory_space<vmem>> -> memref<1x128x128xi32, #tpu.memory_space<vmem>>
        %dma_start3A_375 = tpu.memref_squeeze %dma_start3A_374 : memref<1x128x128xi32, #tpu.memory_space<vmem>> -> memref<128x128xi32, #tpu.memory_space<vmem>>
        %dma_start3A_376 = arith.constant 0 : i32
        %dma_start3A_377 = tpu.memref_slice %arg2[%multiple_of3A_358, %dma_start3A_376] : memref<100000x128xi32, #tpu.memory_space<hbm>> -> memref<128x128xi32, #tpu.memory_space<hbm>>
        tpu.enqueue_dma source(%dma_start3A_377 : memref<128x128xi32, #tpu.memory_space<hbm>>) target(%dma_start3A_375 : memref<128x128xi32, #tpu.memory_space<vmem>>) target_semaphore(%dma_start3A_371 : memref<!tpu.dma_semaphore, #tpu.memory_space<semaphore_mem>>)
        %dma_start3A_378 = arith.constant 0 : i32
        %dma_start3A_379 = arith.constant 0 : i32
        %dma_start3A_380 = tpu.memref_slice %arg21[%and3A_247, %dma_start3A_378, %dma_start3A_379] : memref<2x128x128xi32, #tpu.memory_space<vmem>> -> memref<1x128x128xi32, #tpu.memory_space<vmem>>
        %dma_start3A_381 = tpu.memref_squeeze %dma_start3A_380 : memref<1x128x128xi32, #tpu.memory_space<vmem>> -> memref<128x128xi32, #tpu.memory_space<vmem>>
        %dma_start3A_382 = arith.constant 0 : i32
        %dma_start3A_383 = tpu.memref_slice %arg3[%multiple_of3A_363, %dma_start3A_382] : memref<100000x128xi32, #tpu.memory_space<hbm>> -> memref<128x128xi32, #tpu.memory_space<hbm>>
        %dma_start3A_384 = tpu.memref_slice %arg22[%and3A_247] : memref<2x!tpu.dma_semaphore, #tpu.memory_space<semaphore_mem>> -> memref<1x!tpu.dma_semaphore, #tpu.memory_space<semaphore_mem>>
        %dma_start3A_385 = tpu.memref_squeeze %dma_start3A_384 : memref<1x!tpu.dma_semaphore, #tpu.memory_space<semaphore_mem>> -> memref<!tpu.dma_semaphore, #tpu.memory_space<semaphore_mem>>
        %dma_start3A_386 = arith.constant 0 : i32
        %dma_start3A_387 = arith.constant 0 : i32
        %dma_start3A_388 = tpu.memref_slice %arg21[%and3A_247, %dma_start3A_386, %dma_start3A_387] : memref<2x128x128xi32, #tpu.memory_space<vmem>> -> memref<1x128x128xi32, #tpu.memory_space<vmem>>
        %dma_start3A_389 = tpu.memref_squeeze %dma_start3A_388 : memref<1x128x128xi32, #tpu.memory_space<vmem>> -> memref<128x128xi32, #tpu.memory_space<vmem>>
        %dma_start3A_390 = arith.constant 0 : i32
        %dma_start3A_391 = tpu.memref_slice %arg3[%multiple_of3A_363, %dma_start3A_390] : memref<100000x128xi32, #tpu.memory_space<hbm>> -> memref<128x128xi32, #tpu.memory_space<hbm>>
        tpu.enqueue_dma source(%dma_start3A_391 : memref<128x128xi32, #tpu.memory_space<hbm>>) target(%dma_start3A_389 : memref<128x128xi32, #tpu.memory_space<vmem>>) target_semaphore(%dma_start3A_385 : memref<!tpu.dma_semaphore, #tpu.memory_space<semaphore_mem>>)
      } else {
      }
      %mul3A_253 = arith.constant 43 : i32
      %mul3A_254 = arith.muli %while3A_241, %mul3A_253 : i32
      %min3A_255 = arith.constant 1024 : i32
      %min3A_256 = arith.minsi %mul3A_254, %min3A_255 : i32
      %add3A_257 = arith.constant 1 : i32
      %add3A_258 = arith.addi %while3A_241, %add3A_257 : i32
      %mul3A_259 = arith.constant 43 : i32
      %mul3A_260 = arith.muli %add3A_258, %mul3A_259 : i32
      %min3A_261 = arith.constant 1024 : i32
      %min3A_262 = arith.minsi %mul3A_260, %min3A_261 : i32
      %while3A_263 = arith.constant 0 : i32
      %while3A_264 = arith.subi %min3A_262, %min3A_256 : i32
      %while3A_265 = arith.addi %min3A_256, %while3A_264 : i32
      %while3A_266 = arith.constant 1 : i32
      %while3A_267 = arith.divsi %while3A_264, %while3A_266 : i32
      %while3A_268 = arith.muli %while3A_267, %while3A_266 : i32
      %while3A_269 = arith.addi %min3A_256, %while3A_268 : i32
      %while3A_270 = arith.constant 1 : i32
      scf.for %while3A_348 = %min3A_256 to %while3A_269 step %while3A_270  : i32 {
        %mul3A_349 = arith.constant 16 : i32
        %mul3A_350 = arith.muli %while3A_348, %mul3A_349 : i32
        %get3A = arith.index_cast %mul3A_350 : i32 to index
        %get3A_351 = tpu.vector_load %arg9[%get3A] {strides = array<i32>} : memref<16384xi32, #tpu.memory_space<vmem>>, vector<16xi32>,
        %sub3A_352 = vector.broadcast %multiple_of3A : i32 to vector<16xi32>
        %sub3A_353 = arith.subi %get3A_351, %sub3A_352 : vector<16xi32>
        %ge3A = arith.constant 0 : i32
        %ge3A_354 = vector.broadcast %ge3A : i32 to vector<16xi32>
        %ge3A_355 = arith.cmpi sge, %sub3A_353, %ge3A_354 : vector<16xi32>
        %lt3A_356 = vector.broadcast %min3A_4 : i32 to vector<16xi32>
        %lt3A_357 = arith.cmpi slt, %sub3A_353, %lt3A_356 : vector<16xi32>
        %and3A_358 = arith.andi %ge3A_355, %lt3A_357 : vector<16xi1>
        %all_reduce_population_count3A = tpu.all_reduce %and3A_358 {dim = 0 : i64, kind = #tpu.reduction_kind<sum>} : vector<16xi1> -> vector<16xi32>
        %slice3A = vector.extract_strided_slice %all_reduce_population_count3A {offsets = [0], sizes = [1], strides = [1]} : vector<16xi32> to vector<1xi32>
        %squeeze3A = vector.extract %slice3A[0] : i32 from vector<1xi32>
        %add3A_359 = vector.broadcast %mul3A_350 : i32 to vector<16xi32>
        %add3A_360 = arith.addi %add3A_359, %iota3A : vector<16xi32>
        %jit3A_361 = arith.constant 0 : i32
        %broadcast_in_dim3A = vector.broadcast %jit3A_361 : i32 to vector<16xi32>
        %select_n3A_362 = arith.select %and3A_358, %sub3A_353, %broadcast_in_dim3A : vector<16xi1>, vector<16xi32>
        %eq3A = arith.constant 1 : i32
        %eq3A_363 = arith.cmpi eq, %squeeze3A, %eq3A : i32
        %convert_element_type3A_364 = arith.extui %eq3A_363 : i1 to i32
        %cond3A_365 = arith.constant 0 : i32
        %cond3A_366 = arith.cmpi ne, %convert_element_type3A_364, %cond3A_365 : i32
        scf.if %cond3A_366 {
          tpu.vector_store_idx %arg10[%select_n3A_362], %add3A_360 masked %and3A_358 : memref<3136xi32, #tpu.memory_space<vmem>>[vector<16xi32>], vector<16xi32>, vector<16xi1>
        } else {
        }
        %gt3A_367 = arith.constant 1 : i32
        %gt3A_368 = arith.cmpi sgt, %squeeze3A, %gt3A_367 : i32
        %convert_element_type3A_369 = arith.extui %gt3A_368 : i1 to i32
        %cond3A_370 = arith.constant 0 : i32
        %cond3A_371 = arith.cmpi ne, %convert_element_type3A_369, %cond3A_370 : i32
        scf.if %cond3A_371 {
          %jit3A_372 = arith.constant -1 : i32
          %broadcast_in_dim3A_373 = vector.broadcast %jit3A_372 : i32 to vector<16xi32>
          %select_n3A_374 = arith.select %and3A_358, %sub3A_353, %broadcast_in_dim3A_373 : vector<16xi1>, vector<16xi32>
          %broadcast_in_dim3A_375 = arith.constant false
          %broadcast_in_dim3A_376 = vector.broadcast %broadcast_in_dim3A_375 : i1 to vector<16xi1>
          %add3A_377 = arith.constant 1 : i32
          %add3A_378 = vector.broadcast %add3A_377 : i32 to vector<16xi32>
          %add3A_379 = arith.addi %iota3A, %add3A_378 : vector<16xi32>
          %min3A_380 = arith.constant 15 : i32
          %min3A_381 = vector.broadcast %min3A_380 : i32 to vector<16xi32>
          %min3A_382 = arith.minsi %add3A_379, %min3A_381 : vector<16xi32>
          %lt3A_383 = arith.constant 0 : i32
          %lt3A_384 = vector.broadcast %lt3A_383 : i32 to vector<16xi32>
          %lt3A_385 = arith.cmpi slt, %min3A_382, %lt3A_384 : vector<16xi32>
          %add3A_386 = arith.constant 16 : i32
          %add3A_387 = vector.broadcast %add3A_386 : i32 to vector<16xi32>
          %add3A_388 = arith.addi %min3A_382, %add3A_387 : vector<16xi32>
          %select_n3A_389 = arith.select %lt3A_385, %add3A_388, %min3A_382 : vector<16xi1>, vector<16xi32>
          %broadcast_in_dim3A_390 = vector.shape_cast %select_n3A_389 : vector<16xi32> to vector<16x1xi32>
          %gather3A = vector.shape_cast %broadcast_in_dim3A_390 : vector<16x1xi32> to vector<16xi32>
          %gather3A_391 = tpu.dynamic_gather %select_n3A_374[%gather3A] in [0] : vector<16xi32>, vector<16xi32> -> vector<16xi32>
          %lt3A_392 = arith.constant 15 : i32
          %lt3A_393 = vector.broadcast %lt3A_392 : i32 to vector<16xi32>
          %lt3A_394 = arith.cmpi slt, %iota3A, %lt3A_393 : vector<16xi32>
          %eq3A_395 = arith.cmpi eq, %gather3A_391, %select_n3A_374 : vector<16xi32>
          %and3A_396 = arith.andi %lt3A_394, %eq3A_395 : vector<16xi1>
          %or3A = arith.ori %broadcast_in_dim3A_376, %and3A_396 : vector<16xi1>
          %add3A_397 = arith.constant 2 : i32
          %add3A_398 = vector.broadcast %add3A_397 : i32 to vector<16xi32>
          %add3A_399 = arith.addi %iota3A, %add3A_398 : vector<16xi32>
          %min3A_400 = arith.constant 15 : i32
          %min3A_401 = vector.broadcast %min3A_400 : i32 to vector<16xi32>
          %min3A_402 = arith.minsi %add3A_399, %min3A_401 : vector<16xi32>
          %lt3A_403 = arith.constant 0 : i32
          %lt3A_404 = vector.broadcast %lt3A_403 : i32 to vector<16xi32>
          %lt3A_405 = arith.cmpi slt, %min3A_402, %lt3A_404 : vector<16xi32>
          %add3A_406 = arith.constant 16 : i32
          %add3A_407 = vector.broadcast %add3A_406 : i32 to vector<16xi32>
          %add3A_408 = arith.addi %min3A_402, %add3A_407 : vector<16xi32>
          %select_n3A_409 = arith.select %lt3A_405, %add3A_408, %min3A_402 : vector<16xi1>, vector<16xi32>
          %broadcast_in_dim3A_410 = vector.shape_cast %select_n3A_409 : vector<16xi32> to vector<16x1xi32>
          %gather3A_411 = vector.shape_cast %broadcast_in_dim3A_410 : vector<16x1xi32> to vector<16xi32>
          %gather3A_412 = tpu.dynamic_gather %select_n3A_374[%gather3A_411] in [0] : vector<16xi32>, vector<16xi32> -> vector<16xi32>
          %lt3A_413 = arith.constant 14 : i32
          %lt3A_414 = vector.broadcast %lt3A_413 : i32 to vector<16xi32>
          %lt3A_415 = arith.cmpi slt, %iota3A, %lt3A_414 : vector<16xi32>
          %eq3A_416 = arith.cmpi eq, %gather3A_412, %select_n3A_374 : vector<16xi32>
          %and3A_417 = arith.andi %lt3A_415, %eq3A_416 : vector<16xi1>
          %or3A_418 = arith.ori %or3A, %and3A_417 : vector<16xi1>
          %add3A_419 = arith.constant 3 : i32
          %add3A_420 = vector.broadcast %add3A_419 : i32 to vector<16xi32>
          %add3A_421 = arith.addi %iota3A, %add3A_420 : vector<16xi32>
          %min3A_422 = arith.constant 15 : i32
          %min3A_423 = vector.broadcast %min3A_422 : i32 to vector<16xi32>
          %min3A_424 = arith.minsi %add3A_421, %min3A_423 : vector<16xi32>
          %lt3A_425 = arith.constant 0 : i32
          %lt3A_426 = vector.broadcast %lt3A_425 : i32 to vector<16xi32>
          %lt3A_427 = arith.cmpi slt, %min3A_424, %lt3A_426 : vector<16xi32>
          %add3A_428 = arith.constant 16 : i32
          %add3A_429 = vector.broadcast %add3A_428 : i32 to vector<16xi32>
          %add3A_430 = arith.addi %min3A_424, %add3A_429 : vector<16xi32>
          %select_n3A_431 = arith.select %lt3A_427, %add3A_430, %min3A_424 : vector<16xi1>, vector<16xi32>
          %broadcast_in_dim3A_432 = vector.shape_cast %select_n3A_431 : vector<16xi32> to vector<16x1xi32>
          %gather3A_433 = vector.shape_cast %broadcast_in_dim3A_432 : vector<16x1xi32> to vector<16xi32>
          %gather3A_434 = tpu.dynamic_gather %select_n3A_374[%gather3A_433] in [0] : vector<16xi32>, vector<16xi32> -> vector<16xi32>
          %lt3A_435 = arith.constant 13 : i32
          %lt3A_436 = vector.broadcast %lt3A_435 : i32 to vector<16xi32>
          %lt3A_437 = arith.cmpi slt, %iota3A, %lt3A_436 : vector<16xi32>
          %eq3A_438 = arith.cmpi eq, %gather3A_434, %select_n3A_374 : vector<16xi32>
          %and3A_439 = arith.andi %lt3A_437, %eq3A_438 : vector<16xi1>
          %or3A_440 = arith.ori %or3A_418, %and3A_439 : vector<16xi1>
          %add3A_441 = arith.constant 4 : i32
          %add3A_442 = vector.broadcast %add3A_441 : i32 to vector<16xi32>
          %add3A_443 = arith.addi %iota3A, %add3A_442 : vector<16xi32>
          %min3A_444 = arith.constant 15 : i32
          %min3A_445 = vector.broadcast %min3A_444 : i32 to vector<16xi32>
          %min3A_446 = arith.minsi %add3A_443, %min3A_445 : vector<16xi32>
          %lt3A_447 = arith.constant 0 : i32
          %lt3A_448 = vector.broadcast %lt3A_447 : i32 to vector<16xi32>
          %lt3A_449 = arith.cmpi slt, %min3A_446, %lt3A_448 : vector<16xi32>
          %add3A_450 = arith.constant 16 : i32
          %add3A_451 = vector.broadcast %add3A_450 : i32 to vector<16xi32>
          %add3A_452 = arith.addi %min3A_446, %add3A_451 : vector<16xi32>
          %select_n3A_453 = arith.select %lt3A_449, %add3A_452, %min3A_446 : vector<16xi1>, vector<16xi32>
          %broadcast_in_dim3A_454 = vector.shape_cast %select_n3A_453 : vector<16xi32> to vector<16x1xi32>
          %gather3A_455 = vector.shape_cast %broadcast_in_dim3A_454 : vector<16x1xi32> to vector<16xi32>
          %gather3A_456 = tpu.dynamic_gather %select_n3A_374[%gather3A_455] in [0] : vector<16xi32>, vector<16xi32> -> vector<16xi32>
          %lt3A_457 = arith.constant 12 : i32
          %lt3A_458 = vector.broadcast %lt3A_457 : i32 to vector<16xi32>
          %lt3A_459 = arith.cmpi slt, %iota3A, %lt3A_458 : vector<16xi32>
          %eq3A_460 = arith.cmpi eq, %gather3A_456, %select_n3A_374 : vector<16xi32>
          %and3A_461 = arith.andi %lt3A_459, %eq3A_460 : vector<16xi1>
          %or3A_462 = arith.ori %or3A_440, %and3A_461 : vector<16xi1>
          %add3A_463 = arith.constant 5 : i32
          %add3A_464 = vector.broadcast %add3A_463 : i32 to vector<16xi32>
          %add3A_465 = arith.addi %iota3A, %add3A_464 : vector<16xi32>
          %min3A_466 = arith.constant 15 : i32
          %min3A_467 = vector.broadcast %min3A_466 : i32 to vector<16xi32>
          %min3A_468 = arith.minsi %add3A_465, %min3A_467 : vector<16xi32>
          %lt3A_469 = arith.constant 0 : i32
          %lt3A_470 = vector.broadcast %lt3A_469 : i32 to vector<16xi32>
          %lt3A_471 = arith.cmpi slt, %min3A_468, %lt3A_470 : vector<16xi32>
          %add3A_472 = arith.constant 16 : i32
          %add3A_473 = vector.broadcast %add3A_472 : i32 to vector<16xi32>
          %add3A_474 = arith.addi %min3A_468, %add3A_473 : vector<16xi32>
          %select_n3A_475 = arith.select %lt3A_471, %add3A_474, %min3A_468 : vector<16xi1>, vector<16xi32>
          %broadcast_in_dim3A_476 = vector.shape_cast %select_n3A_475 : vector<16xi32> to vector<16x1xi32>
          %gather3A_477 = vector.shape_cast %broadcast_in_dim3A_476 : vector<16x1xi32> to vector<16xi32>
          %gather3A_478 = tpu.dynamic_gather %select_n3A_374[%gather3A_477] in [0] : vector<16xi32>, vector<16xi32> -> vector<16xi32>
          %lt3A_479 = arith.constant 11 : i32
          %lt3A_480 = vector.broadcast %lt3A_479 : i32 to vector<16xi32>
          %lt3A_481 = arith.cmpi slt, %iota3A, %lt3A_480 : vector<16xi32>
          %eq3A_482 = arith.cmpi eq, %gather3A_478, %select_n3A_374 : vector<16xi32>
          %and3A_483 = arith.andi %lt3A_481, %eq3A_482 : vector<16xi1>
          %or3A_484 = arith.ori %or3A_462, %and3A_483 : vector<16xi1>
          %add3A_485 = arith.constant 6 : i32
          %add3A_486 = vector.broadcast %add3A_485 : i32 to vector<16xi32>
          %add3A_487 = arith.addi %iota3A, %add3A_486 : vector<16xi32>
          %min3A_488 = arith.constant 15 : i32
          %min3A_489 = vector.broadcast %min3A_488 : i32 to vector<16xi32>
          %min3A_490 = arith.minsi %add3A_487, %min3A_489 : vector<16xi32>
          %lt3A_491 = arith.constant 0 : i32
          %lt3A_492 = vector.broadcast %lt3A_491 : i32 to vector<16xi32>
          %lt3A_493 = arith.cmpi slt, %min3A_490, %lt3A_492 : vector<16xi32>
          %add3A_494 = arith.constant 16 : i32
          %add3A_495 = vector.broadcast %add3A_494 : i32 to vector<16xi32>
          %add3A_496 = arith.addi %min3A_490, %add3A_495 : vector<16xi32>
          %select_n3A_497 = arith.select %lt3A_493, %add3A_496, %min3A_490 : vector<16xi1>, vector<16xi32>
          %broadcast_in_dim3A_498 = vector.shape_cast %select_n3A_497 : vector<16xi32> to vector<16x1xi32>
          %gather3A_499 = vector.shape_cast %broadcast_in_dim3A_498 : vector<16x1xi32> to vector<16xi32>
          %gather3A_500 = tpu.dynamic_gather %select_n3A_374[%gather3A_499] in [0] : vector<16xi32>, vector<16xi32> -> vector<16xi32>
          %lt3A_501 = arith.constant 10 : i32
          %lt3A_502 = vector.broadcast %lt3A_501 : i32 to vector<16xi32>
          %lt3A_503 = arith.cmpi slt, %iota3A, %lt3A_502 : vector<16xi32>
          %eq3A_504 = arith.cmpi eq, %gather3A_500, %select_n3A_374 : vector<16xi32>
          %and3A_505 = arith.andi %lt3A_503, %eq3A_504 : vector<16xi1>
          %or3A_506 = arith.ori %or3A_484, %and3A_505 : vector<16xi1>
          %add3A_507 = arith.constant 7 : i32
          %add3A_508 = vector.broadcast %add3A_507 : i32 to vector<16xi32>
          %add3A_509 = arith.addi %iota3A, %add3A_508 : vector<16xi32>
          %min3A_510 = arith.constant 15 : i32
          %min3A_511 = vector.broadcast %min3A_510 : i32 to vector<16xi32>
          %min3A_512 = arith.minsi %add3A_509, %min3A_511 : vector<16xi32>
          %lt3A_513 = arith.constant 0 : i32
          %lt3A_514 = vector.broadcast %lt3A_513 : i32 to vector<16xi32>
          %lt3A_515 = arith.cmpi slt, %min3A_512, %lt3A_514 : vector<16xi32>
          %add3A_516 = arith.constant 16 : i32
          %add3A_517 = vector.broadcast %add3A_516 : i32 to vector<16xi32>
          %add3A_518 = arith.addi %min3A_512, %add3A_517 : vector<16xi32>
          %select_n3A_519 = arith.select %lt3A_515, %add3A_518, %min3A_512 : vector<16xi1>, vector<16xi32>
          %broadcast_in_dim3A_520 = vector.shape_cast %select_n3A_519 : vector<16xi32> to vector<16x1xi32>
          %gather3A_521 = vector.shape_cast %broadcast_in_dim3A_520 : vector<16x1xi32> to vector<16xi32>
          %gather3A_522 = tpu.dynamic_gather %select_n3A_374[%gather3A_521] in [0] : vector<16xi32>, vector<16xi32> -> vector<16xi32>
          %lt3A_523 = arith.constant 9 : i32
          %lt3A_524 = vector.broadcast %lt3A_523 : i32 to vector<16xi32>
          %lt3A_525 = arith.cmpi slt, %iota3A, %lt3A_524 : vector<16xi32>
          %eq3A_526 = arith.cmpi eq, %gather3A_522, %select_n3A_374 : vector<16xi32>
          %and3A_527 = arith.andi %lt3A_525, %eq3A_526 : vector<16xi1>
          %or3A_528 = arith.ori %or3A_506, %and3A_527 : vector<16xi1>
          %add3A_529 = arith.constant 8 : i32
          %add3A_530 = vector.broadcast %add3A_529 : i32 to vector<16xi32>
          %add3A_531 = arith.addi %iota3A, %add3A_530 : vector<16xi32>
          %min3A_532 = arith.constant 15 : i32
          %min3A_533 = vector.broadcast %min3A_532 : i32 to vector<16xi32>
          %min3A_534 = arith.minsi %add3A_531, %min3A_533 : vector<16xi32>
          %lt3A_535 = arith.constant 0 : i32
          %lt3A_536 = vector.broadcast %lt3A_535 : i32 to vector<16xi32>
          %lt3A_537 = arith.cmpi slt, %min3A_534, %lt3A_536 : vector<16xi32>
          %add3A_538 = arith.constant 16 : i32
          %add3A_539 = vector.broadcast %add3A_538 : i32 to vector<16xi32>
          %add3A_540 = arith.addi %min3A_534, %add3A_539 : vector<16xi32>
          %select_n3A_541 = arith.select %lt3A_537, %add3A_540, %min3A_534 : vector<16xi1>, vector<16xi32>
          %broadcast_in_dim3A_542 = vector.shape_cast %select_n3A_541 : vector<16xi32> to vector<16x1xi32>
          %gather3A_543 = vector.shape_cast %broadcast_in_dim3A_542 : vector<16x1xi32> to vector<16xi32>
          %gather3A_544 = tpu.dynamic_gather %select_n3A_374[%gather3A_543] in [0] : vector<16xi32>, vector<16xi32> -> vector<16xi32>
          %lt3A_545 = arith.constant 8 : i32
          %lt3A_546 = vector.broadcast %lt3A_545 : i32 to vector<16xi32>
          %lt3A_547 = arith.cmpi slt, %iota3A, %lt3A_546 : vector<16xi32>
          %eq3A_548 = arith.cmpi eq, %gather3A_544, %select_n3A_374 : vector<16xi32>
          %and3A_549 = arith.andi %lt3A_547, %eq3A_548 : vector<16xi1>
          %or3A_550 = arith.ori %or3A_528, %and3A_549 : vector<16xi1>
          %add3A_551 = arith.constant 9 : i32
          %add3A_552 = vector.broadcast %add3A_551 : i32 to vector<16xi32>
          %add3A_553 = arith.addi %iota3A, %add3A_552 : vector<16xi32>
          %min3A_554 = arith.constant 15 : i32
          %min3A_555 = vector.broadcast %min3A_554 : i32 to vector<16xi32>
          %min3A_556 = arith.minsi %add3A_553, %min3A_555 : vector<16xi32>
          %lt3A_557 = arith.constant 0 : i32
          %lt3A_558 = vector.broadcast %lt3A_557 : i32 to vector<16xi32>
          %lt3A_559 = arith.cmpi slt, %min3A_556, %lt3A_558 : vector<16xi32>
          %add3A_560 = arith.constant 16 : i32
          %add3A_561 = vector.broadcast %add3A_560 : i32 to vector<16xi32>
          %add3A_562 = arith.addi %min3A_556, %add3A_561 : vector<16xi32>
          %select_n3A_563 = arith.select %lt3A_559, %add3A_562, %min3A_556 : vector<16xi1>, vector<16xi32>
          %broadcast_in_dim3A_564 = vector.shape_cast %select_n3A_563 : vector<16xi32> to vector<16x1xi32>
          %gather3A_565 = vector.shape_cast %broadcast_in_dim3A_564 : vector<16x1xi32> to vector<16xi32>
          %gather3A_566 = tpu.dynamic_gather %select_n3A_374[%gather3A_565] in [0] : vector<16xi32>, vector<16xi32> -> vector<16xi32>
          %lt3A_567 = arith.constant 7 : i32
          %lt3A_568 = vector.broadcast %lt3A_567 : i32 to vector<16xi32>
          %lt3A_569 = arith.cmpi slt, %iota3A, %lt3A_568 : vector<16xi32>
          %eq3A_570 = arith.cmpi eq, %gather3A_566, %select_n3A_374 : vector<16xi32>
          %and3A_571 = arith.andi %lt3A_569, %eq3A_570 : vector<16xi1>
          %or3A_572 = arith.ori %or3A_550, %and3A_571 : vector<16xi1>
          %add3A_573 = arith.constant 10 : i32
          %add3A_574 = vector.broadcast %add3A_573 : i32 to vector<16xi32>
          %add3A_575 = arith.addi %iota3A, %add3A_574 : vector<16xi32>
          %min3A_576 = arith.constant 15 : i32
          %min3A_577 = vector.broadcast %min3A_576 : i32 to vector<16xi32>
          %min3A_578 = arith.minsi %add3A_575, %min3A_577 : vector<16xi32>
          %lt3A_579 = arith.constant 0 : i32
          %lt3A_580 = vector.broadcast %lt3A_579 : i32 to vector<16xi32>
          %lt3A_581 = arith.cmpi slt, %min3A_578, %lt3A_580 : vector<16xi32>
          %add3A_582 = arith.constant 16 : i32
          %add3A_583 = vector.broadcast %add3A_582 : i32 to vector<16xi32>
          %add3A_584 = arith.addi %min3A_578, %add3A_583 : vector<16xi32>
          %select_n3A_585 = arith.select %lt3A_581, %add3A_584, %min3A_578 : vector<16xi1>, vector<16xi32>
          %broadcast_in_dim3A_586 = vector.shape_cast %select_n3A_585 : vector<16xi32> to vector<16x1xi32>
          %gather3A_587 = vector.shape_cast %broadcast_in_dim3A_586 : vector<16x1xi32> to vector<16xi32>
          %gather3A_588 = tpu.dynamic_gather %select_n3A_374[%gather3A_587] in [0] : vector<16xi32>, vector<16xi32> -> vector<16xi32>
          %lt3A_589 = arith.constant 6 : i32
          %lt3A_590 = vector.broadcast %lt3A_589 : i32 to vector<16xi32>
          %lt3A_591 = arith.cmpi slt, %iota3A, %lt3A_590 : vector<16xi32>
          %eq3A_592 = arith.cmpi eq, %gather3A_588, %select_n3A_374 : vector<16xi32>
          %and3A_593 = arith.andi %lt3A_591, %eq3A_592 : vector<16xi1>
          %or3A_594 = arith.ori %or3A_572, %and3A_593 : vector<16xi1>
          %add3A_595 = arith.constant 11 : i32
          %add3A_596 = vector.broadcast %add3A_595 : i32 to vector<16xi32>
          %add3A_597 = arith.addi %iota3A, %add3A_596 : vector<16xi32>
          %min3A_598 = arith.constant 15 : i32
          %min3A_599 = vector.broadcast %min3A_598 : i32 to vector<16xi32>
          %min3A_600 = arith.minsi %add3A_597, %min3A_599 : vector<16xi32>
          %lt3A_601 = arith.constant 0 : i32
          %lt3A_602 = vector.broadcast %lt3A_601 : i32 to vector<16xi32>
          %lt3A_603 = arith.cmpi slt, %min3A_600, %lt3A_602 : vector<16xi32>
          %add3A_604 = arith.constant 16 : i32
          %add3A_605 = vector.broadcast %add3A_604 : i32 to vector<16xi32>
          %add3A_606 = arith.addi %min3A_600, %add3A_605 : vector<16xi32>
          %select_n3A_607 = arith.select %lt3A_603, %add3A_606, %min3A_600 : vector<16xi1>, vector<16xi32>
          %broadcast_in_dim3A_608 = vector.shape_cast %select_n3A_607 : vector<16xi32> to vector<16x1xi32>
          %gather3A_609 = vector.shape_cast %broadcast_in_dim3A_608 : vector<16x1xi32> to vector<16xi32>
          %gather3A_610 = tpu.dynamic_gather %select_n3A_374[%gather3A_609] in [0] : vector<16xi32>, vector<16xi32> -> vector<16xi32>
          %lt3A_611 = arith.constant 5 : i32
          %lt3A_612 = vector.broadcast %lt3A_611 : i32 to vector<16xi32>
          %lt3A_613 = arith.cmpi slt, %iota3A, %lt3A_612 : vector<16xi32>
          %eq3A_614 = arith.cmpi eq, %gather3A_610, %select_n3A_374 : vector<16xi32>
          %and3A_615 = arith.andi %lt3A_613, %eq3A_614 : vector<16xi1>
          %or3A_616 = arith.ori %or3A_594, %and3A_615 : vector<16xi1>
          %add3A_617 = arith.constant 12 : i32
          %add3A_618 = vector.broadcast %add3A_617 : i32 to vector<16xi32>
          %add3A_619 = arith.addi %iota3A, %add3A_618 : vector<16xi32>
          %min3A_620 = arith.constant 15 : i32
          %min3A_621 = vector.broadcast %min3A_620 : i32 to vector<16xi32>
          %min3A_622 = arith.minsi %add3A_619, %min3A_621 : vector<16xi32>
          %lt3A_623 = arith.constant 0 : i32
          %lt3A_624 = vector.broadcast %lt3A_623 : i32 to vector<16xi32>
          %lt3A_625 = arith.cmpi slt, %min3A_622, %lt3A_624 : vector<16xi32>
          %add3A_626 = arith.constant 16 : i32
          %add3A_627 = vector.broadcast %add3A_626 : i32 to vector<16xi32>
          %add3A_628 = arith.addi %min3A_622, %add3A_627 : vector<16xi32>
          %select_n3A_629 = arith.select %lt3A_625, %add3A_628, %min3A_622 : vector<16xi1>, vector<16xi32>
          %broadcast_in_dim3A_630 = vector.shape_cast %select_n3A_629 : vector<16xi32> to vector<16x1xi32>
          %gather3A_631 = vector.shape_cast %broadcast_in_dim3A_630 : vector<16x1xi32> to vector<16xi32>
          %gather3A_632 = tpu.dynamic_gather %select_n3A_374[%gather3A_631] in [0] : vector<16xi32>, vector<16xi32> -> vector<16xi32>
          %lt3A_633 = arith.constant 4 : i32
          %lt3A_634 = vector.broadcast %lt3A_633 : i32 to vector<16xi32>
          %lt3A_635 = arith.cmpi slt, %iota3A, %lt3A_634 : vector<16xi32>
          %eq3A_636 = arith.cmpi eq, %gather3A_632, %select_n3A_374 : vector<16xi32>
          %and3A_637 = arith.andi %lt3A_635, %eq3A_636 : vector<16xi1>
          %or3A_638 = arith.ori %or3A_616, %and3A_637 : vector<16xi1>
          %add3A_639 = arith.constant 13 : i32
          %add3A_640 = vector.broadcast %add3A_639 : i32 to vector<16xi32>
          %add3A_641 = arith.addi %iota3A, %add3A_640 : vector<16xi32>
          %min3A_642 = arith.constant 15 : i32
          %min3A_643 = vector.broadcast %min3A_642 : i32 to vector<16xi32>
          %min3A_644 = arith.minsi %add3A_641, %min3A_643 : vector<16xi32>
          %lt3A_645 = arith.constant 0 : i32
          %lt3A_646 = vector.broadcast %lt3A_645 : i32 to vector<16xi32>
          %lt3A_647 = arith.cmpi slt, %min3A_644, %lt3A_646 : vector<16xi32>
          %add3A_648 = arith.constant 16 : i32
          %add3A_649 = vector.broadcast %add3A_648 : i32 to vector<16xi32>
          %add3A_650 = arith.addi %min3A_644, %add3A_649 : vector<16xi32>
          %select_n3A_651 = arith.select %lt3A_647, %add3A_650, %min3A_644 : vector<16xi1>, vector<16xi32>
          %broadcast_in_dim3A_652 = vector.shape_cast %select_n3A_651 : vector<16xi32> to vector<16x1xi32>
          %gather3A_653 = vector.shape_cast %broadcast_in_dim3A_652 : vector<16x1xi32> to vector<16xi32>
          %gather3A_654 = tpu.dynamic_gather %select_n3A_374[%gather3A_653] in [0] : vector<16xi32>, vector<16xi32> -> vector<16xi32>
          %lt3A_655 = arith.constant 3 : i32
          %lt3A_656 = vector.broadcast %lt3A_655 : i32 to vector<16xi32>
          %lt3A_657 = arith.cmpi slt, %iota3A, %lt3A_656 : vector<16xi32>
          %eq3A_658 = arith.cmpi eq, %gather3A_654, %select_n3A_374 : vector<16xi32>
          %and3A_659 = arith.andi %lt3A_657, %eq3A_658 : vector<16xi1>
          %or3A_660 = arith.ori %or3A_638, %and3A_659 : vector<16xi1>
          %add3A_661 = arith.constant 14 : i32
          %add3A_662 = vector.broadcast %add3A_661 : i32 to vector<16xi32>
          %add3A_663 = arith.addi %iota3A, %add3A_662 : vector<16xi32>
          %min3A_664 = arith.constant 15 : i32
          %min3A_665 = vector.broadcast %min3A_664 : i32 to vector<16xi32>
          %min3A_666 = arith.minsi %add3A_663, %min3A_665 : vector<16xi32>
          %lt3A_667 = arith.constant 0 : i32
          %lt3A_668 = vector.broadcast %lt3A_667 : i32 to vector<16xi32>
          %lt3A_669 = arith.cmpi slt, %min3A_666, %lt3A_668 : vector<16xi32>
          %add3A_670 = arith.constant 16 : i32
          %add3A_671 = vector.broadcast %add3A_670 : i32 to vector<16xi32>
          %add3A_672 = arith.addi %min3A_666, %add3A_671 : vector<16xi32>
          %select_n3A_673 = arith.select %lt3A_669, %add3A_672, %min3A_666 : vector<16xi1>, vector<16xi32>
          %broadcast_in_dim3A_674 = vector.shape_cast %select_n3A_673 : vector<16xi32> to vector<16x1xi32>
          %gather3A_675 = vector.shape_cast %broadcast_in_dim3A_674 : vector<16x1xi32> to vector<16xi32>
          %gather3A_676 = tpu.dynamic_gather %select_n3A_374[%gather3A_675] in [0] : vector<16xi32>, vector<16xi32> -> vector<16xi32>
          %lt3A_677 = arith.constant 2 : i32
          %lt3A_678 = vector.broadcast %lt3A_677 : i32 to vector<16xi32>
          %lt3A_679 = arith.cmpi slt, %iota3A, %lt3A_678 : vector<16xi32>
          %eq3A_680 = arith.cmpi eq, %gather3A_676, %select_n3A_374 : vector<16xi32>
          %and3A_681 = arith.andi %lt3A_679, %eq3A_680 : vector<16xi1>
          %or3A_682 = arith.ori %or3A_660, %and3A_681 : vector<16xi1>
          %add3A_683 = arith.constant 15 : i32
          %add3A_684 = vector.broadcast %add3A_683 : i32 to vector<16xi32>
          %add3A_685 = arith.addi %iota3A, %add3A_684 : vector<16xi32>
          %min3A_686 = arith.constant 15 : i32
          %min3A_687 = vector.broadcast %min3A_686 : i32 to vector<16xi32>
          %min3A_688 = arith.minsi %add3A_685, %min3A_687 : vector<16xi32>
          %lt3A_689 = arith.constant 0 : i32
          %lt3A_690 = vector.broadcast %lt3A_689 : i32 to vector<16xi32>
          %lt3A_691 = arith.cmpi slt, %min3A_688, %lt3A_690 : vector<16xi32>
          %add3A_692 = arith.constant 16 : i32
          %add3A_693 = vector.broadcast %add3A_692 : i32 to vector<16xi32>
          %add3A_694 = arith.addi %min3A_688, %add3A_693 : vector<16xi32>
          %select_n3A_695 = arith.select %lt3A_691, %add3A_694, %min3A_688 : vector<16xi1>, vector<16xi32>
          %broadcast_in_dim3A_696 = vector.shape_cast %select_n3A_695 : vector<16xi32> to vector<16x1xi32>
          %gather3A_697 = vector.shape_cast %broadcast_in_dim3A_696 : vector<16x1xi32> to vector<16xi32>
          %gather3A_698 = tpu.dynamic_gather %select_n3A_374[%gather3A_697] in [0] : vector<16xi32>, vector<16xi32> -> vector<16xi32>
          %lt3A_699 = arith.constant 1 : i32
          %lt3A_700 = vector.broadcast %lt3A_699 : i32 to vector<16xi32>
          %lt3A_701 = arith.cmpi slt, %iota3A, %lt3A_700 : vector<16xi32>
          %eq3A_702 = arith.cmpi eq, %gather3A_698, %select_n3A_374 : vector<16xi32>
          %and3A_703 = arith.andi %lt3A_701, %eq3A_702 : vector<16xi1>
          %or3A_704 = arith.ori %or3A_682, %and3A_703 : vector<16xi1>
          %not3A = arith.constant dense<true> : vector<16xi1>
          %not3A_705 = arith.xori %or3A_704, %not3A : vector<16xi1>
          %and3A_706 = arith.andi %and3A_358, %not3A_705 : vector<16xi1>
          tpu.vector_store_idx %arg10[%select_n3A_362], %add3A_360 masked %and3A_706 : memref<3136xi32, #tpu.memory_space<vmem>>[vector<16xi32>], vector<16xi32>, vector<16xi1>
        } else {
        }
      }
      %while3A_271 = arith.constant 1 : i32
      scf.for %while3A_348 = %while3A_269 to %while3A_265 step %while3A_271  : i32 {
        %mul3A_349 = arith.constant 16 : i32
        %mul3A_350 = arith.muli %while3A_348, %mul3A_349 : i32
        %get3A = arith.index_cast %mul3A_350 : i32 to index
        %get3A_351 = tpu.vector_load %arg9[%get3A] {strides = array<i32>} : memref<16384xi32, #tpu.memory_space<vmem>>, vector<16xi32>,
        %sub3A_352 = vector.broadcast %multiple_of3A : i32 to vector<16xi32>
        %sub3A_353 = arith.subi %get3A_351, %sub3A_352 : vector<16xi32>
        %ge3A = arith.constant 0 : i32
        %ge3A_354 = vector.broadcast %ge3A : i32 to vector<16xi32>
        %ge3A_355 = arith.cmpi sge, %sub3A_353, %ge3A_354 : vector<16xi32>
        %lt3A_356 = vector.broadcast %min3A_4 : i32 to vector<16xi32>
        %lt3A_357 = arith.cmpi slt, %sub3A_353, %lt3A_356 : vector<16xi32>
        %and3A_358 = arith.andi %ge3A_355, %lt3A_357 : vector<16xi1>
        %all_reduce_population_count3A = tpu.all_reduce %and3A_358 {dim = 0 : i64, kind = #tpu.reduction_kind<sum>} : vector<16xi1> -> vector<16xi32>
        %slice3A = vector.extract_strided_slice %all_reduce_population_count3A {offsets = [0], sizes = [1], strides = [1]} : vector<16xi32> to vector<1xi32>
        %squeeze3A = vector.extract %slice3A[0] : i32 from vector<1xi32>
        %add3A_359 = vector.broadcast %mul3A_350 : i32 to vector<16xi32>
        %add3A_360 = arith.addi %add3A_359, %iota3A : vector<16xi32>
        %jit3A_361 = arith.constant 0 : i32
        %broadcast_in_dim3A = vector.broadcast %jit3A_361 : i32 to vector<16xi32>
        %select_n3A_362 = arith.select %and3A_358, %sub3A_353, %broadcast_in_dim3A : vector<16xi1>, vector<16xi32>
        %eq3A = arith.constant 1 : i32
        %eq3A_363 = arith.cmpi eq, %squeeze3A, %eq3A : i32
        %convert_element_type3A_364 = arith.extui %eq3A_363 : i1 to i32
        %cond3A_365 = arith.constant 0 : i32
        %cond3A_366 = arith.cmpi ne, %convert_element_type3A_364, %cond3A_365 : i32
        scf.if %cond3A_366 {
          tpu.vector_store_idx %arg10[%select_n3A_362], %add3A_360 masked %and3A_358 : memref<3136xi32, #tpu.memory_space<vmem>>[vector<16xi32>], vector<16xi32>, vector<16xi1>
        } else {
        }
        %gt3A_367 = arith.constant 1 : i32
        %gt3A_368 = arith.cmpi sgt, %squeeze3A, %gt3A_367 : i32
        %convert_element_type3A_369 = arith.extui %gt3A_368 : i1 to i32
        %cond3A_370 = arith.constant 0 : i32
        %cond3A_371 = arith.cmpi ne, %convert_element_type3A_369, %cond3A_370 : i32
        scf.if %cond3A_371 {
          %jit3A_372 = arith.constant -1 : i32
          %broadcast_in_dim3A_373 = vector.broadcast %jit3A_372 : i32 to vector<16xi32>
          %select_n3A_374 = arith.select %and3A_358, %sub3A_353, %broadcast_in_dim3A_373 : vector<16xi1>, vector<16xi32>
          %broadcast_in_dim3A_375 = arith.constant false
          %broadcast_in_dim3A_376 = vector.broadcast %broadcast_in_dim3A_375 : i1 to vector<16xi1>
          %add3A_377 = arith.constant 1 : i32
          %add3A_378 = vector.broadcast %add3A_377 : i32 to vector<16xi32>
          %add3A_379 = arith.addi %iota3A, %add3A_378 : vector<16xi32>
          %min3A_380 = arith.constant 15 : i32
          %min3A_381 = vector.broadcast %min3A_380 : i32 to vector<16xi32>
          %min3A_382 = arith.minsi %add3A_379, %min3A_381 : vector<16xi32>
          %lt3A_383 = arith.constant 0 : i32
          %lt3A_384 = vector.broadcast %lt3A_383 : i32 to vector<16xi32>
          %lt3A_385 = arith.cmpi slt, %min3A_382, %lt3A_384 : vector<16xi32>
          %add3A_386 = arith.constant 16 : i32
          %add3A_387 = vector.broadcast %add3A_386 : i32 to vector<16xi32>
          %add3A_388 = arith.addi %min3A_382, %add3A_387 : vector<16xi32>
          %select_n3A_389 = arith.select %lt3A_385, %add3A_388, %min3A_382 : vector<16xi1>, vector<16xi32>
          %broadcast_in_dim3A_390 = vector.shape_cast %select_n3A_389 : vector<16xi32> to vector<16x1xi32>
          %gather3A = vector.shape_cast %broadcast_in_dim3A_390 : vector<16x1xi32> to vector<16xi32>
          %gather3A_391 = tpu.dynamic_gather %select_n3A_374[%gather3A] in [0] : vector<16xi32>, vector<16xi32> -> vector<16xi32>
          %lt3A_392 = arith.constant 15 : i32
          %lt3A_393 = vector.broadcast %lt3A_392 : i32 to vector<16xi32>
          %lt3A_394 = arith.cmpi slt, %iota3A, %lt3A_393 : vector<16xi32>
          %eq3A_395 = arith.cmpi eq, %gather3A_391, %select_n3A_374 : vector<16xi32>
          %and3A_396 = arith.andi %lt3A_394, %eq3A_395 : vector<16xi1>
          %or3A = arith.ori %broadcast_in_dim3A_376, %and3A_396 : vector<16xi1>
          %add3A_397 = arith.constant 2 : i32
          %add3A_398 = vector.broadcast %add3A_397 : i32 to vector<16xi32>
          %add3A_399 = arith.addi %iota3A, %add3A_398 : vector<16xi32>
          %min3A_400 = arith.constant 15 : i32
          %min3A_401 = vector.broadcast %min3A_400 : i32 to vector<16xi32>
          %min3A_402 = arith.minsi %add3A_399, %min3A_401 : vector<16xi32>
          %lt3A_403 = arith.constant 0 : i32
          %lt3A_404 = vector.broadcast %lt3A_403 : i32 to vector<16xi32>
          %lt3A_405 = arith.cmpi slt, %min3A_402, %lt3A_404 : vector<16xi32>
          %add3A_406 = arith.constant 16 : i32
          %add3A_407 = vector.broadcast %add3A_406 : i32 to vector<16xi32>
          %add3A_408 = arith.addi %min3A_402, %add3A_407 : vector<16xi32>
          %select_n3A_409 = arith.select %lt3A_405, %add3A_408, %min3A_402 : vector<16xi1>, vector<16xi32>
          %broadcast_in_dim3A_410 = vector.shape_cast %select_n3A_409 : vector<16xi32> to vector<16x1xi32>
          %gather3A_411 = vector.shape_cast %broadcast_in_dim3A_410 : vector<16x1xi32> to vector<16xi32>
          %gather3A_412 = tpu.dynamic_gather %select_n3A_374[%gather3A_411] in [0] : vector<16xi32>, vector<16xi32> -> vector<16xi32>
          %lt3A_413 = arith.constant 14 : i32
          %lt3A_414 = vector.broadcast %lt3A_413 : i32 to vector<16xi32>
          %lt3A_415 = arith.cmpi slt, %iota3A, %lt3A_414 : vector<16xi32>
          %eq3A_416 = arith.cmpi eq, %gather3A_412, %select_n3A_374 : vector<16xi32>
          %and3A_417 = arith.andi %lt3A_415, %eq3A_416 : vector<16xi1>
          %or3A_418 = arith.ori %or3A, %and3A_417 : vector<16xi1>
          %add3A_419 = arith.constant 3 : i32
          %add3A_420 = vector.broadcast %add3A_419 : i32 to vector<16xi32>
          %add3A_421 = arith.addi %iota3A, %add3A_420 : vector<16xi32>
          %min3A_422 = arith.constant 15 : i32
          %min3A_423 = vector.broadcast %min3A_422 : i32 to vector<16xi32>
          %min3A_424 = arith.minsi %add3A_421, %min3A_423 : vector<16xi32>
          %lt3A_425 = arith.constant 0 : i32
          %lt3A_426 = vector.broadcast %lt3A_425 : i32 to vector<16xi32>
          %lt3A_427 = arith.cmpi slt, %min3A_424, %lt3A_426 : vector<16xi32>
          %add3A_428 = arith.constant 16 : i32
          %add3A_429 = vector.broadcast %add3A_428 : i32 to vector<16xi32>
          %add3A_430 = arith.addi %min3A_424, %add3A_429 : vector<16xi32>
          %select_n3A_431 = arith.select %lt3A_427, %add3A_430, %min3A_424 : vector<16xi1>, vector<16xi32>
          %broadcast_in_dim3A_432 = vector.shape_cast %select_n3A_431 : vector<16xi32> to vector<16x1xi32>
          %gather3A_433 = vector.shape_cast %broadcast_in_dim3A_432 : vector<16x1xi32> to vector<16xi32>
          %gather3A_434 = tpu.dynamic_gather %select_n3A_374[%gather3A_433] in [0] : vector<16xi32>, vector<16xi32> -> vector<16xi32>
          %lt3A_435 = arith.constant 13 : i32
          %lt3A_436 = vector.broadcast %lt3A_435 : i32 to vector<16xi32>
          %lt3A_437 = arith.cmpi slt, %iota3A, %lt3A_436 : vector<16xi32>
          %eq3A_438 = arith.cmpi eq, %gather3A_434, %select_n3A_374 : vector<16xi32>
          %and3A_439 = arith.andi %lt3A_437, %eq3A_438 : vector<16xi1>
          %or3A_440 = arith.ori %or3A_418, %and3A_439 : vector<16xi1>
          %add3A_441 = arith.constant 4 : i32
          %add3A_442 = vector.broadcast %add3A_441 : i32 to vector<16xi32>
          %add3A_443 = arith.addi %iota3A, %add3A_442 : vector<16xi32>
          %min3A_444 = arith.constant 15 : i32
          %min3A_445 = vector.broadcast %min3A_444 : i32 to vector<16xi32>
          %min3A_446 = arith.minsi %add3A_443, %min3A_445 : vector<16xi32>
          %lt3A_447 = arith.constant 0 : i32
          %lt3A_448 = vector.broadcast %lt3A_447 : i32 to vector<16xi32>
          %lt3A_449 = arith.cmpi slt, %min3A_446, %lt3A_448 : vector<16xi32>
          %add3A_450 = arith.constant 16 : i32
          %add3A_451 = vector.broadcast %add3A_450 : i32 to vector<16xi32>
          %add3A_452 = arith.addi %min3A_446, %add3A_451 : vector<16xi32>
          %select_n3A_453 = arith.select %lt3A_449, %add3A_452, %min3A_446 : vector<16xi1>, vector<16xi32>
          %broadcast_in_dim3A_454 = vector.shape_cast %select_n3A_453 : vector<16xi32> to vector<16x1xi32>
          %gather3A_455 = vector.shape_cast %broadcast_in_dim3A_454 : vector<16x1xi32> to vector<16xi32>
          %gather3A_456 = tpu.dynamic_gather %select_n3A_374[%gather3A_455] in [0] : vector<16xi32>, vector<16xi32> -> vector<16xi32>
          %lt3A_457 = arith.constant 12 : i32
          %lt3A_458 = vector.broadcast %lt3A_457 : i32 to vector<16xi32>
          %lt3A_459 = arith.cmpi slt, %iota3A, %lt3A_458 : vector<16xi32>
          %eq3A_460 = arith.cmpi eq, %gather3A_456, %select_n3A_374 : vector<16xi32>
          %and3A_461 = arith.andi %lt3A_459, %eq3A_460 : vector<16xi1>
          %or3A_462 = arith.ori %or3A_440, %and3A_461 : vector<16xi1>
          %add3A_463 = arith.constant 5 : i32
          %add3A_464 = vector.broadcast %add3A_463 : i32 to vector<16xi32>
          %add3A_465 = arith.addi %iota3A, %add3A_464 : vector<16xi32>
          %min3A_466 = arith.constant 15 : i32
          %min3A_467 = vector.broadcast %min3A_466 : i32 to vector<16xi32>
          %min3A_468 = arith.minsi %add3A_465, %min3A_467 : vector<16xi32>
          %lt3A_469 = arith.constant 0 : i32
          %lt3A_470 = vector.broadcast %lt3A_469 : i32 to vector<16xi32>
          %lt3A_471 = arith.cmpi slt, %min3A_468, %lt3A_470 : vector<16xi32>
          %add3A_472 = arith.constant 16 : i32
          %add3A_473 = vector.broadcast %add3A_472 : i32 to vector<16xi32>
          %add3A_474 = arith.addi %min3A_468, %add3A_473 : vector<16xi32>
          %select_n3A_475 = arith.select %lt3A_471, %add3A_474, %min3A_468 : vector<16xi1>, vector<16xi32>
          %broadcast_in_dim3A_476 = vector.shape_cast %select_n3A_475 : vector<16xi32> to vector<16x1xi32>
          %gather3A_477 = vector.shape_cast %broadcast_in_dim3A_476 : vector<16x1xi32> to vector<16xi32>
          %gather3A_478 = tpu.dynamic_gather %select_n3A_374[%gather3A_477] in [0] : vector<16xi32>, vector<16xi32> -> vector<16xi32>
          %lt3A_479 = arith.constant 11 : i32
          %lt3A_480 = vector.broadcast %lt3A_479 : i32 to vector<16xi32>
          %lt3A_481 = arith.cmpi slt, %iota3A, %lt3A_480 : vector<16xi32>
          %eq3A_482 = arith.cmpi eq, %gather3A_478, %select_n3A_374 : vector<16xi32>
          %and3A_483 = arith.andi %lt3A_481, %eq3A_482 : vector<16xi1>
          %or3A_484 = arith.ori %or3A_462, %and3A_483 : vector<16xi1>
          %add3A_485 = arith.constant 6 : i32
          %add3A_486 = vector.broadcast %add3A_485 : i32 to vector<16xi32>
          %add3A_487 = arith.addi %iota3A, %add3A_486 : vector<16xi32>
          %min3A_488 = arith.constant 15 : i32
          %min3A_489 = vector.broadcast %min3A_488 : i32 to vector<16xi32>
          %min3A_490 = arith.minsi %add3A_487, %min3A_489 : vector<16xi32>
          %lt3A_491 = arith.constant 0 : i32
          %lt3A_492 = vector.broadcast %lt3A_491 : i32 to vector<16xi32>
          %lt3A_493 = arith.cmpi slt, %min3A_490, %lt3A_492 : vector<16xi32>
          %add3A_494 = arith.constant 16 : i32
          %add3A_495 = vector.broadcast %add3A_494 : i32 to vector<16xi32>
          %add3A_496 = arith.addi %min3A_490, %add3A_495 : vector<16xi32>
          %select_n3A_497 = arith.select %lt3A_493, %add3A_496, %min3A_490 : vector<16xi1>, vector<16xi32>
          %broadcast_in_dim3A_498 = vector.shape_cast %select_n3A_497 : vector<16xi32> to vector<16x1xi32>
          %gather3A_499 = vector.shape_cast %broadcast_in_dim3A_498 : vector<16x1xi32> to vector<16xi32>
          %gather3A_500 = tpu.dynamic_gather %select_n3A_374[%gather3A_499] in [0] : vector<16xi32>, vector<16xi32> -> vector<16xi32>
          %lt3A_501 = arith.constant 10 : i32
          %lt3A_502 = vector.broadcast %lt3A_501 : i32 to vector<16xi32>
          %lt3A_503 = arith.cmpi slt, %iota3A, %lt3A_502 : vector<16xi32>
          %eq3A_504 = arith.cmpi eq, %gather3A_500, %select_n3A_374 : vector<16xi32>
          %and3A_505 = arith.andi %lt3A_503, %eq3A_504 : vector<16xi1>
          %or3A_506 = arith.ori %or3A_484, %and3A_505 : vector<16xi1>
          %add3A_507 = arith.constant 7 : i32
          %add3A_508 = vector.broadcast %add3A_507 : i32 to vector<16xi32>
          %add3A_509 = arith.addi %iota3A, %add3A_508 : vector<16xi32>
          %min3A_510 = arith.constant 15 : i32
          %min3A_511 = vector.broadcast %min3A_510 : i32 to vector<16xi32>
          %min3A_512 = arith.minsi %add3A_509, %min3A_511 : vector<16xi32>
          %lt3A_513 = arith.constant 0 : i32
          %lt3A_514 = vector.broadcast %lt3A_513 : i32 to vector<16xi32>
          %lt3A_515 = arith.cmpi slt, %min3A_512, %lt3A_514 : vector<16xi32>
          %add3A_516 = arith.constant 16 : i32
          %add3A_517 = vector.broadcast %add3A_516 : i32 to vector<16xi32>
          %add3A_518 = arith.addi %min3A_512, %add3A_517 : vector<16xi32>
          %select_n3A_519 = arith.select %lt3A_515, %add3A_518, %min3A_512 : vector<16xi1>, vector<16xi32>
          %broadcast_in_dim3A_520 = vector.shape_cast %select_n3A_519 : vector<16xi32> to vector<16x1xi32>
          %gather3A_521 = vector.shape_cast %broadcast_in_dim3A_520 : vector<16x1xi32> to vector<16xi32>
          %gather3A_522 = tpu.dynamic_gather %select_n3A_374[%gather3A_521] in [0] : vector<16xi32>, vector<16xi32> -> vector<16xi32>
          %lt3A_523 = arith.constant 9 : i32
          %lt3A_524 = vector.broadcast %lt3A_523 : i32 to vector<16xi32>
          %lt3A_525 = arith.cmpi slt, %iota3A, %lt3A_524 : vector<16xi32>
          %eq3A_526 = arith.cmpi eq, %gather3A_522, %select_n3A_374 : vector<16xi32>
          %and3A_527 = arith.andi %lt3A_525, %eq3A_526 : vector<16xi1>
          %or3A_528 = arith.ori %or3A_506, %and3A_527 : vector<16xi1>
          %add3A_529 = arith.constant 8 : i32
          %add3A_530 = vector.broadcast %add3A_529 : i32 to vector<16xi32>
          %add3A_531 = arith.addi %iota3A, %add3A_530 : vector<16xi32>
          %min3A_532 = arith.constant 15 : i32
          %min3A_533 = vector.broadcast %min3A_532 : i32 to vector<16xi32>
          %min3A_534 = arith.minsi %add3A_531, %min3A_533 : vector<16xi32>
          %lt3A_535 = arith.constant 0 : i32
          %lt3A_536 = vector.broadcast %lt3A_535 : i32 to vector<16xi32>
          %lt3A_537 = arith.cmpi slt, %min3A_534, %lt3A_536 : vector<16xi32>
          %add3A_538 = arith.constant 16 : i32
          %add3A_539 = vector.broadcast %add3A_538 : i32 to vector<16xi32>
          %add3A_540 = arith.addi %min3A_534, %add3A_539 : vector<16xi32>
          %select_n3A_541 = arith.select %lt3A_537, %add3A_540, %min3A_534 : vector<16xi1>, vector<16xi32>
          %broadcast_in_dim3A_542 = vector.shape_cast %select_n3A_541 : vector<16xi32> to vector<16x1xi32>
          %gather3A_543 = vector.shape_cast %broadcast_in_dim3A_542 : vector<16x1xi32> to vector<16xi32>
          %gather3A_544 = tpu.dynamic_gather %select_n3A_374[%gather3A_543] in [0] : vector<16xi32>, vector<16xi32> -> vector<16xi32>
          %lt3A_545 = arith.constant 8 : i32
          %lt3A_546 = vector.broadcast %lt3A_545 : i32 to vector<16xi32>
          %lt3A_547 = arith.cmpi slt, %iota3A, %lt3A_546 : vector<16xi32>
          %eq3A_548 = arith.cmpi eq, %gather3A_544, %select_n3A_374 : vector<16xi32>
          %and3A_549 = arith.andi %lt3A_547, %eq3A_548 : vector<16xi1>
          %or3A_550 = arith.ori %or3A_528, %and3A_549 : vector<16xi1>
          %add3A_551 = arith.constant 9 : i32
          %add3A_552 = vector.broadcast %add3A_551 : i32 to vector<16xi32>
          %add3A_553 = arith.addi %iota3A, %add3A_552 : vector<16xi32>
          %min3A_554 = arith.constant 15 : i32
          %min3A_555 = vector.broadcast %min3A_554 : i32 to vector<16xi32>
          %min3A_556 = arith.minsi %add3A_553, %min3A_555 : vector<16xi32>
          %lt3A_557 = arith.constant 0 : i32
          %lt3A_558 = vector.broadcast %lt3A_557 : i32 to vector<16xi32>
          %lt3A_559 = arith.cmpi slt, %min3A_556, %lt3A_558 : vector<16xi32>
          %add3A_560 = arith.constant 16 : i32
          %add3A_561 = vector.broadcast %add3A_560 : i32 to vector<16xi32>
          %add3A_562 = arith.addi %min3A_556, %add3A_561 : vector<16xi32>
          %select_n3A_563 = arith.select %lt3A_559, %add3A_562, %min3A_556 : vector<16xi1>, vector<16xi32>
          %broadcast_in_dim3A_564 = vector.shape_cast %select_n3A_563 : vector<16xi32> to vector<16x1xi32>
          %gather3A_565 = vector.shape_cast %broadcast_in_dim3A_564 : vector<16x1xi32> to vector<16xi32>
          %gather3A_566 = tpu.dynamic_gather %select_n3A_374[%gather3A_565] in [0] : vector<16xi32>, vector<16xi32> -> vector<16xi32>
          %lt3A_567 = arith.constant 7 : i32
          %lt3A_568 = vector.broadcast %lt3A_567 : i32 to vector<16xi32>
          %lt3A_569 = arith.cmpi slt, %iota3A, %lt3A_568 : vector<16xi32>
          %eq3A_570 = arith.cmpi eq, %gather3A_566, %select_n3A_374 : vector<16xi32>
          %and3A_571 = arith.andi %lt3A_569, %eq3A_570 : vector<16xi1>
          %or3A_572 = arith.ori %or3A_550, %and3A_571 : vector<16xi1>
          %add3A_573 = arith.constant 10 : i32
          %add3A_574 = vector.broadcast %add3A_573 : i32 to vector<16xi32>
          %add3A_575 = arith.addi %iota3A, %add3A_574 : vector<16xi32>
          %min3A_576 = arith.constant 15 : i32
          %min3A_577 = vector.broadcast %min3A_576 : i32 to vector<16xi32>
          %min3A_578 = arith.minsi %add3A_575, %min3A_577 : vector<16xi32>
          %lt3A_579 = arith.constant 0 : i32
          %lt3A_580 = vector.broadcast %lt3A_579 : i32 to vector<16xi32>
          %lt3A_581 = arith.cmpi slt, %min3A_578, %lt3A_580 : vector<16xi32>
          %add3A_582 = arith.constant 16 : i32
          %add3A_583 = vector.broadcast %add3A_582 : i32 to vector<16xi32>
          %add3A_584 = arith.addi %min3A_578, %add3A_583 : vector<16xi32>
          %select_n3A_585 = arith.select %lt3A_581, %add3A_584, %min3A_578 : vector<16xi1>, vector<16xi32>
          %broadcast_in_dim3A_586 = vector.shape_cast %select_n3A_585 : vector<16xi32> to vector<16x1xi32>
          %gather3A_587 = vector.shape_cast %broadcast_in_dim3A_586 : vector<16x1xi32> to vector<16xi32>
          %gather3A_588 = tpu.dynamic_gather %select_n3A_374[%gather3A_587] in [0] : vector<16xi32>, vector<16xi32> -> vector<16xi32>
          %lt3A_589 = arith.constant 6 : i32
          %lt3A_590 = vector.broadcast %lt3A_589 : i32 to vector<16xi32>
          %lt3A_591 = arith.cmpi slt, %iota3A, %lt3A_590 : vector<16xi32>
          %eq3A_592 = arith.cmpi eq, %gather3A_588, %select_n3A_374 : vector<16xi32>
          %and3A_593 = arith.andi %lt3A_591, %eq3A_592 : vector<16xi1>
          %or3A_594 = arith.ori %or3A_572, %and3A_593 : vector<16xi1>
          %add3A_595 = arith.constant 11 : i32
          %add3A_596 = vector.broadcast %add3A_595 : i32 to vector<16xi32>
          %add3A_597 = arith.addi %iota3A, %add3A_596 : vector<16xi32>
          %min3A_598 = arith.constant 15 : i32
          %min3A_599 = vector.broadcast %min3A_598 : i32 to vector<16xi32>
          %min3A_600 = arith.minsi %add3A_597, %min3A_599 : vector<16xi32>
          %lt3A_601 = arith.constant 0 : i32
          %lt3A_602 = vector.broadcast %lt3A_601 : i32 to vector<16xi32>
          %lt3A_603 = arith.cmpi slt, %min3A_600, %lt3A_602 : vector<16xi32>
          %add3A_604 = arith.constant 16 : i32
          %add3A_605 = vector.broadcast %add3A_604 : i32 to vector<16xi32>
          %add3A_606 = arith.addi %min3A_600, %add3A_605 : vector<16xi32>
          %select_n3A_607 = arith.select %lt3A_603, %add3A_606, %min3A_600 : vector<16xi1>, vector<16xi32>
          %broadcast_in_dim3A_608 = vector.shape_cast %select_n3A_607 : vector<16xi32> to vector<16x1xi32>
          %gather3A_609 = vector.shape_cast %broadcast_in_dim3A_608 : vector<16x1xi32> to vector<16xi32>
          %gather3A_610 = tpu.dynamic_gather %select_n3A_374[%gather3A_609] in [0] : vector<16xi32>, vector<16xi32> -> vector<16xi32>
          %lt3A_611 = arith.constant 5 : i32
          %lt3A_612 = vector.broadcast %lt3A_611 : i32 to vector<16xi32>
          %lt3A_613 = arith.cmpi slt, %iota3A, %lt3A_612 : vector<16xi32>
          %eq3A_614 = arith.cmpi eq, %gather3A_610, %select_n3A_374 : vector<16xi32>
          %and3A_615 = arith.andi %lt3A_613, %eq3A_614 : vector<16xi1>
          %or3A_616 = arith.ori %or3A_594, %and3A_615 : vector<16xi1>
          %add3A_617 = arith.constant 12 : i32
          %add3A_618 = vector.broadcast %add3A_617 : i32 to vector<16xi32>
          %add3A_619 = arith.addi %iota3A, %add3A_618 : vector<16xi32>
          %min3A_620 = arith.constant 15 : i32
          %min3A_621 = vector.broadcast %min3A_620 : i32 to vector<16xi32>
          %min3A_622 = arith.minsi %add3A_619, %min3A_621 : vector<16xi32>
          %lt3A_623 = arith.constant 0 : i32
          %lt3A_624 = vector.broadcast %lt3A_623 : i32 to vector<16xi32>
          %lt3A_625 = arith.cmpi slt, %min3A_622, %lt3A_624 : vector<16xi32>
          %add3A_626 = arith.constant 16 : i32
          %add3A_627 = vector.broadcast %add3A_626 : i32 to vector<16xi32>
          %add3A_628 = arith.addi %min3A_622, %add3A_627 : vector<16xi32>
          %select_n3A_629 = arith.select %lt3A_625, %add3A_628, %min3A_622 : vector<16xi1>, vector<16xi32>
          %broadcast_in_dim3A_630 = vector.shape_cast %select_n3A_629 : vector<16xi32> to vector<16x1xi32>
          %gather3A_631 = vector.shape_cast %broadcast_in_dim3A_630 : vector<16x1xi32> to vector<16xi32>
          %gather3A_632 = tpu.dynamic_gather %select_n3A_374[%gather3A_631] in [0] : vector<16xi32>, vector<16xi32> -> vector<16xi32>
          %lt3A_633 = arith.constant 4 : i32
          %lt3A_634 = vector.broadcast %lt3A_633 : i32 to vector<16xi32>
          %lt3A_635 = arith.cmpi slt, %iota3A, %lt3A_634 : vector<16xi32>
          %eq3A_636 = arith.cmpi eq, %gather3A_632, %select_n3A_374 : vector<16xi32>
          %and3A_637 = arith.andi %lt3A_635, %eq3A_636 : vector<16xi1>
          %or3A_638 = arith.ori %or3A_616, %and3A_637 : vector<16xi1>
          %add3A_639 = arith.constant 13 : i32
          %add3A_640 = vector.broadcast %add3A_639 : i32 to vector<16xi32>
          %add3A_641 = arith.addi %iota3A, %add3A_640 : vector<16xi32>
          %min3A_642 = arith.constant 15 : i32
          %min3A_643 = vector.broadcast %min3A_642 : i32 to vector<16xi32>
          %min3A_644 = arith.minsi %add3A_641, %min3A_643 : vector<16xi32>
          %lt3A_645 = arith.constant 0 : i32
          %lt3A_646 = vector.broadcast %lt3A_645 : i32 to vector<16xi32>
          %lt3A_647 = arith.cmpi slt, %min3A_644, %lt3A_646 : vector<16xi32>
          %add3A_648 = arith.constant 16 : i32
          %add3A_649 = vector.broadcast %add3A_648 : i32 to vector<16xi32>
          %add3A_650 = arith.addi %min3A_644, %add3A_649 : vector<16xi32>
          %select_n3A_651 = arith.select %lt3A_647, %add3A_650, %min3A_644 : vector<16xi1>, vector<16xi32>
          %broadcast_in_dim3A_652 = vector.shape_cast %select_n3A_651 : vector<16xi32> to vector<16x1xi32>
          %gather3A_653 = vector.shape_cast %broadcast_in_dim3A_652 : vector<16x1xi32> to vector<16xi32>
          %gather3A_654 = tpu.dynamic_gather %select_n3A_374[%gather3A_653] in [0] : vector<16xi32>, vector<16xi32> -> vector<16xi32>
          %lt3A_655 = arith.constant 3 : i32
          %lt3A_656 = vector.broadcast %lt3A_655 : i32 to vector<16xi32>
          %lt3A_657 = arith.cmpi slt, %iota3A, %lt3A_656 : vector<16xi32>
          %eq3A_658 = arith.cmpi eq, %gather3A_654, %select_n3A_374 : vector<16xi32>
          %and3A_659 = arith.andi %lt3A_657, %eq3A_658 : vector<16xi1>
          %or3A_660 = arith.ori %or3A_638, %and3A_659 : vector<16xi1>
          %add3A_661 = arith.constant 14 : i32
          %add3A_662 = vector.broadcast %add3A_661 : i32 to vector<16xi32>
          %add3A_663 = arith.addi %iota3A, %add3A_662 : vector<16xi32>
          %min3A_664 = arith.constant 15 : i32
          %min3A_665 = vector.broadcast %min3A_664 : i32 to vector<16xi32>
          %min3A_666 = arith.minsi %add3A_663, %min3A_665 : vector<16xi32>
          %lt3A_667 = arith.constant 0 : i32
          %lt3A_668 = vector.broadcast %lt3A_667 : i32 to vector<16xi32>
          %lt3A_669 = arith.cmpi slt, %min3A_666, %lt3A_668 : vector<16xi32>
          %add3A_670 = arith.constant 16 : i32
          %add3A_671 = vector.broadcast %add3A_670 : i32 to vector<16xi32>
          %add3A_672 = arith.addi %min3A_666, %add3A_671 : vector<16xi32>
          %select_n3A_673 = arith.select %lt3A_669, %add3A_672, %min3A_666 : vector<16xi1>, vector<16xi32>
          %broadcast_in_dim3A_674 = vector.shape_cast %select_n3A_673 : vector<16xi32> to vector<16x1xi32>
          %gather3A_675 = vector.shape_cast %broadcast_in_dim3A_674 : vector<16x1xi32> to vector<16xi32>
          %gather3A_676 = tpu.dynamic_gather %select_n3A_374[%gather3A_675] in [0] : vector<16xi32>, vector<16xi32> -> vector<16xi32>
          %lt3A_677 = arith.constant 2 : i32
          %lt3A_678 = vector.broadcast %lt3A_677 : i32 to vector<16xi32>
          %lt3A_679 = arith.cmpi slt, %iota3A, %lt3A_678 : vector<16xi32>
          %eq3A_680 = arith.cmpi eq, %gather3A_676, %select_n3A_374 : vector<16xi32>
          %and3A_681 = arith.andi %lt3A_679, %eq3A_680 : vector<16xi1>
          %or3A_682 = arith.ori %or3A_660, %and3A_681 : vector<16xi1>
          %add3A_683 = arith.constant 15 : i32
          %add3A_684 = vector.broadcast %add3A_683 : i32 to vector<16xi32>
          %add3A_685 = arith.addi %iota3A, %add3A_684 : vector<16xi32>
          %min3A_686 = arith.constant 15 : i32
          %min3A_687 = vector.broadcast %min3A_686 : i32 to vector<16xi32>
          %min3A_688 = arith.minsi %add3A_685, %min3A_687 : vector<16xi32>
          %lt3A_689 = arith.constant 0 : i32
          %lt3A_690 = vector.broadcast %lt3A_689 : i32 to vector<16xi32>
          %lt3A_691 = arith.cmpi slt, %min3A_688, %lt3A_690 : vector<16xi32>
          %add3A_692 = arith.constant 16 : i32
          %add3A_693 = vector.broadcast %add3A_692 : i32 to vector<16xi32>
          %add3A_694 = arith.addi %min3A_688, %add3A_693 : vector<16xi32>
          %select_n3A_695 = arith.select %lt3A_691, %add3A_694, %min3A_688 : vector<16xi1>, vector<16xi32>
          %broadcast_in_dim3A_696 = vector.shape_cast %select_n3A_695 : vector<16xi32> to vector<16x1xi32>
          %gather3A_697 = vector.shape_cast %broadcast_in_dim3A_696 : vector<16x1xi32> to vector<16xi32>
          %gather3A_698 = tpu.dynamic_gather %select_n3A_374[%gather3A_697] in [0] : vector<16xi32>, vector<16xi32> -> vector<16xi32>
          %lt3A_699 = arith.constant 1 : i32
          %lt3A_700 = vector.broadcast %lt3A_699 : i32 to vector<16xi32>
          %lt3A_701 = arith.cmpi slt, %iota3A, %lt3A_700 : vector<16xi32>
          %eq3A_702 = arith.cmpi eq, %gather3A_698, %select_n3A_374 : vector<16xi32>
          %and3A_703 = arith.andi %lt3A_701, %eq3A_702 : vector<16xi1>
          %or3A_704 = arith.ori %or3A_682, %and3A_703 : vector<16xi1>
          %not3A = arith.constant dense<true> : vector<16xi1>
          %not3A_705 = arith.xori %or3A_704, %not3A : vector<16xi1>
          %and3A_706 = arith.andi %and3A_358, %not3A_705 : vector<16xi1>
          tpu.vector_store_idx %arg10[%select_n3A_362], %add3A_360 masked %and3A_706 : memref<3136xi32, #tpu.memory_space<vmem>>[vector<16xi32>], vector<16xi32>, vector<16xi1>
        } else {
        }
      }
      %mul3A_272 = arith.constant 128 : i32
      %mul3A_273 = arith.muli %while3A_241, %mul3A_272 : i32
      %min3A_274 = arith.minsi %mul3A_273, %sub3A_35 : i32
      %add3A_275 = arith.addi %multiple_of3A, %min3A_274 : i32
      %multiple_of3A_276 = tpu.assume_multiple %add3A_275, 8 : i32
      %mul3A_277 = arith.constant 128 : i32
      %mul3A_278 = arith.muli %while3A_241, %mul3A_277 : i32
      %min3A_279 = arith.minsi %mul3A_278, %sub3A_35 : i32
      %add3A_280 = arith.addi %multiple_of3A, %min3A_279 : i32
      %multiple_of3A_281 = tpu.assume_multiple %add3A_280, 8 : i32
      %dma_wait3A_282 = arith.constant 0 : i32
      %dma_wait3A_283 = arith.constant 0 : i32
      %dma_wait3A_284 = tpu.memref_slice %arg15[%and3A_243, %dma_wait3A_282, %dma_wait3A_283] : memref<2x128x128xi32, #tpu.memory_space<vmem>> -> memref<1x128x128xi32, #tpu.memory_space<vmem>>
      %dma_wait3A_285 = tpu.memref_squeeze %dma_wait3A_284 : memref<1x128x128xi32, #tpu.memory_space<vmem>> -> memref<128x128xi32, #tpu.memory_space<vmem>>
      %dma_wait3A_286 = arith.constant 0 : i32
      %dma_wait3A_287 = tpu.memref_slice %arg2[%multiple_of3A_276, %dma_wait3A_286] : memref<100000x128xi32, #tpu.memory_space<hbm>> -> memref<128x128xi32, #tpu.memory_space<hbm>>
      %dma_wait3A_288 = tpu.memref_slice %arg16[%and3A_243] : memref<2x!tpu.dma_semaphore, #tpu.memory_space<semaphore_mem>> -> memref<1x!tpu.dma_semaphore, #tpu.memory_space<semaphore_mem>>
      %dma_wait3A_289 = tpu.memref_squeeze %dma_wait3A_288 : memref<1x!tpu.dma_semaphore, #tpu.memory_space<semaphore_mem>> -> memref<!tpu.dma_semaphore, #tpu.memory_space<semaphore_mem>>
      %dma_wait3A_290 = arith.constant 0 : i32
      %dma_wait3A_291 = arith.constant 0 : i32
      %dma_wait3A_292 = tpu.memref_slice %arg15[%and3A_243, %dma_wait3A_290, %dma_wait3A_291] : memref<2x128x128xi32, #tpu.memory_space<vmem>> -> memref<1x128x128xi32, #tpu.memory_space<vmem>>
      %dma_wait3A_293 = tpu.memref_squeeze %dma_wait3A_292 : memref<1x128x128xi32, #tpu.memory_space<vmem>> -> memref<128x128xi32, #tpu.memory_space<vmem>>
      %dma_wait3A_294 = arith.constant 0 : i32
      %dma_wait3A_295 = tpu.memref_slice %arg2[%multiple_of3A_276, %dma_wait3A_294] : memref<100000x128xi32, #tpu.memory_space<hbm>> -> memref<128x128xi32, #tpu.memory_space<hbm>>
      tpu.wait_dma2 semaphore(%dma_wait3A_289 : memref<!tpu.dma_semaphore, #tpu.memory_space<semaphore_mem>>) src(%dma_wait3A_295 : memref<128x128xi32, #tpu.memory_space<hbm>>) dst(%dma_wait3A_293 : memref<128x128xi32, #tpu.memory_space<vmem>>)
      %dma_wait3A_296 = arith.constant 0 : i32
      %dma_wait3A_297 = arith.constant 0 : i32
      %dma_wait3A_298 = tpu.memref_slice %arg21[%and3A_243, %dma_wait3A_296, %dma_wait3A_297] : memref<2x128x128xi32, #tpu.memory_space<vmem>> -> memref<1x128x128xi32, #tpu.memory_space<vmem>>
      %dma_wait3A_299 = tpu.memref_squeeze %dma_wait3A_298 : memref<1x128x128xi32, #tpu.memory_space<vmem>> -> memref<128x128xi32, #tpu.memory_space<vmem>>
      %dma_wait3A_300 = arith.constant 0 : i32
      %dma_wait3A_301 = tpu.memref_slice %arg3[%multiple_of3A_281, %dma_wait3A_300] : memref<100000x128xi32, #tpu.memory_space<hbm>> -> memref<128x128xi32, #tpu.memory_space<hbm>>
      %dma_wait3A_302 = tpu.memref_slice %arg22[%and3A_243] : memref<2x!tpu.dma_semaphore, #tpu.memory_space<semaphore_mem>> -> memref<1x!tpu.dma_semaphore, #tpu.memory_space<semaphore_mem>>
      %dma_wait3A_303 = tpu.memref_squeeze %dma_wait3A_302 : memref<1x!tpu.dma_semaphore, #tpu.memory_space<semaphore_mem>> -> memref<!tpu.dma_semaphore, #tpu.memory_space<semaphore_mem>>
      %dma_wait3A_304 = arith.constant 0 : i32
      %dma_wait3A_305 = arith.constant 0 : i32
      %dma_wait3A_306 = tpu.memref_slice %arg21[%and3A_243, %dma_wait3A_304, %dma_wait3A_305] : memref<2x128x128xi32, #tpu.memory_space<vmem>> -> memref<1x128x128xi32, #tpu.memory_space<vmem>>
      %dma_wait3A_307 = tpu.memref_squeeze %dma_wait3A_306 : memref<1x128x128xi32, #tpu.memory_space<vmem>> -> memref<128x128xi32, #tpu.memory_space<vmem>>
      %dma_wait3A_308 = arith.constant 0 : i32
      %dma_wait3A_309 = tpu.memref_slice %arg3[%multiple_of3A_281, %dma_wait3A_308] : memref<100000x128xi32, #tpu.memory_space<hbm>> -> memref<128x128xi32, #tpu.memory_space<hbm>>
      tpu.wait_dma2 semaphore(%dma_wait3A_303 : memref<!tpu.dma_semaphore, #tpu.memory_space<semaphore_mem>>) src(%dma_wait3A_309 : memref<128x128xi32, #tpu.memory_space<hbm>>) dst(%dma_wait3A_307 : memref<128x128xi32, #tpu.memory_space<vmem>>)
      %mul3A_310 = arith.constant 128 : i32
      %mul3A_311 = arith.muli %while3A_241, %mul3A_310 : i32
      %min3A_312 = arith.minsi %mul3A_311, %sub3A_35 : i32
      %add3A_313 = arith.addi %multiple_of3A, %min3A_312 : i32
      %multiple_of3A_314 = tpu.assume_multiple %add3A_313, 8 : i32
      %mul3A_315 = arith.constant 128 : i32
      %mul3A_316 = arith.muli %while3A_241, %mul3A_315 : i32
      %min3A_317 = arith.minsi %mul3A_316, %sub3A_35 : i32
      %add3A_318 = arith.addi %multiple_of3A, %min3A_317 : i32
      %multiple_of3A_319 = tpu.assume_multiple %add3A_318, 8 : i32
      %dma_start3A_320 = arith.constant 0 : i32
      %dma_start3A_321 = arith.constant 0 : i32
      %dma_start3A_322 = tpu.memref_slice %arg15[%and3A_243, %dma_start3A_320, %dma_start3A_321] : memref<2x128x128xi32, #tpu.memory_space<vmem>> -> memref<1x128x128xi32, #tpu.memory_space<vmem>>
      %dma_start3A_323 = tpu.memref_squeeze %dma_start3A_322 : memref<1x128x128xi32, #tpu.memory_space<vmem>> -> memref<128x128xi32, #tpu.memory_space<vmem>>
      %dma_start3A_324 = arith.constant 0 : i32
      %dma_start3A_325 = tpu.memref_slice %arg7[%multiple_of3A_314, %dma_start3A_324] : memref<100000x128xi32, #tpu.memory_space<hbm>> -> memref<128x128xi32, #tpu.memory_space<hbm>>
      %dma_start3A_326 = tpu.memref_slice %arg17[%and3A_243] : memref<2x!tpu.dma_semaphore, #tpu.memory_space<semaphore_mem>> -> memref<1x!tpu.dma_semaphore, #tpu.memory_space<semaphore_mem>>
      %dma_start3A_327 = tpu.memref_squeeze %dma_start3A_326 : memref<1x!tpu.dma_semaphore, #tpu.memory_space<semaphore_mem>> -> memref<!tpu.dma_semaphore, #tpu.memory_space<semaphore_mem>>
      %dma_start3A_328 = arith.constant 0 : i32
      %dma_start3A_329 = tpu.memref_slice %arg7[%multiple_of3A_314, %dma_start3A_328] : memref<100000x128xi32, #tpu.memory_space<hbm>> -> memref<128x128xi32, #tpu.memory_space<hbm>>
      %dma_start3A_330 = arith.constant 0 : i32
      %dma_start3A_331 = arith.constant 0 : i32
      %dma_start3A_332 = tpu.memref_slice %arg15[%and3A_243, %dma_start3A_330, %dma_start3A_331] : memref<2x128x128xi32, #tpu.memory_space<vmem>> -> memref<1x128x128xi32, #tpu.memory_space<vmem>>
      %dma_start3A_333 = tpu.memref_squeeze %dma_start3A_332 : memref<1x128x128xi32, #tpu.memory_space<vmem>> -> memref<128x128xi32, #tpu.memory_space<vmem>>
      tpu.enqueue_dma source(%dma_start3A_333 : memref<128x128xi32, #tpu.memory_space<vmem>>) target(%dma_start3A_329 : memref<128x128xi32, #tpu.memory_space<hbm>>) target_semaphore(%dma_start3A_327 : memref<!tpu.dma_semaphore, #tpu.memory_space<semaphore_mem>>)
      %dma_start3A_334 = arith.constant 0 : i32
      %dma_start3A_335 = arith.constant 0 : i32
      %dma_start3A_336 = tpu.memref_slice %arg21[%and3A_243, %dma_start3A_334, %dma_start3A_335] : memref<2x128x128xi32, #tpu.memory_space<vmem>> -> memref<1x128x128xi32, #tpu.memory_space<vmem>>
      %dma_start3A_337 = tpu.memref_squeeze %dma_start3A_336 : memref<1x128x128xi32, #tpu.memory_space<vmem>> -> memref<128x128xi32, #tpu.memory_space<vmem>>
      %dma_start3A_338 = arith.constant 0 : i32
      %dma_start3A_339 = tpu.memref_slice %arg8[%multiple_of3A_319, %dma_start3A_338] : memref<100000x128xi32, #tpu.memory_space<hbm>> -> memref<128x128xi32, #tpu.memory_space<hbm>>
      %dma_start3A_340 = tpu.memref_slice %arg23[%and3A_243] : memref<2x!tpu.dma_semaphore, #tpu.memory_space<semaphore_mem>> -> memref<1x!tpu.dma_semaphore, #tpu.memory_space<semaphore_mem>>
      %dma_start3A_341 = tpu.memref_squeeze %dma_start3A_340 : memref<1x!tpu.dma_semaphore, #tpu.memory_space<semaphore_mem>> -> memref<!tpu.dma_semaphore, #tpu.memory_space<semaphore_mem>>
      %dma_start3A_342 = arith.constant 0 : i32
      %dma_start3A_343 = tpu.memref_slice %arg8[%multiple_of3A_319, %dma_start3A_342] : memref<100000x128xi32, #tpu.memory_space<hbm>> -> memref<128x128xi32, #tpu.memory_space<hbm>>
      %dma_start3A_344 = arith.constant 0 : i32
      %dma_start3A_345 = arith.constant 0 : i32
      %dma_start3A_346 = tpu.memref_slice %arg21[%and3A_243, %dma_start3A_344, %dma_start3A_345] : memref<2x128x128xi32, #tpu.memory_space<vmem>> -> memref<1x128x128xi32, #tpu.memory_space<vmem>>
      %dma_start3A_347 = tpu.memref_squeeze %dma_start3A_346 : memref<1x128x128xi32, #tpu.memory_space<vmem>> -> memref<128x128xi32, #tpu.memory_space<vmem>>
      tpu.enqueue_dma source(%dma_start3A_347 : memref<128x128xi32, #tpu.memory_space<vmem>>) target(%dma_start3A_343 : memref<128x128xi32, #tpu.memory_space<hbm>>) target_semaphore(%dma_start3A_341 : memref<!tpu.dma_semaphore, #tpu.memory_space<semaphore_mem>>)
    }
    %while3A_88 = arith.constant 1 : i32
    scf.for %while3A_241 = %while3A_86 to %while3A_82 step %while3A_88  : i32 {
      %and3A_242 = arith.constant 1 : i32
      %and3A_243 = arith.andi %while3A_241, %and3A_242 : i32
      %add3A_244 = arith.constant 1 : i32
      %add3A_245 = arith.addi %while3A_241, %add3A_244 : i32
      %and3A_246 = arith.constant 1 : i32
      %and3A_247 = arith.andi %add3A_245, %and3A_246 : i32
      %add3A_248 = arith.constant 1 : i32
      %add3A_249 = arith.addi %while3A_241, %add3A_248 : i32
      %lt3A = arith.cmpi slt, %add3A_249, %select_n3A : i32
      %convert_element_type3A_250 = arith.extui %lt3A : i1 to i32
      %cond3A_251 = arith.constant 0 : i32
      %cond3A_252 = arith.cmpi ne, %convert_element_type3A_250, %cond3A_251 : i32
      scf.if %cond3A_252 {
        %ge3A = arith.constant 1 : i32
        %ge3A_348 = arith.cmpi sge, %while3A_241, %ge3A : i32
        %convert_element_type3A_349 = arith.extui %ge3A_348 : i1 to i32
        %cond3A_350 = arith.constant 0 : i32
        %cond3A_351 = arith.cmpi ne, %convert_element_type3A_349, %cond3A_350 : i32
        scf.if %cond3A_351 {
          %sub3A_392 = arith.constant 1 : i32
          %sub3A_393 = arith.subi %while3A_241, %sub3A_392 : i32
          %mul3A_394 = arith.constant 128 : i32
          %mul3A_395 = arith.muli %sub3A_393, %mul3A_394 : i32
          %min3A_396 = arith.minsi %mul3A_395, %sub3A_35 : i32
          %add3A_397 = arith.addi %multiple_of3A, %min3A_396 : i32
          %multiple_of3A_398 = tpu.assume_multiple %add3A_397, 8 : i32
          %mul3A_399 = arith.constant 128 : i32
          %mul3A_400 = arith.muli %sub3A_393, %mul3A_399 : i32
          %min3A_401 = arith.minsi %mul3A_400, %sub3A_35 : i32
          %add3A_402 = arith.addi %multiple_of3A, %min3A_401 : i32
          %multiple_of3A_403 = tpu.assume_multiple %add3A_402, 8 : i32
          %dma_wait3A_404 = arith.constant 0 : i32
          %dma_wait3A_405 = arith.constant 0 : i32
          %dma_wait3A_406 = tpu.memref_slice %arg15[%and3A_247, %dma_wait3A_404, %dma_wait3A_405] : memref<2x128x128xi32, #tpu.memory_space<vmem>> -> memref<1x128x128xi32, #tpu.memory_space<vmem>>
          %dma_wait3A_407 = tpu.memref_squeeze %dma_wait3A_406 : memref<1x128x128xi32, #tpu.memory_space<vmem>> -> memref<128x128xi32, #tpu.memory_space<vmem>>
          %dma_wait3A_408 = arith.constant 0 : i32
          %dma_wait3A_409 = tpu.memref_slice %arg7[%multiple_of3A_398, %dma_wait3A_408] : memref<100000x128xi32, #tpu.memory_space<hbm>> -> memref<128x128xi32, #tpu.memory_space<hbm>>
          %dma_wait3A_410 = tpu.memref_slice %arg17[%and3A_247] : memref<2x!tpu.dma_semaphore, #tpu.memory_space<semaphore_mem>> -> memref<1x!tpu.dma_semaphore, #tpu.memory_space<semaphore_mem>>
          %dma_wait3A_411 = tpu.memref_squeeze %dma_wait3A_410 : memref<1x!tpu.dma_semaphore, #tpu.memory_space<semaphore_mem>> -> memref<!tpu.dma_semaphore, #tpu.memory_space<semaphore_mem>>
          %dma_wait3A_412 = arith.constant 0 : i32
          %dma_wait3A_413 = tpu.memref_slice %arg7[%multiple_of3A_398, %dma_wait3A_412] : memref<100000x128xi32, #tpu.memory_space<hbm>> -> memref<128x128xi32, #tpu.memory_space<hbm>>
          %dma_wait3A_414 = arith.constant 0 : i32
          %dma_wait3A_415 = arith.constant 0 : i32
          %dma_wait3A_416 = tpu.memref_slice %arg15[%and3A_247, %dma_wait3A_414, %dma_wait3A_415] : memref<2x128x128xi32, #tpu.memory_space<vmem>> -> memref<1x128x128xi32, #tpu.memory_space<vmem>>
          %dma_wait3A_417 = tpu.memref_squeeze %dma_wait3A_416 : memref<1x128x128xi32, #tpu.memory_space<vmem>> -> memref<128x128xi32, #tpu.memory_space<vmem>>
          tpu.wait_dma2 semaphore(%dma_wait3A_411 : memref<!tpu.dma_semaphore, #tpu.memory_space<semaphore_mem>>) src(%dma_wait3A_417 : memref<128x128xi32, #tpu.memory_space<vmem>>) dst(%dma_wait3A_413 : memref<128x128xi32, #tpu.memory_space<hbm>>)
          %dma_wait3A_418 = arith.constant 0 : i32
          %dma_wait3A_419 = arith.constant 0 : i32
          %dma_wait3A_420 = tpu.memref_slice %arg21[%and3A_247, %dma_wait3A_418, %dma_wait3A_419] : memref<2x128x128xi32, #tpu.memory_space<vmem>> -> memref<1x128x128xi32, #tpu.memory_space<vmem>>
          %dma_wait3A_421 = tpu.memref_squeeze %dma_wait3A_420 : memref<1x128x128xi32, #tpu.memory_space<vmem>> -> memref<128x128xi32, #tpu.memory_space<vmem>>
          %dma_wait3A_422 = arith.constant 0 : i32
          %dma_wait3A_423 = tpu.memref_slice %arg8[%multiple_of3A_403, %dma_wait3A_422] : memref<100000x128xi32, #tpu.memory_space<hbm>> -> memref<128x128xi32, #tpu.memory_space<hbm>>
          %dma_wait3A_424 = tpu.memref_slice %arg23[%and3A_247] : memref<2x!tpu.dma_semaphore, #tpu.memory_space<semaphore_mem>> -> memref<1x!tpu.dma_semaphore, #tpu.memory_space<semaphore_mem>>
          %dma_wait3A_425 = tpu.memref_squeeze %dma_wait3A_424 : memref<1x!tpu.dma_semaphore, #tpu.memory_space<semaphore_mem>> -> memref<!tpu.dma_semaphore, #tpu.memory_space<semaphore_mem>>
          %dma_wait3A_426 = arith.constant 0 : i32
          %dma_wait3A_427 = tpu.memref_slice %arg8[%multiple_of3A_403, %dma_wait3A_426] : memref<100000x128xi32, #tpu.memory_space<hbm>> -> memref<128x128xi32, #tpu.memory_space<hbm>>
          %dma_wait3A_428 = arith.constant 0 : i32
          %dma_wait3A_429 = arith.constant 0 : i32
          %dma_wait3A_430 = tpu.memref_slice %arg21[%and3A_247, %dma_wait3A_428, %dma_wait3A_429] : memref<2x128x128xi32, #tpu.memory_space<vmem>> -> memref<1x128x128xi32, #tpu.memory_space<vmem>>
          %dma_wait3A_431 = tpu.memref_squeeze %dma_wait3A_430 : memref<1x128x128xi32, #tpu.memory_space<vmem>> -> memref<128x128xi32, #tpu.memory_space<vmem>>
          tpu.wait_dma2 semaphore(%dma_wait3A_425 : memref<!tpu.dma_semaphore, #tpu.memory_space<semaphore_mem>>) src(%dma_wait3A_431 : memref<128x128xi32, #tpu.memory_space<vmem>>) dst(%dma_wait3A_427 : memref<128x128xi32, #tpu.memory_space<hbm>>)
        } else {
        }
        %add3A_352 = arith.constant 1 : i32
        %add3A_353 = arith.addi %while3A_241, %add3A_352 : i32
        %mul3A_354 = arith.constant 128 : i32
        %mul3A_355 = arith.muli %add3A_353, %mul3A_354 : i32
        %min3A_356 = arith.minsi %mul3A_355, %sub3A_35 : i32
        %add3A_357 = arith.addi %multiple_of3A, %min3A_356 : i32
        %multiple_of3A_358 = tpu.assume_multiple %add3A_357, 8 : i32
        %mul3A_359 = arith.constant 128 : i32
        %mul3A_360 = arith.muli %add3A_353, %mul3A_359 : i32
        %min3A_361 = arith.minsi %mul3A_360, %sub3A_35 : i32
        %add3A_362 = arith.addi %multiple_of3A, %min3A_361 : i32
        %multiple_of3A_363 = tpu.assume_multiple %add3A_362, 8 : i32
        %dma_start3A_364 = arith.constant 0 : i32
        %dma_start3A_365 = arith.constant 0 : i32
        %dma_start3A_366 = tpu.memref_slice %arg15[%and3A_247, %dma_start3A_364, %dma_start3A_365] : memref<2x128x128xi32, #tpu.memory_space<vmem>> -> memref<1x128x128xi32, #tpu.memory_space<vmem>>
        %dma_start3A_367 = tpu.memref_squeeze %dma_start3A_366 : memref<1x128x128xi32, #tpu.memory_space<vmem>> -> memref<128x128xi32, #tpu.memory_space<vmem>>
        %dma_start3A_368 = arith.constant 0 : i32
        %dma_start3A_369 = tpu.memref_slice %arg2[%multiple_of3A_358, %dma_start3A_368] : memref<100000x128xi32, #tpu.memory_space<hbm>> -> memref<128x128xi32, #tpu.memory_space<hbm>>
        %dma_start3A_370 = tpu.memref_slice %arg16[%and3A_247] : memref<2x!tpu.dma_semaphore, #tpu.memory_space<semaphore_mem>> -> memref<1x!tpu.dma_semaphore, #tpu.memory_space<semaphore_mem>>
        %dma_start3A_371 = tpu.memref_squeeze %dma_start3A_370 : memref<1x!tpu.dma_semaphore, #tpu.memory_space<semaphore_mem>> -> memref<!tpu.dma_semaphore, #tpu.memory_space<semaphore_mem>>
        %dma_start3A_372 = arith.constant 0 : i32
        %dma_start3A_373 = arith.constant 0 : i32
        %dma_start3A_374 = tpu.memref_slice %arg15[%and3A_247, %dma_start3A_372, %dma_start3A_373] : memref<2x128x128xi32, #tpu.memory_space<vmem>> -> memref<1x128x128xi32, #tpu.memory_space<vmem>>
        %dma_start3A_375 = tpu.memref_squeeze %dma_start3A_374 : memref<1x128x128xi32, #tpu.memory_space<vmem>> -> memref<128x128xi32, #tpu.memory_space<vmem>>
        %dma_start3A_376 = arith.constant 0 : i32
        %dma_start3A_377 = tpu.memref_slice %arg2[%multiple_of3A_358, %dma_start3A_376] : memref<100000x128xi32, #tpu.memory_space<hbm>> -> memref<128x128xi32, #tpu.memory_space<hbm>>
        tpu.enqueue_dma source(%dma_start3A_377 : memref<128x128xi32, #tpu.memory_space<hbm>>) target(%dma_start3A_375 : memref<128x128xi32, #tpu.memory_space<vmem>>) target_semaphore(%dma_start3A_371 : memref<!tpu.dma_semaphore, #tpu.memory_space<semaphore_mem>>)
        %dma_start3A_378 = arith.constant 0 : i32
        %dma_start3A_379 = arith.constant 0 : i32
        %dma_start3A_380 = tpu.memref_slice %arg21[%and3A_247, %dma_start3A_378, %dma_start3A_379] : memref<2x128x128xi32, #tpu.memory_space<vmem>> -> memref<1x128x128xi32, #tpu.memory_space<vmem>>
        %dma_start3A_381 = tpu.memref_squeeze %dma_start3A_380 : memref<1x128x128xi32, #tpu.memory_space<vmem>> -> memref<128x128xi32, #tpu.memory_space<vmem>>
        %dma_start3A_382 = arith.constant 0 : i32
        %dma_start3A_383 = tpu.memref_slice %arg3[%multiple_of3A_363, %dma_start3A_382] : memref<100000x128xi32, #tpu.memory_space<hbm>> -> memref<128x128xi32, #tpu.memory_space<hbm>>
        %dma_start3A_384 = tpu.memref_slice %arg22[%and3A_247] : memref<2x!tpu.dma_semaphore, #tpu.memory_space<semaphore_mem>> -> memref<1x!tpu.dma_semaphore, #tpu.memory_space<semaphore_mem>>
        %dma_start3A_385 = tpu.memref_squeeze %dma_start3A_384 : memref<1x!tpu.dma_semaphore, #tpu.memory_space<semaphore_mem>> -> memref<!tpu.dma_semaphore, #tpu.memory_space<semaphore_mem>>
        %dma_start3A_386 = arith.constant 0 : i32
        %dma_start3A_387 = arith.constant 0 : i32
        %dma_start3A_388 = tpu.memref_slice %arg21[%and3A_247, %dma_start3A_386, %dma_start3A_387] : memref<2x128x128xi32, #tpu.memory_space<vmem>> -> memref<1x128x128xi32, #tpu.memory_space<vmem>>
        %dma_start3A_389 = tpu.memref_squeeze %dma_start3A_388 : memref<1x128x128xi32, #tpu.memory_space<vmem>> -> memref<128x128xi32, #tpu.memory_space<vmem>>
        %dma_start3A_390 = arith.constant 0 : i32
        %dma_start3A_391 = tpu.memref_slice %arg3[%multiple_of3A_363, %dma_start3A_390] : memref<100000x128xi32, #tpu.memory_space<hbm>> -> memref<128x128xi32, #tpu.memory_space<hbm>>
        tpu.enqueue_dma source(%dma_start3A_391 : memref<128x128xi32, #tpu.memory_space<hbm>>) target(%dma_start3A_389 : memref<128x128xi32, #tpu.memory_space<vmem>>) target_semaphore(%dma_start3A_385 : memref<!tpu.dma_semaphore, #tpu.memory_space<semaphore_mem>>)
      } else {
      }
      %mul3A_253 = arith.constant 43 : i32
      %mul3A_254 = arith.muli %while3A_241, %mul3A_253 : i32
      %min3A_255 = arith.constant 1024 : i32
      %min3A_256 = arith.minsi %mul3A_254, %min3A_255 : i32
      %add3A_257 = arith.constant 1 : i32
      %add3A_258 = arith.addi %while3A_241, %add3A_257 : i32
      %mul3A_259 = arith.constant 43 : i32
      %mul3A_260 = arith.muli %add3A_258, %mul3A_259 : i32
      %min3A_261 = arith.constant 1024 : i32
      %min3A_262 = arith.minsi %mul3A_260, %min3A_261 : i32
      %while3A_263 = arith.constant 0 : i32
      %while3A_264 = arith.subi %min3A_262, %min3A_256 : i32
      %while3A_265 = arith.addi %min3A_256, %while3A_264 : i32
      %while3A_266 = arith.constant 1 : i32
      %while3A_267 = arith.divsi %while3A_264, %while3A_266 : i32
      %while3A_268 = arith.muli %while3A_267, %while3A_266 : i32
      %while3A_269 = arith.addi %min3A_256, %while3A_268 : i32
      %while3A_270 = arith.constant 1 : i32
      scf.for %while3A_348 = %min3A_256 to %while3A_269 step %while3A_270  : i32 {
        %mul3A_349 = arith.constant 16 : i32
        %mul3A_350 = arith.muli %while3A_348, %mul3A_349 : i32
        %get3A = arith.index_cast %mul3A_350 : i32 to index
        %get3A_351 = tpu.vector_load %arg9[%get3A] {strides = array<i32>} : memref<16384xi32, #tpu.memory_space<vmem>>, vector<16xi32>,
        %sub3A_352 = vector.broadcast %multiple_of3A : i32 to vector<16xi32>
        %sub3A_353 = arith.subi %get3A_351, %sub3A_352 : vector<16xi32>
        %ge3A = arith.constant 0 : i32
        %ge3A_354 = vector.broadcast %ge3A : i32 to vector<16xi32>
        %ge3A_355 = arith.cmpi sge, %sub3A_353, %ge3A_354 : vector<16xi32>
        %lt3A_356 = vector.broadcast %min3A_4 : i32 to vector<16xi32>
        %lt3A_357 = arith.cmpi slt, %sub3A_353, %lt3A_356 : vector<16xi32>
        %and3A_358 = arith.andi %ge3A_355, %lt3A_357 : vector<16xi1>
        %all_reduce_population_count3A = tpu.all_reduce %and3A_358 {dim = 0 : i64, kind = #tpu.reduction_kind<sum>} : vector<16xi1> -> vector<16xi32>
        %slice3A = vector.extract_strided_slice %all_reduce_population_count3A {offsets = [0], sizes = [1], strides = [1]} : vector<16xi32> to vector<1xi32>
        %squeeze3A = vector.extract %slice3A[0] : i32 from vector<1xi32>
        %add3A_359 = vector.broadcast %mul3A_350 : i32 to vector<16xi32>
        %add3A_360 = arith.addi %add3A_359, %iota3A : vector<16xi32>
        %jit3A_361 = arith.constant 0 : i32
        %broadcast_in_dim3A = vector.broadcast %jit3A_361 : i32 to vector<16xi32>
        %select_n3A_362 = arith.select %and3A_358, %sub3A_353, %broadcast_in_dim3A : vector<16xi1>, vector<16xi32>
        %eq3A = arith.constant 1 : i32
        %eq3A_363 = arith.cmpi eq, %squeeze3A, %eq3A : i32
        %convert_element_type3A_364 = arith.extui %eq3A_363 : i1 to i32
        %cond3A_365 = arith.constant 0 : i32
        %cond3A_366 = arith.cmpi ne, %convert_element_type3A_364, %cond3A_365 : i32
        scf.if %cond3A_366 {
          tpu.vector_store_idx %arg10[%select_n3A_362], %add3A_360 masked %and3A_358 : memref<3136xi32, #tpu.memory_space<vmem>>[vector<16xi32>], vector<16xi32>, vector<16xi1>
        } else {
        }
        %gt3A_367 = arith.constant 1 : i32
        %gt3A_368 = arith.cmpi sgt, %squeeze3A, %gt3A_367 : i32
        %convert_element_type3A_369 = arith.extui %gt3A_368 : i1 to i32
        %cond3A_370 = arith.constant 0 : i32
        %cond3A_371 = arith.cmpi ne, %convert_element_type3A_369, %cond3A_370 : i32
        scf.if %cond3A_371 {
          %jit3A_372 = arith.constant -1 : i32
          %broadcast_in_dim3A_373 = vector.broadcast %jit3A_372 : i32 to vector<16xi32>
          %select_n3A_374 = arith.select %and3A_358, %sub3A_353, %broadcast_in_dim3A_373 : vector<16xi1>, vector<16xi32>
          %broadcast_in_dim3A_375 = arith.constant false
          %broadcast_in_dim3A_376 = vector.broadcast %broadcast_in_dim3A_375 : i1 to vector<16xi1>
          %add3A_377 = arith.constant 1 : i32
          %add3A_378 = vector.broadcast %add3A_377 : i32 to vector<16xi32>
          %add3A_379 = arith.addi %iota3A, %add3A_378 : vector<16xi32>
          %min3A_380 = arith.constant 15 : i32
          %min3A_381 = vector.broadcast %min3A_380 : i32 to vector<16xi32>
          %min3A_382 = arith.minsi %add3A_379, %min3A_381 : vector<16xi32>
          %lt3A_383 = arith.constant 0 : i32
          %lt3A_384 = vector.broadcast %lt3A_383 : i32 to vector<16xi32>
          %lt3A_385 = arith.cmpi slt, %min3A_382, %lt3A_384 : vector<16xi32>
          %add3A_386 = arith.constant 16 : i32
          %add3A_387 = vector.broadcast %add3A_386 : i32 to vector<16xi32>
          %add3A_388 = arith.addi %min3A_382, %add3A_387 : vector<16xi32>
          %select_n3A_389 = arith.select %lt3A_385, %add3A_388, %min3A_382 : vector<16xi1>, vector<16xi32>
          %broadcast_in_dim3A_390 = vector.shape_cast %select_n3A_389 : vector<16xi32> to vector<16x1xi32>
          %gather3A = vector.shape_cast %broadcast_in_dim3A_390 : vector<16x1xi32> to vector<16xi32>
          %gather3A_391 = tpu.dynamic_gather %select_n3A_374[%gather3A] in [0] : vector<16xi32>, vector<16xi32> -> vector<16xi32>
          %lt3A_392 = arith.constant 15 : i32
          %lt3A_393 = vector.broadcast %lt3A_392 : i32 to vector<16xi32>
          %lt3A_394 = arith.cmpi slt, %iota3A, %lt3A_393 : vector<16xi32>
          %eq3A_395 = arith.cmpi eq, %gather3A_391, %select_n3A_374 : vector<16xi32>
          %and3A_396 = arith.andi %lt3A_394, %eq3A_395 : vector<16xi1>
          %or3A = arith.ori %broadcast_in_dim3A_376, %and3A_396 : vector<16xi1>
          %add3A_397 = arith.constant 2 : i32
          %add3A_398 = vector.broadcast %add3A_397 : i32 to vector<16xi32>
          %add3A_399 = arith.addi %iota3A, %add3A_398 : vector<16xi32>
          %min3A_400 = arith.constant 15 : i32
          %min3A_401 = vector.broadcast %min3A_400 : i32 to vector<16xi32>
          %min3A_402 = arith.minsi %add3A_399, %min3A_401 : vector<16xi32>
          %lt3A_403 = arith.constant 0 : i32
          %lt3A_404 = vector.broadcast %lt3A_403 : i32 to vector<16xi32>
          %lt3A_405 = arith.cmpi slt, %min3A_402, %lt3A_404 : vector<16xi32>
          %add3A_406 = arith.constant 16 : i32
          %add3A_407 = vector.broadcast %add3A_406 : i32 to vector<16xi32>
          %add3A_408 = arith.addi %min3A_402, %add3A_407 : vector<16xi32>
          %select_n3A_409 = arith.select %lt3A_405, %add3A_408, %min3A_402 : vector<16xi1>, vector<16xi32>
          %broadcast_in_dim3A_410 = vector.shape_cast %select_n3A_409 : vector<16xi32> to vector<16x1xi32>
          %gather3A_411 = vector.shape_cast %broadcast_in_dim3A_410 : vector<16x1xi32> to vector<16xi32>
          %gather3A_412 = tpu.dynamic_gather %select_n3A_374[%gather3A_411] in [0] : vector<16xi32>, vector<16xi32> -> vector<16xi32>
          %lt3A_413 = arith.constant 14 : i32
          %lt3A_414 = vector.broadcast %lt3A_413 : i32 to vector<16xi32>
          %lt3A_415 = arith.cmpi slt, %iota3A, %lt3A_414 : vector<16xi32>
          %eq3A_416 = arith.cmpi eq, %gather3A_412, %select_n3A_374 : vector<16xi32>
          %and3A_417 = arith.andi %lt3A_415, %eq3A_416 : vector<16xi1>
          %or3A_418 = arith.ori %or3A, %and3A_417 : vector<16xi1>
          %add3A_419 = arith.constant 3 : i32
          %add3A_420 = vector.broadcast %add3A_419 : i32 to vector<16xi32>
          %add3A_421 = arith.addi %iota3A, %add3A_420 : vector<16xi32>
          %min3A_422 = arith.constant 15 : i32
          %min3A_423 = vector.broadcast %min3A_422 : i32 to vector<16xi32>
          %min3A_424 = arith.minsi %add3A_421, %min3A_423 : vector<16xi32>
          %lt3A_425 = arith.constant 0 : i32
          %lt3A_426 = vector.broadcast %lt3A_425 : i32 to vector<16xi32>
          %lt3A_427 = arith.cmpi slt, %min3A_424, %lt3A_426 : vector<16xi32>
          %add3A_428 = arith.constant 16 : i32
          %add3A_429 = vector.broadcast %add3A_428 : i32 to vector<16xi32>
          %add3A_430 = arith.addi %min3A_424, %add3A_429 : vector<16xi32>
          %select_n3A_431 = arith.select %lt3A_427, %add3A_430, %min3A_424 : vector<16xi1>, vector<16xi32>
          %broadcast_in_dim3A_432 = vector.shape_cast %select_n3A_431 : vector<16xi32> to vector<16x1xi32>
          %gather3A_433 = vector.shape_cast %broadcast_in_dim3A_432 : vector<16x1xi32> to vector<16xi32>
          %gather3A_434 = tpu.dynamic_gather %select_n3A_374[%gather3A_433] in [0] : vector<16xi32>, vector<16xi32> -> vector<16xi32>
          %lt3A_435 = arith.constant 13 : i32
          %lt3A_436 = vector.broadcast %lt3A_435 : i32 to vector<16xi32>
          %lt3A_437 = arith.cmpi slt, %iota3A, %lt3A_436 : vector<16xi32>
          %eq3A_438 = arith.cmpi eq, %gather3A_434, %select_n3A_374 : vector<16xi32>
          %and3A_439 = arith.andi %lt3A_437, %eq3A_438 : vector<16xi1>
          %or3A_440 = arith.ori %or3A_418, %and3A_439 : vector<16xi1>
          %add3A_441 = arith.constant 4 : i32
          %add3A_442 = vector.broadcast %add3A_441 : i32 to vector<16xi32>
          %add3A_443 = arith.addi %iota3A, %add3A_442 : vector<16xi32>
          %min3A_444 = arith.constant 15 : i32
          %min3A_445 = vector.broadcast %min3A_444 : i32 to vector<16xi32>
          %min3A_446 = arith.minsi %add3A_443, %min3A_445 : vector<16xi32>
          %lt3A_447 = arith.constant 0 : i32
          %lt3A_448 = vector.broadcast %lt3A_447 : i32 to vector<16xi32>
          %lt3A_449 = arith.cmpi slt, %min3A_446, %lt3A_448 : vector<16xi32>
          %add3A_450 = arith.constant 16 : i32
          %add3A_451 = vector.broadcast %add3A_450 : i32 to vector<16xi32>
          %add3A_452 = arith.addi %min3A_446, %add3A_451 : vector<16xi32>
          %select_n3A_453 = arith.select %lt3A_449, %add3A_452, %min3A_446 : vector<16xi1>, vector<16xi32>
          %broadcast_in_dim3A_454 = vector.shape_cast %select_n3A_453 : vector<16xi32> to vector<16x1xi32>
          %gather3A_455 = vector.shape_cast %broadcast_in_dim3A_454 : vector<16x1xi32> to vector<16xi32>
          %gather3A_456 = tpu.dynamic_gather %select_n3A_374[%gather3A_455] in [0] : vector<16xi32>, vector<16xi32> -> vector<16xi32>
          %lt3A_457 = arith.constant 12 : i32
          %lt3A_458 = vector.broadcast %lt3A_457 : i32 to vector<16xi32>
          %lt3A_459 = arith.cmpi slt, %iota3A, %lt3A_458 : vector<16xi32>
          %eq3A_460 = arith.cmpi eq, %gather3A_456, %select_n3A_374 : vector<16xi32>
          %and3A_461 = arith.andi %lt3A_459, %eq3A_460 : vector<16xi1>
          %or3A_462 = arith.ori %or3A_440, %and3A_461 : vector<16xi1>
          %add3A_463 = arith.constant 5 : i32
          %add3A_464 = vector.broadcast %add3A_463 : i32 to vector<16xi32>
          %add3A_465 = arith.addi %iota3A, %add3A_464 : vector<16xi32>
          %min3A_466 = arith.constant 15 : i32
          %min3A_467 = vector.broadcast %min3A_466 : i32 to vector<16xi32>
          %min3A_468 = arith.minsi %add3A_465, %min3A_467 : vector<16xi32>
          %lt3A_469 = arith.constant 0 : i32
          %lt3A_470 = vector.broadcast %lt3A_469 : i32 to vector<16xi32>
          %lt3A_471 = arith.cmpi slt, %min3A_468, %lt3A_470 : vector<16xi32>
          %add3A_472 = arith.constant 16 : i32
          %add3A_473 = vector.broadcast %add3A_472 : i32 to vector<16xi32>
          %add3A_474 = arith.addi %min3A_468, %add3A_473 : vector<16xi32>
          %select_n3A_475 = arith.select %lt3A_471, %add3A_474, %min3A_468 : vector<16xi1>, vector<16xi32>
          %broadcast_in_dim3A_476 = vector.shape_cast %select_n3A_475 : vector<16xi32> to vector<16x1xi32>
          %gather3A_477 = vector.shape_cast %broadcast_in_dim3A_476 : vector<16x1xi32> to vector<16xi32>
          %gather3A_478 = tpu.dynamic_gather %select_n3A_374[%gather3A_477] in [0] : vector<16xi32>, vector<16xi32> -> vector<16xi32>
          %lt3A_479 = arith.constant 11 : i32
          %lt3A_480 = vector.broadcast %lt3A_479 : i32 to vector<16xi32>
          %lt3A_481 = arith.cmpi slt, %iota3A, %lt3A_480 : vector<16xi32>
          %eq3A_482 = arith.cmpi eq, %gather3A_478, %select_n3A_374 : vector<16xi32>
          %and3A_483 = arith.andi %lt3A_481, %eq3A_482 : vector<16xi1>
          %or3A_484 = arith.ori %or3A_462, %and3A_483 : vector<16xi1>
          %add3A_485 = arith.constant 6 : i32
          %add3A_486 = vector.broadcast %add3A_485 : i32 to vector<16xi32>
          %add3A_487 = arith.addi %iota3A, %add3A_486 : vector<16xi32>
          %min3A_488 = arith.constant 15 : i32
          %min3A_489 = vector.broadcast %min3A_488 : i32 to vector<16xi32>
          %min3A_490 = arith.minsi %add3A_487, %min3A_489 : vector<16xi32>
          %lt3A_491 = arith.constant 0 : i32
          %lt3A_492 = vector.broadcast %lt3A_491 : i32 to vector<16xi32>
          %lt3A_493 = arith.cmpi slt, %min3A_490, %lt3A_492 : vector<16xi32>
          %add3A_494 = arith.constant 16 : i32
          %add3A_495 = vector.broadcast %add3A_494 : i32 to vector<16xi32>
          %add3A_496 = arith.addi %min3A_490, %add3A_495 : vector<16xi32>
          %select_n3A_497 = arith.select %lt3A_493, %add3A_496, %min3A_490 : vector<16xi1>, vector<16xi32>
          %broadcast_in_dim3A_498 = vector.shape_cast %select_n3A_497 : vector<16xi32> to vector<16x1xi32>
          %gather3A_499 = vector.shape_cast %broadcast_in_dim3A_498 : vector<16x1xi32> to vector<16xi32>
          %gather3A_500 = tpu.dynamic_gather %select_n3A_374[%gather3A_499] in [0] : vector<16xi32>, vector<16xi32> -> vector<16xi32>
          %lt3A_501 = arith.constant 10 : i32
          %lt3A_502 = vector.broadcast %lt3A_501 : i32 to vector<16xi32>
          %lt3A_503 = arith.cmpi slt, %iota3A, %lt3A_502 : vector<16xi32>
          %eq3A_504 = arith.cmpi eq, %gather3A_500, %select_n3A_374 : vector<16xi32>
          %and3A_505 = arith.andi %lt3A_503, %eq3A_504 : vector<16xi1>
          %or3A_506 = arith.ori %or3A_484, %and3A_505 : vector<16xi1>
          %add3A_507 = arith.constant 7 : i32
          %add3A_508 = vector.broadcast %add3A_507 : i32 to vector<16xi32>
          %add3A_509 = arith.addi %iota3A, %add3A_508 : vector<16xi32>
          %min3A_510 = arith.constant 15 : i32
          %min3A_511 = vector.broadcast %min3A_510 : i32 to vector<16xi32>
          %min3A_512 = arith.minsi %add3A_509, %min3A_511 : vector<16xi32>
          %lt3A_513 = arith.constant 0 : i32
          %lt3A_514 = vector.broadcast %lt3A_513 : i32 to vector<16xi32>
          %lt3A_515 = arith.cmpi slt, %min3A_512, %lt3A_514 : vector<16xi32>
          %add3A_516 = arith.constant 16 : i32
          %add3A_517 = vector.broadcast %add3A_516 : i32 to vector<16xi32>
          %add3A_518 = arith.addi %min3A_512, %add3A_517 : vector<16xi32>
          %select_n3A_519 = arith.select %lt3A_515, %add3A_518, %min3A_512 : vector<16xi1>, vector<16xi32>
          %broadcast_in_dim3A_520 = vector.shape_cast %select_n3A_519 : vector<16xi32> to vector<16x1xi32>
          %gather3A_521 = vector.shape_cast %broadcast_in_dim3A_520 : vector<16x1xi32> to vector<16xi32>
          %gather3A_522 = tpu.dynamic_gather %select_n3A_374[%gather3A_521] in [0] : vector<16xi32>, vector<16xi32> -> vector<16xi32>
          %lt3A_523 = arith.constant 9 : i32
          %lt3A_524 = vector.broadcast %lt3A_523 : i32 to vector<16xi32>
          %lt3A_525 = arith.cmpi slt, %iota3A, %lt3A_524 : vector<16xi32>
          %eq3A_526 = arith.cmpi eq, %gather3A_522, %select_n3A_374 : vector<16xi32>
          %and3A_527 = arith.andi %lt3A_525, %eq3A_526 : vector<16xi1>
          %or3A_528 = arith.ori %or3A_506, %and3A_527 : vector<16xi1>
          %add3A_529 = arith.constant 8 : i32
          %add3A_530 = vector.broadcast %add3A_529 : i32 to vector<16xi32>
          %add3A_531 = arith.addi %iota3A, %add3A_530 : vector<16xi32>
          %min3A_532 = arith.constant 15 : i32
          %min3A_533 = vector.broadcast %min3A_532 : i32 to vector<16xi32>
          %min3A_534 = arith.minsi %add3A_531, %min3A_533 : vector<16xi32>
          %lt3A_535 = arith.constant 0 : i32
          %lt3A_536 = vector.broadcast %lt3A_535 : i32 to vector<16xi32>
          %lt3A_537 = arith.cmpi slt, %min3A_534, %lt3A_536 : vector<16xi32>
          %add3A_538 = arith.constant 16 : i32
          %add3A_539 = vector.broadcast %add3A_538 : i32 to vector<16xi32>
          %add3A_540 = arith.addi %min3A_534, %add3A_539 : vector<16xi32>
          %select_n3A_541 = arith.select %lt3A_537, %add3A_540, %min3A_534 : vector<16xi1>, vector<16xi32>
          %broadcast_in_dim3A_542 = vector.shape_cast %select_n3A_541 : vector<16xi32> to vector<16x1xi32>
          %gather3A_543 = vector.shape_cast %broadcast_in_dim3A_542 : vector<16x1xi32> to vector<16xi32>
          %gather3A_544 = tpu.dynamic_gather %select_n3A_374[%gather3A_543] in [0] : vector<16xi32>, vector<16xi32> -> vector<16xi32>
          %lt3A_545 = arith.constant 8 : i32
          %lt3A_546 = vector.broadcast %lt3A_545 : i32 to vector<16xi32>
          %lt3A_547 = arith.cmpi slt, %iota3A, %lt3A_546 : vector<16xi32>
          %eq3A_548 = arith.cmpi eq, %gather3A_544, %select_n3A_374 : vector<16xi32>
          %and3A_549 = arith.andi %lt3A_547, %eq3A_548 : vector<16xi1>
          %or3A_550 = arith.ori %or3A_528, %and3A_549 : vector<16xi1>
          %add3A_551 = arith.constant 9 : i32
          %add3A_552 = vector.broadcast %add3A_551 : i32 to vector<16xi32>
          %add3A_553 = arith.addi %iota3A, %add3A_552 : vector<16xi32>
          %min3A_554 = arith.constant 15 : i32
          %min3A_555 = vector.broadcast %min3A_554 : i32 to vector<16xi32>
          %min3A_556 = arith.minsi %add3A_553, %min3A_555 : vector<16xi32>
          %lt3A_557 = arith.constant 0 : i32
          %lt3A_558 = vector.broadcast %lt3A_557 : i32 to vector<16xi32>
          %lt3A_559 = arith.cmpi slt, %min3A_556, %lt3A_558 : vector<16xi32>
          %add3A_560 = arith.constant 16 : i32
          %add3A_561 = vector.broadcast %add3A_560 : i32 to vector<16xi32>
          %add3A_562 = arith.addi %min3A_556, %add3A_561 : vector<16xi32>
          %select_n3A_563 = arith.select %lt3A_559, %add3A_562, %min3A_556 : vector<16xi1>, vector<16xi32>
          %broadcast_in_dim3A_564 = vector.shape_cast %select_n3A_563 : vector<16xi32> to vector<16x1xi32>
          %gather3A_565 = vector.shape_cast %broadcast_in_dim3A_564 : vector<16x1xi32> to vector<16xi32>
          %gather3A_566 = tpu.dynamic_gather %select_n3A_374[%gather3A_565] in [0] : vector<16xi32>, vector<16xi32> -> vector<16xi32>
          %lt3A_567 = arith.constant 7 : i32
          %lt3A_568 = vector.broadcast %lt3A_567 : i32 to vector<16xi32>
          %lt3A_569 = arith.cmpi slt, %iota3A, %lt3A_568 : vector<16xi32>
          %eq3A_570 = arith.cmpi eq, %gather3A_566, %select_n3A_374 : vector<16xi32>
          %and3A_571 = arith.andi %lt3A_569, %eq3A_570 : vector<16xi1>
          %or3A_572 = arith.ori %or3A_550, %and3A_571 : vector<16xi1>
          %add3A_573 = arith.constant 10 : i32
          %add3A_574 = vector.broadcast %add3A_573 : i32 to vector<16xi32>
          %add3A_575 = arith.addi %iota3A, %add3A_574 : vector<16xi32>
          %min3A_576 = arith.constant 15 : i32
          %min3A_577 = vector.broadcast %min3A_576 : i32 to vector<16xi32>
          %min3A_578 = arith.minsi %add3A_575, %min3A_577 : vector<16xi32>
          %lt3A_579 = arith.constant 0 : i32
          %lt3A_580 = vector.broadcast %lt3A_579 : i32 to vector<16xi32>
          %lt3A_581 = arith.cmpi slt, %min3A_578, %lt3A_580 : vector<16xi32>
          %add3A_582 = arith.constant 16 : i32
          %add3A_583 = vector.broadcast %add3A_582 : i32 to vector<16xi32>
          %add3A_584 = arith.addi %min3A_578, %add3A_583 : vector<16xi32>
          %select_n3A_585 = arith.select %lt3A_581, %add3A_584, %min3A_578 : vector<16xi1>, vector<16xi32>
          %broadcast_in_dim3A_586 = vector.shape_cast %select_n3A_585 : vector<16xi32> to vector<16x1xi32>
          %gather3A_587 = vector.shape_cast %broadcast_in_dim3A_586 : vector<16x1xi32> to vector<16xi32>
          %gather3A_588 = tpu.dynamic_gather %select_n3A_374[%gather3A_587] in [0] : vector<16xi32>, vector<16xi32> -> vector<16xi32>
          %lt3A_589 = arith.constant 6 : i32
          %lt3A_590 = vector.broadcast %lt3A_589 : i32 to vector<16xi32>
          %lt3A_591 = arith.cmpi slt, %iota3A, %lt3A_590 : vector<16xi32>
          %eq3A_592 = arith.cmpi eq, %gather3A_588, %select_n3A_374 : vector<16xi32>
          %and3A_593 = arith.andi %lt3A_591, %eq3A_592 : vector<16xi1>
          %or3A_594 = arith.ori %or3A_572, %and3A_593 : vector<16xi1>
          %add3A_595 = arith.constant 11 : i32
          %add3A_596 = vector.broadcast %add3A_595 : i32 to vector<16xi32>
          %add3A_597 = arith.addi %iota3A, %add3A_596 : vector<16xi32>
          %min3A_598 = arith.constant 15 : i32
          %min3A_599 = vector.broadcast %min3A_598 : i32 to vector<16xi32>
          %min3A_600 = arith.minsi %add3A_597, %min3A_599 : vector<16xi32>
          %lt3A_601 = arith.constant 0 : i32
          %lt3A_602 = vector.broadcast %lt3A_601 : i32 to vector<16xi32>
          %lt3A_603 = arith.cmpi slt, %min3A_600, %lt3A_602 : vector<16xi32>
          %add3A_604 = arith.constant 16 : i32
          %add3A_605 = vector.broadcast %add3A_604 : i32 to vector<16xi32>
          %add3A_606 = arith.addi %min3A_600, %add3A_605 : vector<16xi32>
          %select_n3A_607 = arith.select %lt3A_603, %add3A_606, %min3A_600 : vector<16xi1>, vector<16xi32>
          %broadcast_in_dim3A_608 = vector.shape_cast %select_n3A_607 : vector<16xi32> to vector<16x1xi32>
          %gather3A_609 = vector.shape_cast %broadcast_in_dim3A_608 : vector<16x1xi32> to vector<16xi32>
          %gather3A_610 = tpu.dynamic_gather %select_n3A_374[%gather3A_609] in [0] : vector<16xi32>, vector<16xi32> -> vector<16xi32>
          %lt3A_611 = arith.constant 5 : i32
          %lt3A_612 = vector.broadcast %lt3A_611 : i32 to vector<16xi32>
          %lt3A_613 = arith.cmpi slt, %iota3A, %lt3A_612 : vector<16xi32>
          %eq3A_614 = arith.cmpi eq, %gather3A_610, %select_n3A_374 : vector<16xi32>
          %and3A_615 = arith.andi %lt3A_613, %eq3A_614 : vector<16xi1>
          %or3A_616 = arith.ori %or3A_594, %and3A_615 : vector<16xi1>
          %add3A_617 = arith.constant 12 : i32
          %add3A_618 = vector.broadcast %add3A_617 : i32 to vector<16xi32>
          %add3A_619 = arith.addi %iota3A, %add3A_618 : vector<16xi32>
          %min3A_620 = arith.constant 15 : i32
          %min3A_621 = vector.broadcast %min3A_620 : i32 to vector<16xi32>
          %min3A_622 = arith.minsi %add3A_619, %min3A_621 : vector<16xi32>
          %lt3A_623 = arith.constant 0 : i32
          %lt3A_624 = vector.broadcast %lt3A_623 : i32 to vector<16xi32>
          %lt3A_625 = arith.cmpi slt, %min3A_622, %lt3A_624 : vector<16xi32>
          %add3A_626 = arith.constant 16 : i32
          %add3A_627 = vector.broadcast %add3A_626 : i32 to vector<16xi32>
          %add3A_628 = arith.addi %min3A_622, %add3A_627 : vector<16xi32>
          %select_n3A_629 = arith.select %lt3A_625, %add3A_628, %min3A_622 : vector<16xi1>, vector<16xi32>
          %broadcast_in_dim3A_630 = vector.shape_cast %select_n3A_629 : vector<16xi32> to vector<16x1xi32>
          %gather3A_631 = vector.shape_cast %broadcast_in_dim3A_630 : vector<16x1xi32> to vector<16xi32>
          %gather3A_632 = tpu.dynamic_gather %select_n3A_374[%gather3A_631] in [0] : vector<16xi32>, vector<16xi32> -> vector<16xi32>
          %lt3A_633 = arith.constant 4 : i32
          %lt3A_634 = vector.broadcast %lt3A_633 : i32 to vector<16xi32>
          %lt3A_635 = arith.cmpi slt, %iota3A, %lt3A_634 : vector<16xi32>
          %eq3A_636 = arith.cmpi eq, %gather3A_632, %select_n3A_374 : vector<16xi32>
          %and3A_637 = arith.andi %lt3A_635, %eq3A_636 : vector<16xi1>
          %or3A_638 = arith.ori %or3A_616, %and3A_637 : vector<16xi1>
          %add3A_639 = arith.constant 13 : i32
          %add3A_640 = vector.broadcast %add3A_639 : i32 to vector<16xi32>
          %add3A_641 = arith.addi %iota3A, %add3A_640 : vector<16xi32>
          %min3A_642 = arith.constant 15 : i32
          %min3A_643 = vector.broadcast %min3A_642 : i32 to vector<16xi32>
          %min3A_644 = arith.minsi %add3A_641, %min3A_643 : vector<16xi32>
          %lt3A_645 = arith.constant 0 : i32
          %lt3A_646 = vector.broadcast %lt3A_645 : i32 to vector<16xi32>
          %lt3A_647 = arith.cmpi slt, %min3A_644, %lt3A_646 : vector<16xi32>
          %add3A_648 = arith.constant 16 : i32
          %add3A_649 = vector.broadcast %add3A_648 : i32 to vector<16xi32>
          %add3A_650 = arith.addi %min3A_644, %add3A_649 : vector<16xi32>
          %select_n3A_651 = arith.select %lt3A_647, %add3A_650, %min3A_644 : vector<16xi1>, vector<16xi32>
          %broadcast_in_dim3A_652 = vector.shape_cast %select_n3A_651 : vector<16xi32> to vector<16x1xi32>
          %gather3A_653 = vector.shape_cast %broadcast_in_dim3A_652 : vector<16x1xi32> to vector<16xi32>
          %gather3A_654 = tpu.dynamic_gather %select_n3A_374[%gather3A_653] in [0] : vector<16xi32>, vector<16xi32> -> vector<16xi32>
          %lt3A_655 = arith.constant 3 : i32
          %lt3A_656 = vector.broadcast %lt3A_655 : i32 to vector<16xi32>
          %lt3A_657 = arith.cmpi slt, %iota3A, %lt3A_656 : vector<16xi32>
          %eq3A_658 = arith.cmpi eq, %gather3A_654, %select_n3A_374 : vector<16xi32>
          %and3A_659 = arith.andi %lt3A_657, %eq3A_658 : vector<16xi1>
          %or3A_660 = arith.ori %or3A_638, %and3A_659 : vector<16xi1>
          %add3A_661 = arith.constant 14 : i32
          %add3A_662 = vector.broadcast %add3A_661 : i32 to vector<16xi32>
          %add3A_663 = arith.addi %iota3A, %add3A_662 : vector<16xi32>
          %min3A_664 = arith.constant 15 : i32
          %min3A_665 = vector.broadcast %min3A_664 : i32 to vector<16xi32>
          %min3A_666 = arith.minsi %add3A_663, %min3A_665 : vector<16xi32>
          %lt3A_667 = arith.constant 0 : i32
          %lt3A_668 = vector.broadcast %lt3A_667 : i32 to vector<16xi32>
          %lt3A_669 = arith.cmpi slt, %min3A_666, %lt3A_668 : vector<16xi32>
          %add3A_670 = arith.constant 16 : i32
          %add3A_671 = vector.broadcast %add3A_670 : i32 to vector<16xi32>
          %add3A_672 = arith.addi %min3A_666, %add3A_671 : vector<16xi32>
          %select_n3A_673 = arith.select %lt3A_669, %add3A_672, %min3A_666 : vector<16xi1>, vector<16xi32>
          %broadcast_in_dim3A_674 = vector.shape_cast %select_n3A_673 : vector<16xi32> to vector<16x1xi32>
          %gather3A_675 = vector.shape_cast %broadcast_in_dim3A_674 : vector<16x1xi32> to vector<16xi32>
          %gather3A_676 = tpu.dynamic_gather %select_n3A_374[%gather3A_675] in [0] : vector<16xi32>, vector<16xi32> -> vector<16xi32>
          %lt3A_677 = arith.constant 2 : i32
          %lt3A_678 = vector.broadcast %lt3A_677 : i32 to vector<16xi32>
          %lt3A_679 = arith.cmpi slt, %iota3A, %lt3A_678 : vector<16xi32>
          %eq3A_680 = arith.cmpi eq, %gather3A_676, %select_n3A_374 : vector<16xi32>
          %and3A_681 = arith.andi %lt3A_679, %eq3A_680 : vector<16xi1>
          %or3A_682 = arith.ori %or3A_660, %and3A_681 : vector<16xi1>
          %add3A_683 = arith.constant 15 : i32
          %add3A_684 = vector.broadcast %add3A_683 : i32 to vector<16xi32>
          %add3A_685 = arith.addi %iota3A, %add3A_684 : vector<16xi32>
          %min3A_686 = arith.constant 15 : i32
          %min3A_687 = vector.broadcast %min3A_686 : i32 to vector<16xi32>
          %min3A_688 = arith.minsi %add3A_685, %min3A_687 : vector<16xi32>
          %lt3A_689 = arith.constant 0 : i32
          %lt3A_690 = vector.broadcast %lt3A_689 : i32 to vector<16xi32>
          %lt3A_691 = arith.cmpi slt, %min3A_688, %lt3A_690 : vector<16xi32>
          %add3A_692 = arith.constant 16 : i32
          %add3A_693 = vector.broadcast %add3A_692 : i32 to vector<16xi32>
          %add3A_694 = arith.addi %min3A_688, %add3A_693 : vector<16xi32>
          %select_n3A_695 = arith.select %lt3A_691, %add3A_694, %min3A_688 : vector<16xi1>, vector<16xi32>
          %broadcast_in_dim3A_696 = vector.shape_cast %select_n3A_695 : vector<16xi32> to vector<16x1xi32>
          %gather3A_697 = vector.shape_cast %broadcast_in_dim3A_696 : vector<16x1xi32> to vector<16xi32>
          %gather3A_698 = tpu.dynamic_gather %select_n3A_374[%gather3A_697] in [0] : vector<16xi32>, vector<16xi32> -> vector<16xi32>
          %lt3A_699 = arith.constant 1 : i32
          %lt3A_700 = vector.broadcast %lt3A_699 : i32 to vector<16xi32>
          %lt3A_701 = arith.cmpi slt, %iota3A, %lt3A_700 : vector<16xi32>
          %eq3A_702 = arith.cmpi eq, %gather3A_698, %select_n3A_374 : vector<16xi32>
          %and3A_703 = arith.andi %lt3A_701, %eq3A_702 : vector<16xi1>
          %or3A_704 = arith.ori %or3A_682, %and3A_703 : vector<16xi1>
          %not3A = arith.constant dense<true> : vector<16xi1>
          %not3A_705 = arith.xori %or3A_704, %not3A : vector<16xi1>
          %and3A_706 = arith.andi %and3A_358, %not3A_705 : vector<16xi1>
          tpu.vector_store_idx %arg10[%select_n3A_362], %add3A_360 masked %and3A_706 : memref<3136xi32, #tpu.memory_space<vmem>>[vector<16xi32>], vector<16xi32>, vector<16xi1>
        } else {
        }
      }
      %while3A_271 = arith.constant 1 : i32
      scf.for %while3A_348 = %while3A_269 to %while3A_265 step %while3A_271  : i32 {
        %mul3A_349 = arith.constant 16 : i32
        %mul3A_350 = arith.muli %while3A_348, %mul3A_349 : i32
        %get3A = arith.index_cast %mul3A_350 : i32 to index
        %get3A_351 = tpu.vector_load %arg9[%get3A] {strides = array<i32>} : memref<16384xi32, #tpu.memory_space<vmem>>, vector<16xi32>,
        %sub3A_352 = vector.broadcast %multiple_of3A : i32 to vector<16xi32>
        %sub3A_353 = arith.subi %get3A_351, %sub3A_352 : vector<16xi32>
        %ge3A = arith.constant 0 : i32
        %ge3A_354 = vector.broadcast %ge3A : i32 to vector<16xi32>
        %ge3A_355 = arith.cmpi sge, %sub3A_353, %ge3A_354 : vector<16xi32>
        %lt3A_356 = vector.broadcast %min3A_4 : i32 to vector<16xi32>
        %lt3A_357 = arith.cmpi slt, %sub3A_353, %lt3A_356 : vector<16xi32>
        %and3A_358 = arith.andi %ge3A_355, %lt3A_357 : vector<16xi1>
        %all_reduce_population_count3A = tpu.all_reduce %and3A_358 {dim = 0 : i64, kind = #tpu.reduction_kind<sum>} : vector<16xi1> -> vector<16xi32>
        %slice3A = vector.extract_strided_slice %all_reduce_population_count3A {offsets = [0], sizes = [1], strides = [1]} : vector<16xi32> to vector<1xi32>
        %squeeze3A = vector.extract %slice3A[0] : i32 from vector<1xi32>
        %add3A_359 = vector.broadcast %mul3A_350 : i32 to vector<16xi32>
        %add3A_360 = arith.addi %add3A_359, %iota3A : vector<16xi32>
        %jit3A_361 = arith.constant 0 : i32
        %broadcast_in_dim3A = vector.broadcast %jit3A_361 : i32 to vector<16xi32>
        %select_n3A_362 = arith.select %and3A_358, %sub3A_353, %broadcast_in_dim3A : vector<16xi1>, vector<16xi32>
        %eq3A = arith.constant 1 : i32
        %eq3A_363 = arith.cmpi eq, %squeeze3A, %eq3A : i32
        %convert_element_type3A_364 = arith.extui %eq3A_363 : i1 to i32
        %cond3A_365 = arith.constant 0 : i32
        %cond3A_366 = arith.cmpi ne, %convert_element_type3A_364, %cond3A_365 : i32
        scf.if %cond3A_366 {
          tpu.vector_store_idx %arg10[%select_n3A_362], %add3A_360 masked %and3A_358 : memref<3136xi32, #tpu.memory_space<vmem>>[vector<16xi32>], vector<16xi32>, vector<16xi1>
        } else {
        }
        %gt3A_367 = arith.constant 1 : i32
        %gt3A_368 = arith.cmpi sgt, %squeeze3A, %gt3A_367 : i32
        %convert_element_type3A_369 = arith.extui %gt3A_368 : i1 to i32
        %cond3A_370 = arith.constant 0 : i32
        %cond3A_371 = arith.cmpi ne, %convert_element_type3A_369, %cond3A_370 : i32
        scf.if %cond3A_371 {
          %jit3A_372 = arith.constant -1 : i32
          %broadcast_in_dim3A_373 = vector.broadcast %jit3A_372 : i32 to vector<16xi32>
          %select_n3A_374 = arith.select %and3A_358, %sub3A_353, %broadcast_in_dim3A_373 : vector<16xi1>, vector<16xi32>
          %broadcast_in_dim3A_375 = arith.constant false
          %broadcast_in_dim3A_376 = vector.broadcast %broadcast_in_dim3A_375 : i1 to vector<16xi1>
          %add3A_377 = arith.constant 1 : i32
          %add3A_378 = vector.broadcast %add3A_377 : i32 to vector<16xi32>
          %add3A_379 = arith.addi %iota3A, %add3A_378 : vector<16xi32>
          %min3A_380 = arith.constant 15 : i32
          %min3A_381 = vector.broadcast %min3A_380 : i32 to vector<16xi32>
          %min3A_382 = arith.minsi %add3A_379, %min3A_381 : vector<16xi32>
          %lt3A_383 = arith.constant 0 : i32
          %lt3A_384 = vector.broadcast %lt3A_383 : i32 to vector<16xi32>
          %lt3A_385 = arith.cmpi slt, %min3A_382, %lt3A_384 : vector<16xi32>
          %add3A_386 = arith.constant 16 : i32
          %add3A_387 = vector.broadcast %add3A_386 : i32 to vector<16xi32>
          %add3A_388 = arith.addi %min3A_382, %add3A_387 : vector<16xi32>
          %select_n3A_389 = arith.select %lt3A_385, %add3A_388, %min3A_382 : vector<16xi1>, vector<16xi32>
          %broadcast_in_dim3A_390 = vector.shape_cast %select_n3A_389 : vector<16xi32> to vector<16x1xi32>
          %gather3A = vector.shape_cast %broadcast_in_dim3A_390 : vector<16x1xi32> to vector<16xi32>
          %gather3A_391 = tpu.dynamic_gather %select_n3A_374[%gather3A] in [0] : vector<16xi32>, vector<16xi32> -> vector<16xi32>
          %lt3A_392 = arith.constant 15 : i32
          %lt3A_393 = vector.broadcast %lt3A_392 : i32 to vector<16xi32>
          %lt3A_394 = arith.cmpi slt, %iota3A, %lt3A_393 : vector<16xi32>
          %eq3A_395 = arith.cmpi eq, %gather3A_391, %select_n3A_374 : vector<16xi32>
          %and3A_396 = arith.andi %lt3A_394, %eq3A_395 : vector<16xi1>
          %or3A = arith.ori %broadcast_in_dim3A_376, %and3A_396 : vector<16xi1>
          %add3A_397 = arith.constant 2 : i32
          %add3A_398 = vector.broadcast %add3A_397 : i32 to vector<16xi32>
          %add3A_399 = arith.addi %iota3A, %add3A_398 : vector<16xi32>
          %min3A_400 = arith.constant 15 : i32
          %min3A_401 = vector.broadcast %min3A_400 : i32 to vector<16xi32>
          %min3A_402 = arith.minsi %add3A_399, %min3A_401 : vector<16xi32>
          %lt3A_403 = arith.constant 0 : i32
          %lt3A_404 = vector.broadcast %lt3A_403 : i32 to vector<16xi32>
          %lt3A_405 = arith.cmpi slt, %min3A_402, %lt3A_404 : vector<16xi32>
          %add3A_406 = arith.constant 16 : i32
          %add3A_407 = vector.broadcast %add3A_406 : i32 to vector<16xi32>
          %add3A_408 = arith.addi %min3A_402, %add3A_407 : vector<16xi32>
          %select_n3A_409 = arith.select %lt3A_405, %add3A_408, %min3A_402 : vector<16xi1>, vector<16xi32>
          %broadcast_in_dim3A_410 = vector.shape_cast %select_n3A_409 : vector<16xi32> to vector<16x1xi32>
          %gather3A_411 = vector.shape_cast %broadcast_in_dim3A_410 : vector<16x1xi32> to vector<16xi32>
          %gather3A_412 = tpu.dynamic_gather %select_n3A_374[%gather3A_411] in [0] : vector<16xi32>, vector<16xi32> -> vector<16xi32>
          %lt3A_413 = arith.constant 14 : i32
          %lt3A_414 = vector.broadcast %lt3A_413 : i32 to vector<16xi32>
          %lt3A_415 = arith.cmpi slt, %iota3A, %lt3A_414 : vector<16xi32>
          %eq3A_416 = arith.cmpi eq, %gather3A_412, %select_n3A_374 : vector<16xi32>
          %and3A_417 = arith.andi %lt3A_415, %eq3A_416 : vector<16xi1>
          %or3A_418 = arith.ori %or3A, %and3A_417 : vector<16xi1>
          %add3A_419 = arith.constant 3 : i32
          %add3A_420 = vector.broadcast %add3A_419 : i32 to vector<16xi32>
          %add3A_421 = arith.addi %iota3A, %add3A_420 : vector<16xi32>
          %min3A_422 = arith.constant 15 : i32
          %min3A_423 = vector.broadcast %min3A_422 : i32 to vector<16xi32>
          %min3A_424 = arith.minsi %add3A_421, %min3A_423 : vector<16xi32>
          %lt3A_425 = arith.constant 0 : i32
          %lt3A_426 = vector.broadcast %lt3A_425 : i32 to vector<16xi32>
          %lt3A_427 = arith.cmpi slt, %min3A_424, %lt3A_426 : vector<16xi32>
          %add3A_428 = arith.constant 16 : i32
          %add3A_429 = vector.broadcast %add3A_428 : i32 to vector<16xi32>
          %add3A_430 = arith.addi %min3A_424, %add3A_429 : vector<16xi32>
          %select_n3A_431 = arith.select %lt3A_427, %add3A_430, %min3A_424 : vector<16xi1>, vector<16xi32>
          %broadcast_in_dim3A_432 = vector.shape_cast %select_n3A_431 : vector<16xi32> to vector<16x1xi32>
          %gather3A_433 = vector.shape_cast %broadcast_in_dim3A_432 : vector<16x1xi32> to vector<16xi32>
          %gather3A_434 = tpu.dynamic_gather %select_n3A_374[%gather3A_433] in [0] : vector<16xi32>, vector<16xi32> -> vector<16xi32>
          %lt3A_435 = arith.constant 13 : i32
          %lt3A_436 = vector.broadcast %lt3A_435 : i32 to vector<16xi32>
          %lt3A_437 = arith.cmpi slt, %iota3A, %lt3A_436 : vector<16xi32>
          %eq3A_438 = arith.cmpi eq, %gather3A_434, %select_n3A_374 : vector<16xi32>
          %and3A_439 = arith.andi %lt3A_437, %eq3A_438 : vector<16xi1>
          %or3A_440 = arith.ori %or3A_418, %and3A_439 : vector<16xi1>
          %add3A_441 = arith.constant 4 : i32
          %add3A_442 = vector.broadcast %add3A_441 : i32 to vector<16xi32>
          %add3A_443 = arith.addi %iota3A, %add3A_442 : vector<16xi32>
          %min3A_444 = arith.constant 15 : i32
          %min3A_445 = vector.broadcast %min3A_444 : i32 to vector<16xi32>
          %min3A_446 = arith.minsi %add3A_443, %min3A_445 : vector<16xi32>
          %lt3A_447 = arith.constant 0 : i32
          %lt3A_448 = vector.broadcast %lt3A_447 : i32 to vector<16xi32>
          %lt3A_449 = arith.cmpi slt, %min3A_446, %lt3A_448 : vector<16xi32>
          %add3A_450 = arith.constant 16 : i32
          %add3A_451 = vector.broadcast %add3A_450 : i32 to vector<16xi32>
          %add3A_452 = arith.addi %min3A_446, %add3A_451 : vector<16xi32>
          %select_n3A_453 = arith.select %lt3A_449, %add3A_452, %min3A_446 : vector<16xi1>, vector<16xi32>
          %broadcast_in_dim3A_454 = vector.shape_cast %select_n3A_453 : vector<16xi32> to vector<16x1xi32>
          %gather3A_455 = vector.shape_cast %broadcast_in_dim3A_454 : vector<16x1xi32> to vector<16xi32>
          %gather3A_456 = tpu.dynamic_gather %select_n3A_374[%gather3A_455] in [0] : vector<16xi32>, vector<16xi32> -> vector<16xi32>
          %lt3A_457 = arith.constant 12 : i32
          %lt3A_458 = vector.broadcast %lt3A_457 : i32 to vector<16xi32>
          %lt3A_459 = arith.cmpi slt, %iota3A, %lt3A_458 : vector<16xi32>
          %eq3A_460 = arith.cmpi eq, %gather3A_456, %select_n3A_374 : vector<16xi32>
          %and3A_461 = arith.andi %lt3A_459, %eq3A_460 : vector<16xi1>
          %or3A_462 = arith.ori %or3A_440, %and3A_461 : vector<16xi1>
          %add3A_463 = arith.constant 5 : i32
          %add3A_464 = vector.broadcast %add3A_463 : i32 to vector<16xi32>
          %add3A_465 = arith.addi %iota3A, %add3A_464 : vector<16xi32>
          %min3A_466 = arith.constant 15 : i32
          %min3A_467 = vector.broadcast %min3A_466 : i32 to vector<16xi32>
          %min3A_468 = arith.minsi %add3A_465, %min3A_467 : vector<16xi32>
          %lt3A_469 = arith.constant 0 : i32
          %lt3A_470 = vector.broadcast %lt3A_469 : i32 to vector<16xi32>
          %lt3A_471 = arith.cmpi slt, %min3A_468, %lt3A_470 : vector<16xi32>
          %add3A_472 = arith.constant 16 : i32
          %add3A_473 = vector.broadcast %add3A_472 : i32 to vector<16xi32>
          %add3A_474 = arith.addi %min3A_468, %add3A_473 : vector<16xi32>
          %select_n3A_475 = arith.select %lt3A_471, %add3A_474, %min3A_468 : vector<16xi1>, vector<16xi32>
          %broadcast_in_dim3A_476 = vector.shape_cast %select_n3A_475 : vector<16xi32> to vector<16x1xi32>
          %gather3A_477 = vector.shape_cast %broadcast_in_dim3A_476 : vector<16x1xi32> to vector<16xi32>
          %gather3A_478 = tpu.dynamic_gather %select_n3A_374[%gather3A_477] in [0] : vector<16xi32>, vector<16xi32> -> vector<16xi32>
          %lt3A_479 = arith.constant 11 : i32
          %lt3A_480 = vector.broadcast %lt3A_479 : i32 to vector<16xi32>
          %lt3A_481 = arith.cmpi slt, %iota3A, %lt3A_480 : vector<16xi32>
          %eq3A_482 = arith.cmpi eq, %gather3A_478, %select_n3A_374 : vector<16xi32>
          %and3A_483 = arith.andi %lt3A_481, %eq3A_482 : vector<16xi1>
          %or3A_484 = arith.ori %or3A_462, %and3A_483 : vector<16xi1>
          %add3A_485 = arith.constant 6 : i32
          %add3A_486 = vector.broadcast %add3A_485 : i32 to vector<16xi32>
          %add3A_487 = arith.addi %iota3A, %add3A_486 : vector<16xi32>
          %min3A_488 = arith.constant 15 : i32
          %min3A_489 = vector.broadcast %min3A_488 : i32 to vector<16xi32>
          %min3A_490 = arith.minsi %add3A_487, %min3A_489 : vector<16xi32>
          %lt3A_491 = arith.constant 0 : i32
          %lt3A_492 = vector.broadcast %lt3A_491 : i32 to vector<16xi32>
          %lt3A_493 = arith.cmpi slt, %min3A_490, %lt3A_492 : vector<16xi32>
          %add3A_494 = arith.constant 16 : i32
          %add3A_495 = vector.broadcast %add3A_494 : i32 to vector<16xi32>
          %add3A_496 = arith.addi %min3A_490, %add3A_495 : vector<16xi32>
          %select_n3A_497 = arith.select %lt3A_493, %add3A_496, %min3A_490 : vector<16xi1>, vector<16xi32>
          %broadcast_in_dim3A_498 = vector.shape_cast %select_n3A_497 : vector<16xi32> to vector<16x1xi32>
          %gather3A_499 = vector.shape_cast %broadcast_in_dim3A_498 : vector<16x1xi32> to vector<16xi32>
          %gather3A_500 = tpu.dynamic_gather %select_n3A_374[%gather3A_499] in [0] : vector<16xi32>, vector<16xi32> -> vector<16xi32>
          %lt3A_501 = arith.constant 10 : i32
          %lt3A_502 = vector.broadcast %lt3A_501 : i32 to vector<16xi32>
          %lt3A_503 = arith.cmpi slt, %iota3A, %lt3A_502 : vector<16xi32>
          %eq3A_504 = arith.cmpi eq, %gather3A_500, %select_n3A_374 : vector<16xi32>
          %and3A_505 = arith.andi %lt3A_503, %eq3A_504 : vector<16xi1>
          %or3A_506 = arith.ori %or3A_484, %and3A_505 : vector<16xi1>
          %add3A_507 = arith.constant 7 : i32
          %add3A_508 = vector.broadcast %add3A_507 : i32 to vector<16xi32>
          %add3A_509 = arith.addi %iota3A, %add3A_508 : vector<16xi32>
          %min3A_510 = arith.constant 15 : i32
          %min3A_511 = vector.broadcast %min3A_510 : i32 to vector<16xi32>
          %min3A_512 = arith.minsi %add3A_509, %min3A_511 : vector<16xi32>
          %lt3A_513 = arith.constant 0 : i32
          %lt3A_514 = vector.broadcast %lt3A_513 : i32 to vector<16xi32>
          %lt3A_515 = arith.cmpi slt, %min3A_512, %lt3A_514 : vector<16xi32>
          %add3A_516 = arith.constant 16 : i32
          %add3A_517 = vector.broadcast %add3A_516 : i32 to vector<16xi32>
          %add3A_518 = arith.addi %min3A_512, %add3A_517 : vector<16xi32>
          %select_n3A_519 = arith.select %lt3A_515, %add3A_518, %min3A_512 : vector<16xi1>, vector<16xi32>
          %broadcast_in_dim3A_520 = vector.shape_cast %select_n3A_519 : vector<16xi32> to vector<16x1xi32>
          %gather3A_521 = vector.shape_cast %broadcast_in_dim3A_520 : vector<16x1xi32> to vector<16xi32>
          %gather3A_522 = tpu.dynamic_gather %select_n3A_374[%gather3A_521] in [0] : vector<16xi32>, vector<16xi32> -> vector<16xi32>
          %lt3A_523 = arith.constant 9 : i32
          %lt3A_524 = vector.broadcast %lt3A_523 : i32 to vector<16xi32>
          %lt3A_525 = arith.cmpi slt, %iota3A, %lt3A_524 : vector<16xi32>
          %eq3A_526 = arith.cmpi eq, %gather3A_522, %select_n3A_374 : vector<16xi32>
          %and3A_527 = arith.andi %lt3A_525, %eq3A_526 : vector<16xi1>
          %or3A_528 = arith.ori %or3A_506, %and3A_527 : vector<16xi1>
          %add3A_529 = arith.constant 8 : i32
          %add3A_530 = vector.broadcast %add3A_529 : i32 to vector<16xi32>
          %add3A_531 = arith.addi %iota3A, %add3A_530 : vector<16xi32>
          %min3A_532 = arith.constant 15 : i32
          %min3A_533 = vector.broadcast %min3A_532 : i32 to vector<16xi32>
          %min3A_534 = arith.minsi %add3A_531, %min3A_533 : vector<16xi32>
          %lt3A_535 = arith.constant 0 : i32
          %lt3A_536 = vector.broadcast %lt3A_535 : i32 to vector<16xi32>
          %lt3A_537 = arith.cmpi slt, %min3A_534, %lt3A_536 : vector<16xi32>
          %add3A_538 = arith.constant 16 : i32
          %add3A_539 = vector.broadcast %add3A_538 : i32 to vector<16xi32>
          %add3A_540 = arith.addi %min3A_534, %add3A_539 : vector<16xi32>
          %select_n3A_541 = arith.select %lt3A_537, %add3A_540, %min3A_534 : vector<16xi1>, vector<16xi32>
          %broadcast_in_dim3A_542 = vector.shape_cast %select_n3A_541 : vector<16xi32> to vector<16x1xi32>
          %gather3A_543 = vector.shape_cast %broadcast_in_dim3A_542 : vector<16x1xi32> to vector<16xi32>
          %gather3A_544 = tpu.dynamic_gather %select_n3A_374[%gather3A_543] in [0] : vector<16xi32>, vector<16xi32> -> vector<16xi32>
          %lt3A_545 = arith.constant 8 : i32
          %lt3A_546 = vector.broadcast %lt3A_545 : i32 to vector<16xi32>
          %lt3A_547 = arith.cmpi slt, %iota3A, %lt3A_546 : vector<16xi32>
          %eq3A_548 = arith.cmpi eq, %gather3A_544, %select_n3A_374 : vector<16xi32>
          %and3A_549 = arith.andi %lt3A_547, %eq3A_548 : vector<16xi1>
          %or3A_550 = arith.ori %or3A_528, %and3A_549 : vector<16xi1>
          %add3A_551 = arith.constant 9 : i32
          %add3A_552 = vector.broadcast %add3A_551 : i32 to vector<16xi32>
          %add3A_553 = arith.addi %iota3A, %add3A_552 : vector<16xi32>
          %min3A_554 = arith.constant 15 : i32
          %min3A_555 = vector.broadcast %min3A_554 : i32 to vector<16xi32>
          %min3A_556 = arith.minsi %add3A_553, %min3A_555 : vector<16xi32>
          %lt3A_557 = arith.constant 0 : i32
          %lt3A_558 = vector.broadcast %lt3A_557 : i32 to vector<16xi32>
          %lt3A_559 = arith.cmpi slt, %min3A_556, %lt3A_558 : vector<16xi32>
          %add3A_560 = arith.constant 16 : i32
          %add3A_561 = vector.broadcast %add3A_560 : i32 to vector<16xi32>
          %add3A_562 = arith.addi %min3A_556, %add3A_561 : vector<16xi32>
          %select_n3A_563 = arith.select %lt3A_559, %add3A_562, %min3A_556 : vector<16xi1>, vector<16xi32>
          %broadcast_in_dim3A_564 = vector.shape_cast %select_n3A_563 : vector<16xi32> to vector<16x1xi32>
          %gather3A_565 = vector.shape_cast %broadcast_in_dim3A_564 : vector<16x1xi32> to vector<16xi32>
          %gather3A_566 = tpu.dynamic_gather %select_n3A_374[%gather3A_565] in [0] : vector<16xi32>, vector<16xi32> -> vector<16xi32>
          %lt3A_567 = arith.constant 7 : i32
          %lt3A_568 = vector.broadcast %lt3A_567 : i32 to vector<16xi32>
          %lt3A_569 = arith.cmpi slt, %iota3A, %lt3A_568 : vector<16xi32>
          %eq3A_570 = arith.cmpi eq, %gather3A_566, %select_n3A_374 : vector<16xi32>
          %and3A_571 = arith.andi %lt3A_569, %eq3A_570 : vector<16xi1>
          %or3A_572 = arith.ori %or3A_550, %and3A_571 : vector<16xi1>
          %add3A_573 = arith.constant 10 : i32
          %add3A_574 = vector.broadcast %add3A_573 : i32 to vector<16xi32>
          %add3A_575 = arith.addi %iota3A, %add3A_574 : vector<16xi32>
          %min3A_576 = arith.constant 15 : i32
          %min3A_577 = vector.broadcast %min3A_576 : i32 to vector<16xi32>
          %min3A_578 = arith.minsi %add3A_575, %min3A_577 : vector<16xi32>
          %lt3A_579 = arith.constant 0 : i32
          %lt3A_580 = vector.broadcast %lt3A_579 : i32 to vector<16xi32>
          %lt3A_581 = arith.cmpi slt, %min3A_578, %lt3A_580 : vector<16xi32>
          %add3A_582 = arith.constant 16 : i32
          %add3A_583 = vector.broadcast %add3A_582 : i32 to vector<16xi32>
          %add3A_584 = arith.addi %min3A_578, %add3A_583 : vector<16xi32>
          %select_n3A_585 = arith.select %lt3A_581, %add3A_584, %min3A_578 : vector<16xi1>, vector<16xi32>
          %broadcast_in_dim3A_586 = vector.shape_cast %select_n3A_585 : vector<16xi32> to vector<16x1xi32>
          %gather3A_587 = vector.shape_cast %broadcast_in_dim3A_586 : vector<16x1xi32> to vector<16xi32>
          %gather3A_588 = tpu.dynamic_gather %select_n3A_374[%gather3A_587] in [0] : vector<16xi32>, vector<16xi32> -> vector<16xi32>
          %lt3A_589 = arith.constant 6 : i32
          %lt3A_590 = vector.broadcast %lt3A_589 : i32 to vector<16xi32>
          %lt3A_591 = arith.cmpi slt, %iota3A, %lt3A_590 : vector<16xi32>
          %eq3A_592 = arith.cmpi eq, %gather3A_588, %select_n3A_374 : vector<16xi32>
          %and3A_593 = arith.andi %lt3A_591, %eq3A_592 : vector<16xi1>
          %or3A_594 = arith.ori %or3A_572, %and3A_593 : vector<16xi1>
          %add3A_595 = arith.constant 11 : i32
          %add3A_596 = vector.broadcast %add3A_595 : i32 to vector<16xi32>
          %add3A_597 = arith.addi %iota3A, %add3A_596 : vector<16xi32>
          %min3A_598 = arith.constant 15 : i32
          %min3A_599 = vector.broadcast %min3A_598 : i32 to vector<16xi32>
          %min3A_600 = arith.minsi %add3A_597, %min3A_599 : vector<16xi32>
          %lt3A_601 = arith.constant 0 : i32
          %lt3A_602 = vector.broadcast %lt3A_601 : i32 to vector<16xi32>
          %lt3A_603 = arith.cmpi slt, %min3A_600, %lt3A_602 : vector<16xi32>
          %add3A_604 = arith.constant 16 : i32
          %add3A_605 = vector.broadcast %add3A_604 : i32 to vector<16xi32>
          %add3A_606 = arith.addi %min3A_600, %add3A_605 : vector<16xi32>
          %select_n3A_607 = arith.select %lt3A_603, %add3A_606, %min3A_600 : vector<16xi1>, vector<16xi32>
          %broadcast_in_dim3A_608 = vector.shape_cast %select_n3A_607 : vector<16xi32> to vector<16x1xi32>
          %gather3A_609 = vector.shape_cast %broadcast_in_dim3A_608 : vector<16x1xi32> to vector<16xi32>
          %gather3A_610 = tpu.dynamic_gather %select_n3A_374[%gather3A_609] in [0] : vector<16xi32>, vector<16xi32> -> vector<16xi32>
          %lt3A_611 = arith.constant 5 : i32
          %lt3A_612 = vector.broadcast %lt3A_611 : i32 to vector<16xi32>
          %lt3A_613 = arith.cmpi slt, %iota3A, %lt3A_612 : vector<16xi32>
          %eq3A_614 = arith.cmpi eq, %gather3A_610, %select_n3A_374 : vector<16xi32>
          %and3A_615 = arith.andi %lt3A_613, %eq3A_614 : vector<16xi1>
          %or3A_616 = arith.ori %or3A_594, %and3A_615 : vector<16xi1>
          %add3A_617 = arith.constant 12 : i32
          %add3A_618 = vector.broadcast %add3A_617 : i32 to vector<16xi32>
          %add3A_619 = arith.addi %iota3A, %add3A_618 : vector<16xi32>
          %min3A_620 = arith.constant 15 : i32
          %min3A_621 = vector.broadcast %min3A_620 : i32 to vector<16xi32>
          %min3A_622 = arith.minsi %add3A_619, %min3A_621 : vector<16xi32>
          %lt3A_623 = arith.constant 0 : i32
          %lt3A_624 = vector.broadcast %lt3A_623 : i32 to vector<16xi32>
          %lt3A_625 = arith.cmpi slt, %min3A_622, %lt3A_624 : vector<16xi32>
          %add3A_626 = arith.constant 16 : i32
          %add3A_627 = vector.broadcast %add3A_626 : i32 to vector<16xi32>
          %add3A_628 = arith.addi %min3A_622, %add3A_627 : vector<16xi32>
          %select_n3A_629 = arith.select %lt3A_625, %add3A_628, %min3A_622 : vector<16xi1>, vector<16xi32>
          %broadcast_in_dim3A_630 = vector.shape_cast %select_n3A_629 : vector<16xi32> to vector<16x1xi32>
          %gather3A_631 = vector.shape_cast %broadcast_in_dim3A_630 : vector<16x1xi32> to vector<16xi32>
          %gather3A_632 = tpu.dynamic_gather %select_n3A_374[%gather3A_631] in [0] : vector<16xi32>, vector<16xi32> -> vector<16xi32>
          %lt3A_633 = arith.constant 4 : i32
          %lt3A_634 = vector.broadcast %lt3A_633 : i32 to vector<16xi32>
          %lt3A_635 = arith.cmpi slt, %iota3A, %lt3A_634 : vector<16xi32>
          %eq3A_636 = arith.cmpi eq, %gather3A_632, %select_n3A_374 : vector<16xi32>
          %and3A_637 = arith.andi %lt3A_635, %eq3A_636 : vector<16xi1>
          %or3A_638 = arith.ori %or3A_616, %and3A_637 : vector<16xi1>
          %add3A_639 = arith.constant 13 : i32
          %add3A_640 = vector.broadcast %add3A_639 : i32 to vector<16xi32>
          %add3A_641 = arith.addi %iota3A, %add3A_640 : vector<16xi32>
          %min3A_642 = arith.constant 15 : i32
          %min3A_643 = vector.broadcast %min3A_642 : i32 to vector<16xi32>
          %min3A_644 = arith.minsi %add3A_641, %min3A_643 : vector<16xi32>
          %lt3A_645 = arith.constant 0 : i32
          %lt3A_646 = vector.broadcast %lt3A_645 : i32 to vector<16xi32>
          %lt3A_647 = arith.cmpi slt, %min3A_644, %lt3A_646 : vector<16xi32>
          %add3A_648 = arith.constant 16 : i32
          %add3A_649 = vector.broadcast %add3A_648 : i32 to vector<16xi32>
          %add3A_650 = arith.addi %min3A_644, %add3A_649 : vector<16xi32>
          %select_n3A_651 = arith.select %lt3A_647, %add3A_650, %min3A_644 : vector<16xi1>, vector<16xi32>
          %broadcast_in_dim3A_652 = vector.shape_cast %select_n3A_651 : vector<16xi32> to vector<16x1xi32>
          %gather3A_653 = vector.shape_cast %broadcast_in_dim3A_652 : vector<16x1xi32> to vector<16xi32>
          %gather3A_654 = tpu.dynamic_gather %select_n3A_374[%gather3A_653] in [0] : vector<16xi32>, vector<16xi32> -> vector<16xi32>
          %lt3A_655 = arith.constant 3 : i32
          %lt3A_656 = vector.broadcast %lt3A_655 : i32 to vector<16xi32>
          %lt3A_657 = arith.cmpi slt, %iota3A, %lt3A_656 : vector<16xi32>
          %eq3A_658 = arith.cmpi eq, %gather3A_654, %select_n3A_374 : vector<16xi32>
          %and3A_659 = arith.andi %lt3A_657, %eq3A_658 : vector<16xi1>
          %or3A_660 = arith.ori %or3A_638, %and3A_659 : vector<16xi1>
          %add3A_661 = arith.constant 14 : i32
          %add3A_662 = vector.broadcast %add3A_661 : i32 to vector<16xi32>
          %add3A_663 = arith.addi %iota3A, %add3A_662 : vector<16xi32>
          %min3A_664 = arith.constant 15 : i32
          %min3A_665 = vector.broadcast %min3A_664 : i32 to vector<16xi32>
          %min3A_666 = arith.minsi %add3A_663, %min3A_665 : vector<16xi32>
          %lt3A_667 = arith.constant 0 : i32
          %lt3A_668 = vector.broadcast %lt3A_667 : i32 to vector<16xi32>
          %lt3A_669 = arith.cmpi slt, %min3A_666, %lt3A_668 : vector<16xi32>
          %add3A_670 = arith.constant 16 : i32
          %add3A_671 = vector.broadcast %add3A_670 : i32 to vector<16xi32>
          %add3A_672 = arith.addi %min3A_666, %add3A_671 : vector<16xi32>
          %select_n3A_673 = arith.select %lt3A_669, %add3A_672, %min3A_666 : vector<16xi1>, vector<16xi32>
          %broadcast_in_dim3A_674 = vector.shape_cast %select_n3A_673 : vector<16xi32> to vector<16x1xi32>
          %gather3A_675 = vector.shape_cast %broadcast_in_dim3A_674 : vector<16x1xi32> to vector<16xi32>
          %gather3A_676 = tpu.dynamic_gather %select_n3A_374[%gather3A_675] in [0] : vector<16xi32>, vector<16xi32> -> vector<16xi32>
          %lt3A_677 = arith.constant 2 : i32
          %lt3A_678 = vector.broadcast %lt3A_677 : i32 to vector<16xi32>
          %lt3A_679 = arith.cmpi slt, %iota3A, %lt3A_678 : vector<16xi32>
          %eq3A_680 = arith.cmpi eq, %gather3A_676, %select_n3A_374 : vector<16xi32>
          %and3A_681 = arith.andi %lt3A_679, %eq3A_680 : vector<16xi1>
          %or3A_682 = arith.ori %or3A_660, %and3A_681 : vector<16xi1>
          %add3A_683 = arith.constant 15 : i32
          %add3A_684 = vector.broadcast %add3A_683 : i32 to vector<16xi32>
          %add3A_685 = arith.addi %iota3A, %add3A_684 : vector<16xi32>
          %min3A_686 = arith.constant 15 : i32
          %min3A_687 = vector.broadcast %min3A_686 : i32 to vector<16xi32>
          %min3A_688 = arith.minsi %add3A_685, %min3A_687 : vector<16xi32>
          %lt3A_689 = arith.constant 0 : i32
          %lt3A_690 = vector.broadcast %lt3A_689 : i32 to vector<16xi32>
          %lt3A_691 = arith.cmpi slt, %min3A_688, %lt3A_690 : vector<16xi32>
          %add3A_692 = arith.constant 16 : i32
          %add3A_693 = vector.broadcast %add3A_692 : i32 to vector<16xi32>
          %add3A_694 = arith.addi %min3A_688, %add3A_693 : vector<16xi32>
          %select_n3A_695 = arith.select %lt3A_691, %add3A_694, %min3A_688 : vector<16xi1>, vector<16xi32>
          %broadcast_in_dim3A_696 = vector.shape_cast %select_n3A_695 : vector<16xi32> to vector<16x1xi32>
          %gather3A_697 = vector.shape_cast %broadcast_in_dim3A_696 : vector<16x1xi32> to vector<16xi32>
          %gather3A_698 = tpu.dynamic_gather %select_n3A_374[%gather3A_697] in [0] : vector<16xi32>, vector<16xi32> -> vector<16xi32>
          %lt3A_699 = arith.constant 1 : i32
          %lt3A_700 = vector.broadcast %lt3A_699 : i32 to vector<16xi32>
          %lt3A_701 = arith.cmpi slt, %iota3A, %lt3A_700 : vector<16xi32>
          %eq3A_702 = arith.cmpi eq, %gather3A_698, %select_n3A_374 : vector<16xi32>
          %and3A_703 = arith.andi %lt3A_701, %eq3A_702 : vector<16xi1>
          %or3A_704 = arith.ori %or3A_682, %and3A_703 : vector<16xi1>
          %not3A = arith.constant dense<true> : vector<16xi1>
          %not3A_705 = arith.xori %or3A_704, %not3A : vector<16xi1>
          %and3A_706 = arith.andi %and3A_358, %not3A_705 : vector<16xi1>
          tpu.vector_store_idx %arg10[%select_n3A_362], %add3A_360 masked %and3A_706 : memref<3136xi32, #tpu.memory_space<vmem>>[vector<16xi32>], vector<16xi32>, vector<16xi1>
        } else {
        }
      }
      %mul3A_272 = arith.constant 128 : i32
      %mul3A_273 = arith.muli %while3A_241, %mul3A_272 : i32
      %min3A_274 = arith.minsi %mul3A_273, %sub3A_35 : i32
      %add3A_275 = arith.addi %multiple_of3A, %min3A_274 : i32
      %multiple_of3A_276 = tpu.assume_multiple %add3A_275, 8 : i32
      %mul3A_277 = arith.constant 128 : i32
      %mul3A_278 = arith.muli %while3A_241, %mul3A_277 : i32
      %min3A_279 = arith.minsi %mul3A_278, %sub3A_35 : i32
      %add3A_280 = arith.addi %multiple_of3A, %min3A_279 : i32
      %multiple_of3A_281 = tpu.assume_multiple %add3A_280, 8 : i32
      %dma_wait3A_282 = arith.constant 0 : i32
      %dma_wait3A_283 = arith.constant 0 : i32
      %dma_wait3A_284 = tpu.memref_slice %arg15[%and3A_243, %dma_wait3A_282, %dma_wait3A_283] : memref<2x128x128xi32, #tpu.memory_space<vmem>> -> memref<1x128x128xi32, #tpu.memory_space<vmem>>
      %dma_wait3A_285 = tpu.memref_squeeze %dma_wait3A_284 : memref<1x128x128xi32, #tpu.memory_space<vmem>> -> memref<128x128xi32, #tpu.memory_space<vmem>>
      %dma_wait3A_286 = arith.constant 0 : i32
      %dma_wait3A_287 = tpu.memref_slice %arg2[%multiple_of3A_276, %dma_wait3A_286] : memref<100000x128xi32, #tpu.memory_space<hbm>> -> memref<128x128xi32, #tpu.memory_space<hbm>>
      %dma_wait3A_288 = tpu.memref_slice %arg16[%and3A_243] : memref<2x!tpu.dma_semaphore, #tpu.memory_space<semaphore_mem>> -> memref<1x!tpu.dma_semaphore, #tpu.memory_space<semaphore_mem>>
      %dma_wait3A_289 = tpu.memref_squeeze %dma_wait3A_288 : memref<1x!tpu.dma_semaphore, #tpu.memory_space<semaphore_mem>> -> memref<!tpu.dma_semaphore, #tpu.memory_space<semaphore_mem>>
      %dma_wait3A_290 = arith.constant 0 : i32
      %dma_wait3A_291 = arith.constant 0 : i32
      %dma_wait3A_292 = tpu.memref_slice %arg15[%and3A_243, %dma_wait3A_290, %dma_wait3A_291] : memref<2x128x128xi32, #tpu.memory_space<vmem>> -> memref<1x128x128xi32, #tpu.memory_space<vmem>>
      %dma_wait3A_293 = tpu.memref_squeeze %dma_wait3A_292 : memref<1x128x128xi32, #tpu.memory_space<vmem>> -> memref<128x128xi32, #tpu.memory_space<vmem>>
      %dma_wait3A_294 = arith.constant 0 : i32
      %dma_wait3A_295 = tpu.memref_slice %arg2[%multiple_of3A_276, %dma_wait3A_294] : memref<100000x128xi32, #tpu.memory_space<hbm>> -> memref<128x128xi32, #tpu.memory_space<hbm>>
      tpu.wait_dma2 semaphore(%dma_wait3A_289 : memref<!tpu.dma_semaphore, #tpu.memory_space<semaphore_mem>>) src(%dma_wait3A_295 : memref<128x128xi32, #tpu.memory_space<hbm>>) dst(%dma_wait3A_293 : memref<128x128xi32, #tpu.memory_space<vmem>>)
      %dma_wait3A_296 = arith.constant 0 : i32
      %dma_wait3A_297 = arith.constant 0 : i32
      %dma_wait3A_298 = tpu.memref_slice %arg21[%and3A_243, %dma_wait3A_296, %dma_wait3A_297] : memref<2x128x128xi32, #tpu.memory_space<vmem>> -> memref<1x128x128xi32, #tpu.memory_space<vmem>>
      %dma_wait3A_299 = tpu.memref_squeeze %dma_wait3A_298 : memref<1x128x128xi32, #tpu.memory_space<vmem>> -> memref<128x128xi32, #tpu.memory_space<vmem>>
      %dma_wait3A_300 = arith.constant 0 : i32
      %dma_wait3A_301 = tpu.memref_slice %arg3[%multiple_of3A_281, %dma_wait3A_300] : memref<100000x128xi32, #tpu.memory_space<hbm>> -> memref<128x128xi32, #tpu.memory_space<hbm>>
      %dma_wait3A_302 = tpu.memref_slice %arg22[%and3A_243] : memref<2x!tpu.dma_semaphore, #tpu.memory_space<semaphore_mem>> -> memref<1x!tpu.dma_semaphore, #tpu.memory_space<semaphore_mem>>
      %dma_wait3A_303 = tpu.memref_squeeze %dma_wait3A_302 : memref<1x!tpu.dma_semaphore, #tpu.memory_space<semaphore_mem>> -> memref<!tpu.dma_semaphore, #tpu.memory_space<semaphore_mem>>
      %dma_wait3A_304 = arith.constant 0 : i32
      %dma_wait3A_305 = arith.constant 0 : i32
      %dma_wait3A_306 = tpu.memref_slice %arg21[%and3A_243, %dma_wait3A_304, %dma_wait3A_305] : memref<2x128x128xi32, #tpu.memory_space<vmem>> -> memref<1x128x128xi32, #tpu.memory_space<vmem>>
      %dma_wait3A_307 = tpu.memref_squeeze %dma_wait3A_306 : memref<1x128x128xi32, #tpu.memory_space<vmem>> -> memref<128x128xi32, #tpu.memory_space<vmem>>
      %dma_wait3A_308 = arith.constant 0 : i32
      %dma_wait3A_309 = tpu.memref_slice %arg3[%multiple_of3A_281, %dma_wait3A_308] : memref<100000x128xi32, #tpu.memory_space<hbm>> -> memref<128x128xi32, #tpu.memory_space<hbm>>
      tpu.wait_dma2 semaphore(%dma_wait3A_303 : memref<!tpu.dma_semaphore, #tpu.memory_space<semaphore_mem>>) src(%dma_wait3A_309 : memref<128x128xi32, #tpu.memory_space<hbm>>) dst(%dma_wait3A_307 : memref<128x128xi32, #tpu.memory_space<vmem>>)
      %mul3A_310 = arith.constant 128 : i32
      %mul3A_311 = arith.muli %while3A_241, %mul3A_310 : i32
      %min3A_312 = arith.minsi %mul3A_311, %sub3A_35 : i32
      %add3A_313 = arith.addi %multiple_of3A, %min3A_312 : i32
      %multiple_of3A_314 = tpu.assume_multiple %add3A_313, 8 : i32
      %mul3A_315 = arith.constant 128 : i32
      %mul3A_316 = arith.muli %while3A_241, %mul3A_315 : i32
      %min3A_317 = arith.minsi %mul3A_316, %sub3A_35 : i32
      %add3A_318 = arith.addi %multiple_of3A, %min3A_317 : i32
      %multiple_of3A_319 = tpu.assume_multiple %add3A_318, 8 : i32
      %dma_start3A_320 = arith.constant 0 : i32
      %dma_start3A_321 = arith.constant 0 : i32
      %dma_start3A_322 = tpu.memref_slice %arg15[%and3A_243, %dma_start3A_320, %dma_start3A_321] : memref<2x128x128xi32, #tpu.memory_space<vmem>> -> memref<1x128x128xi32, #tpu.memory_space<vmem>>
      %dma_start3A_323 = tpu.memref_squeeze %dma_start3A_322 : memref<1x128x128xi32, #tpu.memory_space<vmem>> -> memref<128x128xi32, #tpu.memory_space<vmem>>
      %dma_start3A_324 = arith.constant 0 : i32
      %dma_start3A_325 = tpu.memref_slice %arg7[%multiple_of3A_314, %dma_start3A_324] : memref<100000x128xi32, #tpu.memory_space<hbm>> -> memref<128x128xi32, #tpu.memory_space<hbm>>
      %dma_start3A_326 = tpu.memref_slice %arg17[%and3A_243] : memref<2x!tpu.dma_semaphore, #tpu.memory_space<semaphore_mem>> -> memref<1x!tpu.dma_semaphore, #tpu.memory_space<semaphore_mem>>
      %dma_start3A_327 = tpu.memref_squeeze %dma_start3A_326 : memref<1x!tpu.dma_semaphore, #tpu.memory_space<semaphore_mem>> -> memref<!tpu.dma_semaphore, #tpu.memory_space<semaphore_mem>>
      %dma_start3A_328 = arith.constant 0 : i32
      %dma_start3A_329 = tpu.memref_slice %arg7[%multiple_of3A_314, %dma_start3A_328] : memref<100000x128xi32, #tpu.memory_space<hbm>> -> memref<128x128xi32, #tpu.memory_space<hbm>>
      %dma_start3A_330 = arith.constant 0 : i32
      %dma_start3A_331 = arith.constant 0 : i32
      %dma_start3A_332 = tpu.memref_slice %arg15[%and3A_243, %dma_start3A_330, %dma_start3A_331] : memref<2x128x128xi32, #tpu.memory_space<vmem>> -> memref<1x128x128xi32, #tpu.memory_space<vmem>>
      %dma_start3A_333 = tpu.memref_squeeze %dma_start3A_332 : memref<1x128x128xi32, #tpu.memory_space<vmem>> -> memref<128x128xi32, #tpu.memory_space<vmem>>
      tpu.enqueue_dma source(%dma_start3A_333 : memref<128x128xi32, #tpu.memory_space<vmem>>) target(%dma_start3A_329 : memref<128x128xi32, #tpu.memory_space<hbm>>) target_semaphore(%dma_start3A_327 : memref<!tpu.dma_semaphore, #tpu.memory_space<semaphore_mem>>)
      %dma_start3A_334 = arith.constant 0 : i32
      %dma_start3A_335 = arith.constant 0 : i32
      %dma_start3A_336 = tpu.memref_slice %arg21[%and3A_243, %dma_start3A_334, %dma_start3A_335] : memref<2x128x128xi32, #tpu.memory_space<vmem>> -> memref<1x128x128xi32, #tpu.memory_space<vmem>>
      %dma_start3A_337 = tpu.memref_squeeze %dma_start3A_336 : memref<1x128x128xi32, #tpu.memory_space<vmem>> -> memref<128x128xi32, #tpu.memory_space<vmem>>
      %dma_start3A_338 = arith.constant 0 : i32
      %dma_start3A_339 = tpu.memref_slice %arg8[%multiple_of3A_319, %dma_start3A_338] : memref<100000x128xi32, #tpu.memory_space<hbm>> -> memref<128x128xi32, #tpu.memory_space<hbm>>
      %dma_start3A_340 = tpu.memref_slice %arg23[%and3A_243] : memref<2x!tpu.dma_semaphore, #tpu.memory_space<semaphore_mem>> -> memref<1x!tpu.dma_semaphore, #tpu.memory_space<semaphore_mem>>
      %dma_start3A_341 = tpu.memref_squeeze %dma_start3A_340 : memref<1x!tpu.dma_semaphore, #tpu.memory_space<semaphore_mem>> -> memref<!tpu.dma_semaphore, #tpu.memory_space<semaphore_mem>>
      %dma_start3A_342 = arith.constant 0 : i32
      %dma_start3A_343 = tpu.memref_slice %arg8[%multiple_of3A_319, %dma_start3A_342] : memref<100000x128xi32, #tpu.memory_space<hbm>> -> memref<128x128xi32, #tpu.memory_space<hbm>>
      %dma_start3A_344 = arith.constant 0 : i32
      %dma_start3A_345 = arith.constant 0 : i32
      %dma_start3A_346 = tpu.memref_slice %arg21[%and3A_243, %dma_start3A_344, %dma_start3A_345] : memref<2x128x128xi32, #tpu.memory_space<vmem>> -> memref<1x128x128xi32, #tpu.memory_space<vmem>>
      %dma_start3A_347 = tpu.memref_squeeze %dma_start3A_346 : memref<1x128x128xi32, #tpu.memory_space<vmem>> -> memref<128x128xi32, #tpu.memory_space<vmem>>
      tpu.enqueue_dma source(%dma_start3A_347 : memref<128x128xi32, #tpu.memory_space<vmem>>) target(%dma_start3A_343 : memref<128x128xi32, #tpu.memory_space<hbm>>) target_semaphore(%dma_start3A_341 : memref<!tpu.dma_semaphore, #tpu.memory_space<semaphore_mem>>)
    }
    %mul3A_89 = arith.constant 43 : i32
    %mul3A_90 = arith.muli %select_n3A, %mul3A_89 : i32
    %min3A_91 = arith.constant 1024 : i32
    %min3A_92 = arith.minsi %mul3A_90, %min3A_91 : i32
    %while3A_93 = arith.constant 0 : i32
    %while3A_94 = arith.constant 1024 : i32
    %while3A_95 = arith.subi %while3A_94, %min3A_92 : i32
    %while3A_96 = arith.addi %min3A_92, %while3A_95 : i32
    %while3A_97 = arith.constant 1 : i32
    %while3A_98 = arith.divsi %while3A_95, %while3A_97 : i32
    %while3A_99 = arith.muli %while3A_98, %while3A_97 : i32
    %while3A_100 = arith.addi %min3A_92, %while3A_99 : i32
    %while3A_101 = arith.constant 1 : i32
    scf.for %while3A_241 = %min3A_92 to %while3A_100 step %while3A_101  : i32 {
      %mul3A_242 = arith.constant 16 : i32
      %mul3A_243 = arith.muli %while3A_241, %mul3A_242 : i32
      %get3A = arith.index_cast %mul3A_243 : i32 to index
      %get3A_244 = tpu.vector_load %arg9[%get3A] {strides = array<i32>} : memref<16384xi32, #tpu.memory_space<vmem>>, vector<16xi32>,
      %sub3A_245 = vector.broadcast %multiple_of3A : i32 to vector<16xi32>
      %sub3A_246 = arith.subi %get3A_244, %sub3A_245 : vector<16xi32>
      %ge3A = arith.constant 0 : i32
      %ge3A_247 = vector.broadcast %ge3A : i32 to vector<16xi32>
      %ge3A_248 = arith.cmpi sge, %sub3A_246, %ge3A_247 : vector<16xi32>
      %lt3A = vector.broadcast %min3A_4 : i32 to vector<16xi32>
      %lt3A_249 = arith.cmpi slt, %sub3A_246, %lt3A : vector<16xi32>
      %and3A_250 = arith.andi %ge3A_248, %lt3A_249 : vector<16xi1>
      %all_reduce_population_count3A = tpu.all_reduce %and3A_250 {dim = 0 : i64, kind = #tpu.reduction_kind<sum>} : vector<16xi1> -> vector<16xi32>
      %slice3A = vector.extract_strided_slice %all_reduce_population_count3A {offsets = [0], sizes = [1], strides = [1]} : vector<16xi32> to vector<1xi32>
      %squeeze3A = vector.extract %slice3A[0] : i32 from vector<1xi32>
      %add3A_251 = vector.broadcast %mul3A_243 : i32 to vector<16xi32>
      %add3A_252 = arith.addi %add3A_251, %iota3A : vector<16xi32>
      %jit3A_253 = arith.constant 0 : i32
      %broadcast_in_dim3A = vector.broadcast %jit3A_253 : i32 to vector<16xi32>
      %select_n3A_254 = arith.select %and3A_250, %sub3A_246, %broadcast_in_dim3A : vector<16xi1>, vector<16xi32>
      %eq3A = arith.constant 1 : i32
      %eq3A_255 = arith.cmpi eq, %squeeze3A, %eq3A : i32
      %convert_element_type3A_256 = arith.extui %eq3A_255 : i1 to i32
      %cond3A_257 = arith.constant 0 : i32
      %cond3A_258 = arith.cmpi ne, %convert_element_type3A_256, %cond3A_257 : i32
      scf.if %cond3A_258 {
        tpu.vector_store_idx %arg10[%select_n3A_254], %add3A_252 masked %and3A_250 : memref<3136xi32, #tpu.memory_space<vmem>>[vector<16xi32>], vector<16xi32>, vector<16xi1>
      } else {
      }
      %gt3A_259 = arith.constant 1 : i32
      %gt3A_260 = arith.cmpi sgt, %squeeze3A, %gt3A_259 : i32
      %convert_element_type3A_261 = arith.extui %gt3A_260 : i1 to i32
      %cond3A_262 = arith.constant 0 : i32
      %cond3A_263 = arith.cmpi ne, %convert_element_type3A_261, %cond3A_262 : i32
      scf.if %cond3A_263 {
        %jit3A_264 = arith.constant -1 : i32
        %broadcast_in_dim3A_265 = vector.broadcast %jit3A_264 : i32 to vector<16xi32>
        %select_n3A_266 = arith.select %and3A_250, %sub3A_246, %broadcast_in_dim3A_265 : vector<16xi1>, vector<16xi32>
        %broadcast_in_dim3A_267 = arith.constant false
        %broadcast_in_dim3A_268 = vector.broadcast %broadcast_in_dim3A_267 : i1 to vector<16xi1>
        %add3A_269 = arith.constant 1 : i32
        %add3A_270 = vector.broadcast %add3A_269 : i32 to vector<16xi32>
        %add3A_271 = arith.addi %iota3A, %add3A_270 : vector<16xi32>
        %min3A_272 = arith.constant 15 : i32
        %min3A_273 = vector.broadcast %min3A_272 : i32 to vector<16xi32>
        %min3A_274 = arith.minsi %add3A_271, %min3A_273 : vector<16xi32>
        %lt3A_275 = arith.constant 0 : i32
        %lt3A_276 = vector.broadcast %lt3A_275 : i32 to vector<16xi32>
        %lt3A_277 = arith.cmpi slt, %min3A_274, %lt3A_276 : vector<16xi32>
        %add3A_278 = arith.constant 16 : i32
        %add3A_279 = vector.broadcast %add3A_278 : i32 to vector<16xi32>
        %add3A_280 = arith.addi %min3A_274, %add3A_279 : vector<16xi32>
        %select_n3A_281 = arith.select %lt3A_277, %add3A_280, %min3A_274 : vector<16xi1>, vector<16xi32>
        %broadcast_in_dim3A_282 = vector.shape_cast %select_n3A_281 : vector<16xi32> to vector<16x1xi32>
        %gather3A = vector.shape_cast %broadcast_in_dim3A_282 : vector<16x1xi32> to vector<16xi32>
        %gather3A_283 = tpu.dynamic_gather %select_n3A_266[%gather3A] in [0] : vector<16xi32>, vector<16xi32> -> vector<16xi32>
        %lt3A_284 = arith.constant 15 : i32
        %lt3A_285 = vector.broadcast %lt3A_284 : i32 to vector<16xi32>
        %lt3A_286 = arith.cmpi slt, %iota3A, %lt3A_285 : vector<16xi32>
        %eq3A_287 = arith.cmpi eq, %gather3A_283, %select_n3A_266 : vector<16xi32>
        %and3A_288 = arith.andi %lt3A_286, %eq3A_287 : vector<16xi1>
        %or3A = arith.ori %broadcast_in_dim3A_268, %and3A_288 : vector<16xi1>
        %add3A_289 = arith.constant 2 : i32
        %add3A_290 = vector.broadcast %add3A_289 : i32 to vector<16xi32>
        %add3A_291 = arith.addi %iota3A, %add3A_290 : vector<16xi32>
        %min3A_292 = arith.constant 15 : i32
        %min3A_293 = vector.broadcast %min3A_292 : i32 to vector<16xi32>
        %min3A_294 = arith.minsi %add3A_291, %min3A_293 : vector<16xi32>
        %lt3A_295 = arith.constant 0 : i32
        %lt3A_296 = vector.broadcast %lt3A_295 : i32 to vector<16xi32>
        %lt3A_297 = arith.cmpi slt, %min3A_294, %lt3A_296 : vector<16xi32>
        %add3A_298 = arith.constant 16 : i32
        %add3A_299 = vector.broadcast %add3A_298 : i32 to vector<16xi32>
        %add3A_300 = arith.addi %min3A_294, %add3A_299 : vector<16xi32>
        %select_n3A_301 = arith.select %lt3A_297, %add3A_300, %min3A_294 : vector<16xi1>, vector<16xi32>
        %broadcast_in_dim3A_302 = vector.shape_cast %select_n3A_301 : vector<16xi32> to vector<16x1xi32>
        %gather3A_303 = vector.shape_cast %broadcast_in_dim3A_302 : vector<16x1xi32> to vector<16xi32>
        %gather3A_304 = tpu.dynamic_gather %select_n3A_266[%gather3A_303] in [0] : vector<16xi32>, vector<16xi32> -> vector<16xi32>
        %lt3A_305 = arith.constant 14 : i32
        %lt3A_306 = vector.broadcast %lt3A_305 : i32 to vector<16xi32>
        %lt3A_307 = arith.cmpi slt, %iota3A, %lt3A_306 : vector<16xi32>
        %eq3A_308 = arith.cmpi eq, %gather3A_304, %select_n3A_266 : vector<16xi32>
        %and3A_309 = arith.andi %lt3A_307, %eq3A_308 : vector<16xi1>
        %or3A_310 = arith.ori %or3A, %and3A_309 : vector<16xi1>
        %add3A_311 = arith.constant 3 : i32
        %add3A_312 = vector.broadcast %add3A_311 : i32 to vector<16xi32>
        %add3A_313 = arith.addi %iota3A, %add3A_312 : vector<16xi32>
        %min3A_314 = arith.constant 15 : i32
        %min3A_315 = vector.broadcast %min3A_314 : i32 to vector<16xi32>
        %min3A_316 = arith.minsi %add3A_313, %min3A_315 : vector<16xi32>
        %lt3A_317 = arith.constant 0 : i32
        %lt3A_318 = vector.broadcast %lt3A_317 : i32 to vector<16xi32>
        %lt3A_319 = arith.cmpi slt, %min3A_316, %lt3A_318 : vector<16xi32>
        %add3A_320 = arith.constant 16 : i32
        %add3A_321 = vector.broadcast %add3A_320 : i32 to vector<16xi32>
        %add3A_322 = arith.addi %min3A_316, %add3A_321 : vector<16xi32>
        %select_n3A_323 = arith.select %lt3A_319, %add3A_322, %min3A_316 : vector<16xi1>, vector<16xi32>
        %broadcast_in_dim3A_324 = vector.shape_cast %select_n3A_323 : vector<16xi32> to vector<16x1xi32>
        %gather3A_325 = vector.shape_cast %broadcast_in_dim3A_324 : vector<16x1xi32> to vector<16xi32>
        %gather3A_326 = tpu.dynamic_gather %select_n3A_266[%gather3A_325] in [0] : vector<16xi32>, vector<16xi32> -> vector<16xi32>
        %lt3A_327 = arith.constant 13 : i32
        %lt3A_328 = vector.broadcast %lt3A_327 : i32 to vector<16xi32>
        %lt3A_329 = arith.cmpi slt, %iota3A, %lt3A_328 : vector<16xi32>
        %eq3A_330 = arith.cmpi eq, %gather3A_326, %select_n3A_266 : vector<16xi32>
        %and3A_331 = arith.andi %lt3A_329, %eq3A_330 : vector<16xi1>
        %or3A_332 = arith.ori %or3A_310, %and3A_331 : vector<16xi1>
        %add3A_333 = arith.constant 4 : i32
        %add3A_334 = vector.broadcast %add3A_333 : i32 to vector<16xi32>
        %add3A_335 = arith.addi %iota3A, %add3A_334 : vector<16xi32>
        %min3A_336 = arith.constant 15 : i32
        %min3A_337 = vector.broadcast %min3A_336 : i32 to vector<16xi32>
        %min3A_338 = arith.minsi %add3A_335, %min3A_337 : vector<16xi32>
        %lt3A_339 = arith.constant 0 : i32
        %lt3A_340 = vector.broadcast %lt3A_339 : i32 to vector<16xi32>
        %lt3A_341 = arith.cmpi slt, %min3A_338, %lt3A_340 : vector<16xi32>
        %add3A_342 = arith.constant 16 : i32
        %add3A_343 = vector.broadcast %add3A_342 : i32 to vector<16xi32>
        %add3A_344 = arith.addi %min3A_338, %add3A_343 : vector<16xi32>
        %select_n3A_345 = arith.select %lt3A_341, %add3A_344, %min3A_338 : vector<16xi1>, vector<16xi32>
        %broadcast_in_dim3A_346 = vector.shape_cast %select_n3A_345 : vector<16xi32> to vector<16x1xi32>
        %gather3A_347 = vector.shape_cast %broadcast_in_dim3A_346 : vector<16x1xi32> to vector<16xi32>
        %gather3A_348 = tpu.dynamic_gather %select_n3A_266[%gather3A_347] in [0] : vector<16xi32>, vector<16xi32> -> vector<16xi32>
        %lt3A_349 = arith.constant 12 : i32
        %lt3A_350 = vector.broadcast %lt3A_349 : i32 to vector<16xi32>
        %lt3A_351 = arith.cmpi slt, %iota3A, %lt3A_350 : vector<16xi32>
        %eq3A_352 = arith.cmpi eq, %gather3A_348, %select_n3A_266 : vector<16xi32>
        %and3A_353 = arith.andi %lt3A_351, %eq3A_352 : vector<16xi1>
        %or3A_354 = arith.ori %or3A_332, %and3A_353 : vector<16xi1>
        %add3A_355 = arith.constant 5 : i32
        %add3A_356 = vector.broadcast %add3A_355 : i32 to vector<16xi32>
        %add3A_357 = arith.addi %iota3A, %add3A_356 : vector<16xi32>
        %min3A_358 = arith.constant 15 : i32
        %min3A_359 = vector.broadcast %min3A_358 : i32 to vector<16xi32>
        %min3A_360 = arith.minsi %add3A_357, %min3A_359 : vector<16xi32>
        %lt3A_361 = arith.constant 0 : i32
        %lt3A_362 = vector.broadcast %lt3A_361 : i32 to vector<16xi32>
        %lt3A_363 = arith.cmpi slt, %min3A_360, %lt3A_362 : vector<16xi32>
        %add3A_364 = arith.constant 16 : i32
        %add3A_365 = vector.broadcast %add3A_364 : i32 to vector<16xi32>
        %add3A_366 = arith.addi %min3A_360, %add3A_365 : vector<16xi32>
        %select_n3A_367 = arith.select %lt3A_363, %add3A_366, %min3A_360 : vector<16xi1>, vector<16xi32>
        %broadcast_in_dim3A_368 = vector.shape_cast %select_n3A_367 : vector<16xi32> to vector<16x1xi32>
        %gather3A_369 = vector.shape_cast %broadcast_in_dim3A_368 : vector<16x1xi32> to vector<16xi32>
        %gather3A_370 = tpu.dynamic_gather %select_n3A_266[%gather3A_369] in [0] : vector<16xi32>, vector<16xi32> -> vector<16xi32>
        %lt3A_371 = arith.constant 11 : i32
        %lt3A_372 = vector.broadcast %lt3A_371 : i32 to vector<16xi32>
        %lt3A_373 = arith.cmpi slt, %iota3A, %lt3A_372 : vector<16xi32>
        %eq3A_374 = arith.cmpi eq, %gather3A_370, %select_n3A_266 : vector<16xi32>
        %and3A_375 = arith.andi %lt3A_373, %eq3A_374 : vector<16xi1>
        %or3A_376 = arith.ori %or3A_354, %and3A_375 : vector<16xi1>
        %add3A_377 = arith.constant 6 : i32
        %add3A_378 = vector.broadcast %add3A_377 : i32 to vector<16xi32>
        %add3A_379 = arith.addi %iota3A, %add3A_378 : vector<16xi32>
        %min3A_380 = arith.constant 15 : i32
        %min3A_381 = vector.broadcast %min3A_380 : i32 to vector<16xi32>
        %min3A_382 = arith.minsi %add3A_379, %min3A_381 : vector<16xi32>
        %lt3A_383 = arith.constant 0 : i32
        %lt3A_384 = vector.broadcast %lt3A_383 : i32 to vector<16xi32>
        %lt3A_385 = arith.cmpi slt, %min3A_382, %lt3A_384 : vector<16xi32>
        %add3A_386 = arith.constant 16 : i32
        %add3A_387 = vector.broadcast %add3A_386 : i32 to vector<16xi32>
        %add3A_388 = arith.addi %min3A_382, %add3A_387 : vector<16xi32>
        %select_n3A_389 = arith.select %lt3A_385, %add3A_388, %min3A_382 : vector<16xi1>, vector<16xi32>
        %broadcast_in_dim3A_390 = vector.shape_cast %select_n3A_389 : vector<16xi32> to vector<16x1xi32>
        %gather3A_391 = vector.shape_cast %broadcast_in_dim3A_390 : vector<16x1xi32> to vector<16xi32>
        %gather3A_392 = tpu.dynamic_gather %select_n3A_266[%gather3A_391] in [0] : vector<16xi32>, vector<16xi32> -> vector<16xi32>
        %lt3A_393 = arith.constant 10 : i32
        %lt3A_394 = vector.broadcast %lt3A_393 : i32 to vector<16xi32>
        %lt3A_395 = arith.cmpi slt, %iota3A, %lt3A_394 : vector<16xi32>
        %eq3A_396 = arith.cmpi eq, %gather3A_392, %select_n3A_266 : vector<16xi32>
        %and3A_397 = arith.andi %lt3A_395, %eq3A_396 : vector<16xi1>
        %or3A_398 = arith.ori %or3A_376, %and3A_397 : vector<16xi1>
        %add3A_399 = arith.constant 7 : i32
        %add3A_400 = vector.broadcast %add3A_399 : i32 to vector<16xi32>
        %add3A_401 = arith.addi %iota3A, %add3A_400 : vector<16xi32>
        %min3A_402 = arith.constant 15 : i32
        %min3A_403 = vector.broadcast %min3A_402 : i32 to vector<16xi32>
        %min3A_404 = arith.minsi %add3A_401, %min3A_403 : vector<16xi32>
        %lt3A_405 = arith.constant 0 : i32
        %lt3A_406 = vector.broadcast %lt3A_405 : i32 to vector<16xi32>
        %lt3A_407 = arith.cmpi slt, %min3A_404, %lt3A_406 : vector<16xi32>
        %add3A_408 = arith.constant 16 : i32
        %add3A_409 = vector.broadcast %add3A_408 : i32 to vector<16xi32>
        %add3A_410 = arith.addi %min3A_404, %add3A_409 : vector<16xi32>
        %select_n3A_411 = arith.select %lt3A_407, %add3A_410, %min3A_404 : vector<16xi1>, vector<16xi32>
        %broadcast_in_dim3A_412 = vector.shape_cast %select_n3A_411 : vector<16xi32> to vector<16x1xi32>
        %gather3A_413 = vector.shape_cast %broadcast_in_dim3A_412 : vector<16x1xi32> to vector<16xi32>
        %gather3A_414 = tpu.dynamic_gather %select_n3A_266[%gather3A_413] in [0] : vector<16xi32>, vector<16xi32> -> vector<16xi32>
        %lt3A_415 = arith.constant 9 : i32
        %lt3A_416 = vector.broadcast %lt3A_415 : i32 to vector<16xi32>
        %lt3A_417 = arith.cmpi slt, %iota3A, %lt3A_416 : vector<16xi32>
        %eq3A_418 = arith.cmpi eq, %gather3A_414, %select_n3A_266 : vector<16xi32>
        %and3A_419 = arith.andi %lt3A_417, %eq3A_418 : vector<16xi1>
        %or3A_420 = arith.ori %or3A_398, %and3A_419 : vector<16xi1>
        %add3A_421 = arith.constant 8 : i32
        %add3A_422 = vector.broadcast %add3A_421 : i32 to vector<16xi32>
        %add3A_423 = arith.addi %iota3A, %add3A_422 : vector<16xi32>
        %min3A_424 = arith.constant 15 : i32
        %min3A_425 = vector.broadcast %min3A_424 : i32 to vector<16xi32>
        %min3A_426 = arith.minsi %add3A_423, %min3A_425 : vector<16xi32>
        %lt3A_427 = arith.constant 0 : i32
        %lt3A_428 = vector.broadcast %lt3A_427 : i32 to vector<16xi32>
        %lt3A_429 = arith.cmpi slt, %min3A_426, %lt3A_428 : vector<16xi32>
        %add3A_430 = arith.constant 16 : i32
        %add3A_431 = vector.broadcast %add3A_430 : i32 to vector<16xi32>
        %add3A_432 = arith.addi %min3A_426, %add3A_431 : vector<16xi32>
        %select_n3A_433 = arith.select %lt3A_429, %add3A_432, %min3A_426 : vector<16xi1>, vector<16xi32>
        %broadcast_in_dim3A_434 = vector.shape_cast %select_n3A_433 : vector<16xi32> to vector<16x1xi32>
        %gather3A_435 = vector.shape_cast %broadcast_in_dim3A_434 : vector<16x1xi32> to vector<16xi32>
        %gather3A_436 = tpu.dynamic_gather %select_n3A_266[%gather3A_435] in [0] : vector<16xi32>, vector<16xi32> -> vector<16xi32>
        %lt3A_437 = arith.constant 8 : i32
        %lt3A_438 = vector.broadcast %lt3A_437 : i32 to vector<16xi32>
        %lt3A_439 = arith.cmpi slt, %iota3A, %lt3A_438 : vector<16xi32>
        %eq3A_440 = arith.cmpi eq, %gather3A_436, %select_n3A_266 : vector<16xi32>
        %and3A_441 = arith.andi %lt3A_439, %eq3A_440 : vector<16xi1>
        %or3A_442 = arith.ori %or3A_420, %and3A_441 : vector<16xi1>
        %add3A_443 = arith.constant 9 : i32
        %add3A_444 = vector.broadcast %add3A_443 : i32 to vector<16xi32>
        %add3A_445 = arith.addi %iota3A, %add3A_444 : vector<16xi32>
        %min3A_446 = arith.constant 15 : i32
        %min3A_447 = vector.broadcast %min3A_446 : i32 to vector<16xi32>
        %min3A_448 = arith.minsi %add3A_445, %min3A_447 : vector<16xi32>
        %lt3A_449 = arith.constant 0 : i32
        %lt3A_450 = vector.broadcast %lt3A_449 : i32 to vector<16xi32>
        %lt3A_451 = arith.cmpi slt, %min3A_448, %lt3A_450 : vector<16xi32>
        %add3A_452 = arith.constant 16 : i32
        %add3A_453 = vector.broadcast %add3A_452 : i32 to vector<16xi32>
        %add3A_454 = arith.addi %min3A_448, %add3A_453 : vector<16xi32>
        %select_n3A_455 = arith.select %lt3A_451, %add3A_454, %min3A_448 : vector<16xi1>, vector<16xi32>
        %broadcast_in_dim3A_456 = vector.shape_cast %select_n3A_455 : vector<16xi32> to vector<16x1xi32>
        %gather3A_457 = vector.shape_cast %broadcast_in_dim3A_456 : vector<16x1xi32> to vector<16xi32>
        %gather3A_458 = tpu.dynamic_gather %select_n3A_266[%gather3A_457] in [0] : vector<16xi32>, vector<16xi32> -> vector<16xi32>
        %lt3A_459 = arith.constant 7 : i32
        %lt3A_460 = vector.broadcast %lt3A_459 : i32 to vector<16xi32>
        %lt3A_461 = arith.cmpi slt, %iota3A, %lt3A_460 : vector<16xi32>
        %eq3A_462 = arith.cmpi eq, %gather3A_458, %select_n3A_266 : vector<16xi32>
        %and3A_463 = arith.andi %lt3A_461, %eq3A_462 : vector<16xi1>
        %or3A_464 = arith.ori %or3A_442, %and3A_463 : vector<16xi1>
        %add3A_465 = arith.constant 10 : i32
        %add3A_466 = vector.broadcast %add3A_465 : i32 to vector<16xi32>
        %add3A_467 = arith.addi %iota3A, %add3A_466 : vector<16xi32>
        %min3A_468 = arith.constant 15 : i32
        %min3A_469 = vector.broadcast %min3A_468 : i32 to vector<16xi32>
        %min3A_470 = arith.minsi %add3A_467, %min3A_469 : vector<16xi32>
        %lt3A_471 = arith.constant 0 : i32
        %lt3A_472 = vector.broadcast %lt3A_471 : i32 to vector<16xi32>
        %lt3A_473 = arith.cmpi slt, %min3A_470, %lt3A_472 : vector<16xi32>
        %add3A_474 = arith.constant 16 : i32
        %add3A_475 = vector.broadcast %add3A_474 : i32 to vector<16xi32>
        %add3A_476 = arith.addi %min3A_470, %add3A_475 : vector<16xi32>
        %select_n3A_477 = arith.select %lt3A_473, %add3A_476, %min3A_470 : vector<16xi1>, vector<16xi32>
        %broadcast_in_dim3A_478 = vector.shape_cast %select_n3A_477 : vector<16xi32> to vector<16x1xi32>
        %gather3A_479 = vector.shape_cast %broadcast_in_dim3A_478 : vector<16x1xi32> to vector<16xi32>
        %gather3A_480 = tpu.dynamic_gather %select_n3A_266[%gather3A_479] in [0] : vector<16xi32>, vector<16xi32> -> vector<16xi32>
        %lt3A_481 = arith.constant 6 : i32
        %lt3A_482 = vector.broadcast %lt3A_481 : i32 to vector<16xi32>
        %lt3A_483 = arith.cmpi slt, %iota3A, %lt3A_482 : vector<16xi32>
        %eq3A_484 = arith.cmpi eq, %gather3A_480, %select_n3A_266 : vector<16xi32>
        %and3A_485 = arith.andi %lt3A_483, %eq3A_484 : vector<16xi1>
        %or3A_486 = arith.ori %or3A_464, %and3A_485 : vector<16xi1>
        %add3A_487 = arith.constant 11 : i32
        %add3A_488 = vector.broadcast %add3A_487 : i32 to vector<16xi32>
        %add3A_489 = arith.addi %iota3A, %add3A_488 : vector<16xi32>
        %min3A_490 = arith.constant 15 : i32
        %min3A_491 = vector.broadcast %min3A_490 : i32 to vector<16xi32>
        %min3A_492 = arith.minsi %add3A_489, %min3A_491 : vector<16xi32>
        %lt3A_493 = arith.constant 0 : i32
        %lt3A_494 = vector.broadcast %lt3A_493 : i32 to vector<16xi32>
        %lt3A_495 = arith.cmpi slt, %min3A_492, %lt3A_494 : vector<16xi32>
        %add3A_496 = arith.constant 16 : i32
        %add3A_497 = vector.broadcast %add3A_496 : i32 to vector<16xi32>
        %add3A_498 = arith.addi %min3A_492, %add3A_497 : vector<16xi32>
        %select_n3A_499 = arith.select %lt3A_495, %add3A_498, %min3A_492 : vector<16xi1>, vector<16xi32>
        %broadcast_in_dim3A_500 = vector.shape_cast %select_n3A_499 : vector<16xi32> to vector<16x1xi32>
        %gather3A_501 = vector.shape_cast %broadcast_in_dim3A_500 : vector<16x1xi32> to vector<16xi32>
        %gather3A_502 = tpu.dynamic_gather %select_n3A_266[%gather3A_501] in [0] : vector<16xi32>, vector<16xi32> -> vector<16xi32>
        %lt3A_503 = arith.constant 5 : i32
        %lt3A_504 = vector.broadcast %lt3A_503 : i32 to vector<16xi32>
        %lt3A_505 = arith.cmpi slt, %iota3A, %lt3A_504 : vector<16xi32>
        %eq3A_506 = arith.cmpi eq, %gather3A_502, %select_n3A_266 : vector<16xi32>
        %and3A_507 = arith.andi %lt3A_505, %eq3A_506 : vector<16xi1>
        %or3A_508 = arith.ori %or3A_486, %and3A_507 : vector<16xi1>
        %add3A_509 = arith.constant 12 : i32
        %add3A_510 = vector.broadcast %add3A_509 : i32 to vector<16xi32>
        %add3A_511 = arith.addi %iota3A, %add3A_510 : vector<16xi32>
        %min3A_512 = arith.constant 15 : i32
        %min3A_513 = vector.broadcast %min3A_512 : i32 to vector<16xi32>
        %min3A_514 = arith.minsi %add3A_511, %min3A_513 : vector<16xi32>
        %lt3A_515 = arith.constant 0 : i32
        %lt3A_516 = vector.broadcast %lt3A_515 : i32 to vector<16xi32>
        %lt3A_517 = arith.cmpi slt, %min3A_514, %lt3A_516 : vector<16xi32>
        %add3A_518 = arith.constant 16 : i32
        %add3A_519 = vector.broadcast %add3A_518 : i32 to vector<16xi32>
        %add3A_520 = arith.addi %min3A_514, %add3A_519 : vector<16xi32>
        %select_n3A_521 = arith.select %lt3A_517, %add3A_520, %min3A_514 : vector<16xi1>, vector<16xi32>
        %broadcast_in_dim3A_522 = vector.shape_cast %select_n3A_521 : vector<16xi32> to vector<16x1xi32>
        %gather3A_523 = vector.shape_cast %broadcast_in_dim3A_522 : vector<16x1xi32> to vector<16xi32>
        %gather3A_524 = tpu.dynamic_gather %select_n3A_266[%gather3A_523] in [0] : vector<16xi32>, vector<16xi32> -> vector<16xi32>
        %lt3A_525 = arith.constant 4 : i32
        %lt3A_526 = vector.broadcast %lt3A_525 : i32 to vector<16xi32>
        %lt3A_527 = arith.cmpi slt, %iota3A, %lt3A_526 : vector<16xi32>
        %eq3A_528 = arith.cmpi eq, %gather3A_524, %select_n3A_266 : vector<16xi32>
        %and3A_529 = arith.andi %lt3A_527, %eq3A_528 : vector<16xi1>
        %or3A_530 = arith.ori %or3A_508, %and3A_529 : vector<16xi1>
        %add3A_531 = arith.constant 13 : i32
        %add3A_532 = vector.broadcast %add3A_531 : i32 to vector<16xi32>
        %add3A_533 = arith.addi %iota3A, %add3A_532 : vector<16xi32>
        %min3A_534 = arith.constant 15 : i32
        %min3A_535 = vector.broadcast %min3A_534 : i32 to vector<16xi32>
        %min3A_536 = arith.minsi %add3A_533, %min3A_535 : vector<16xi32>
        %lt3A_537 = arith.constant 0 : i32
        %lt3A_538 = vector.broadcast %lt3A_537 : i32 to vector<16xi32>
        %lt3A_539 = arith.cmpi slt, %min3A_536, %lt3A_538 : vector<16xi32>
        %add3A_540 = arith.constant 16 : i32
        %add3A_541 = vector.broadcast %add3A_540 : i32 to vector<16xi32>
        %add3A_542 = arith.addi %min3A_536, %add3A_541 : vector<16xi32>
        %select_n3A_543 = arith.select %lt3A_539, %add3A_542, %min3A_536 : vector<16xi1>, vector<16xi32>
        %broadcast_in_dim3A_544 = vector.shape_cast %select_n3A_543 : vector<16xi32> to vector<16x1xi32>
        %gather3A_545 = vector.shape_cast %broadcast_in_dim3A_544 : vector<16x1xi32> to vector<16xi32>
        %gather3A_546 = tpu.dynamic_gather %select_n3A_266[%gather3A_545] in [0] : vector<16xi32>, vector<16xi32> -> vector<16xi32>
        %lt3A_547 = arith.constant 3 : i32
        %lt3A_548 = vector.broadcast %lt3A_547 : i32 to vector<16xi32>
        %lt3A_549 = arith.cmpi slt, %iota3A, %lt3A_548 : vector<16xi32>
        %eq3A_550 = arith.cmpi eq, %gather3A_546, %select_n3A_266 : vector<16xi32>
        %and3A_551 = arith.andi %lt3A_549, %eq3A_550 : vector<16xi1>
        %or3A_552 = arith.ori %or3A_530, %and3A_551 : vector<16xi1>
        %add3A_553 = arith.constant 14 : i32
        %add3A_554 = vector.broadcast %add3A_553 : i32 to vector<16xi32>
        %add3A_555 = arith.addi %iota3A, %add3A_554 : vector<16xi32>
        %min3A_556 = arith.constant 15 : i32
        %min3A_557 = vector.broadcast %min3A_556 : i32 to vector<16xi32>
        %min3A_558 = arith.minsi %add3A_555, %min3A_557 : vector<16xi32>
        %lt3A_559 = arith.constant 0 : i32
        %lt3A_560 = vector.broadcast %lt3A_559 : i32 to vector<16xi32>
        %lt3A_561 = arith.cmpi slt, %min3A_558, %lt3A_560 : vector<16xi32>
        %add3A_562 = arith.constant 16 : i32
        %add3A_563 = vector.broadcast %add3A_562 : i32 to vector<16xi32>
        %add3A_564 = arith.addi %min3A_558, %add3A_563 : vector<16xi32>
        %select_n3A_565 = arith.select %lt3A_561, %add3A_564, %min3A_558 : vector<16xi1>, vector<16xi32>
        %broadcast_in_dim3A_566 = vector.shape_cast %select_n3A_565 : vector<16xi32> to vector<16x1xi32>
        %gather3A_567 = vector.shape_cast %broadcast_in_dim3A_566 : vector<16x1xi32> to vector<16xi32>
        %gather3A_568 = tpu.dynamic_gather %select_n3A_266[%gather3A_567] in [0] : vector<16xi32>, vector<16xi32> -> vector<16xi32>
        %lt3A_569 = arith.constant 2 : i32
        %lt3A_570 = vector.broadcast %lt3A_569 : i32 to vector<16xi32>
        %lt3A_571 = arith.cmpi slt, %iota3A, %lt3A_570 : vector<16xi32>
        %eq3A_572 = arith.cmpi eq, %gather3A_568, %select_n3A_266 : vector<16xi32>
        %and3A_573 = arith.andi %lt3A_571, %eq3A_572 : vector<16xi1>
        %or3A_574 = arith.ori %or3A_552, %and3A_573 : vector<16xi1>
        %add3A_575 = arith.constant 15 : i32
        %add3A_576 = vector.broadcast %add3A_575 : i32 to vector<16xi32>
        %add3A_577 = arith.addi %iota3A, %add3A_576 : vector<16xi32>
        %min3A_578 = arith.constant 15 : i32
        %min3A_579 = vector.broadcast %min3A_578 : i32 to vector<16xi32>
        %min3A_580 = arith.minsi %add3A_577, %min3A_579 : vector<16xi32>
        %lt3A_581 = arith.constant 0 : i32
        %lt3A_582 = vector.broadcast %lt3A_581 : i32 to vector<16xi32>
        %lt3A_583 = arith.cmpi slt, %min3A_580, %lt3A_582 : vector<16xi32>
        %add3A_584 = arith.constant 16 : i32
        %add3A_585 = vector.broadcast %add3A_584 : i32 to vector<16xi32>
        %add3A_586 = arith.addi %min3A_580, %add3A_585 : vector<16xi32>
        %select_n3A_587 = arith.select %lt3A_583, %add3A_586, %min3A_580 : vector<16xi1>, vector<16xi32>
        %broadcast_in_dim3A_588 = vector.shape_cast %select_n3A_587 : vector<16xi32> to vector<16x1xi32>
        %gather3A_589 = vector.shape_cast %broadcast_in_dim3A_588 : vector<16x1xi32> to vector<16xi32>
        %gather3A_590 = tpu.dynamic_gather %select_n3A_266[%gather3A_589] in [0] : vector<16xi32>, vector<16xi32> -> vector<16xi32>
        %lt3A_591 = arith.constant 1 : i32
        %lt3A_592 = vector.broadcast %lt3A_591 : i32 to vector<16xi32>
        %lt3A_593 = arith.cmpi slt, %iota3A, %lt3A_592 : vector<16xi32>
        %eq3A_594 = arith.cmpi eq, %gather3A_590, %select_n3A_266 : vector<16xi32>
        %and3A_595 = arith.andi %lt3A_593, %eq3A_594 : vector<16xi1>
        %or3A_596 = arith.ori %or3A_574, %and3A_595 : vector<16xi1>
        %not3A = arith.constant dense<true> : vector<16xi1>
        %not3A_597 = arith.xori %or3A_596, %not3A : vector<16xi1>
        %and3A_598 = arith.andi %and3A_250, %not3A_597 : vector<16xi1>
        tpu.vector_store_idx %arg10[%select_n3A_254], %add3A_252 masked %and3A_598 : memref<3136xi32, #tpu.memory_space<vmem>>[vector<16xi32>], vector<16xi32>, vector<16xi1>
      } else {
      }
    }
    %while3A_102 = arith.constant 1 : i32
    scf.for %while3A_241 = %while3A_100 to %while3A_96 step %while3A_102  : i32 {
      %mul3A_242 = arith.constant 16 : i32
      %mul3A_243 = arith.muli %while3A_241, %mul3A_242 : i32
      %get3A = arith.index_cast %mul3A_243 : i32 to index
      %get3A_244 = tpu.vector_load %arg9[%get3A] {strides = array<i32>} : memref<16384xi32, #tpu.memory_space<vmem>>, vector<16xi32>,
      %sub3A_245 = vector.broadcast %multiple_of3A : i32 to vector<16xi32>
      %sub3A_246 = arith.subi %get3A_244, %sub3A_245 : vector<16xi32>
      %ge3A = arith.constant 0 : i32
      %ge3A_247 = vector.broadcast %ge3A : i32 to vector<16xi32>
      %ge3A_248 = arith.cmpi sge, %sub3A_246, %ge3A_247 : vector<16xi32>
      %lt3A = vector.broadcast %min3A_4 : i32 to vector<16xi32>
      %lt3A_249 = arith.cmpi slt, %sub3A_246, %lt3A : vector<16xi32>
      %and3A_250 = arith.andi %ge3A_248, %lt3A_249 : vector<16xi1>
      %all_reduce_population_count3A = tpu.all_reduce %and3A_250 {dim = 0 : i64, kind = #tpu.reduction_kind<sum>} : vector<16xi1> -> vector<16xi32>
      %slice3A = vector.extract_strided_slice %all_reduce_population_count3A {offsets = [0], sizes = [1], strides = [1]} : vector<16xi32> to vector<1xi32>
      %squeeze3A = vector.extract %slice3A[0] : i32 from vector<1xi32>
      %add3A_251 = vector.broadcast %mul3A_243 : i32 to vector<16xi32>
      %add3A_252 = arith.addi %add3A_251, %iota3A : vector<16xi32>
      %jit3A_253 = arith.constant 0 : i32
      %broadcast_in_dim3A = vector.broadcast %jit3A_253 : i32 to vector<16xi32>
      %select_n3A_254 = arith.select %and3A_250, %sub3A_246, %broadcast_in_dim3A : vector<16xi1>, vector<16xi32>
      %eq3A = arith.constant 1 : i32
      %eq3A_255 = arith.cmpi eq, %squeeze3A, %eq3A : i32
      %convert_element_type3A_256 = arith.extui %eq3A_255 : i1 to i32
      %cond3A_257 = arith.constant 0 : i32
      %cond3A_258 = arith.cmpi ne, %convert_element_type3A_256, %cond3A_257 : i32
      scf.if %cond3A_258 {
        tpu.vector_store_idx %arg10[%select_n3A_254], %add3A_252 masked %and3A_250 : memref<3136xi32, #tpu.memory_space<vmem>>[vector<16xi32>], vector<16xi32>, vector<16xi1>
      } else {
      }
      %gt3A_259 = arith.constant 1 : i32
      %gt3A_260 = arith.cmpi sgt, %squeeze3A, %gt3A_259 : i32
      %convert_element_type3A_261 = arith.extui %gt3A_260 : i1 to i32
      %cond3A_262 = arith.constant 0 : i32
      %cond3A_263 = arith.cmpi ne, %convert_element_type3A_261, %cond3A_262 : i32
      scf.if %cond3A_263 {
        %jit3A_264 = arith.constant -1 : i32
        %broadcast_in_dim3A_265 = vector.broadcast %jit3A_264 : i32 to vector<16xi32>
        %select_n3A_266 = arith.select %and3A_250, %sub3A_246, %broadcast_in_dim3A_265 : vector<16xi1>, vector<16xi32>
        %broadcast_in_dim3A_267 = arith.constant false
        %broadcast_in_dim3A_268 = vector.broadcast %broadcast_in_dim3A_267 : i1 to vector<16xi1>
        %add3A_269 = arith.constant 1 : i32
        %add3A_270 = vector.broadcast %add3A_269 : i32 to vector<16xi32>
        %add3A_271 = arith.addi %iota3A, %add3A_270 : vector<16xi32>
        %min3A_272 = arith.constant 15 : i32
        %min3A_273 = vector.broadcast %min3A_272 : i32 to vector<16xi32>
        %min3A_274 = arith.minsi %add3A_271, %min3A_273 : vector<16xi32>
        %lt3A_275 = arith.constant 0 : i32
        %lt3A_276 = vector.broadcast %lt3A_275 : i32 to vector<16xi32>
        %lt3A_277 = arith.cmpi slt, %min3A_274, %lt3A_276 : vector<16xi32>
        %add3A_278 = arith.constant 16 : i32
        %add3A_279 = vector.broadcast %add3A_278 : i32 to vector<16xi32>
        %add3A_280 = arith.addi %min3A_274, %add3A_279 : vector<16xi32>
        %select_n3A_281 = arith.select %lt3A_277, %add3A_280, %min3A_274 : vector<16xi1>, vector<16xi32>
        %broadcast_in_dim3A_282 = vector.shape_cast %select_n3A_281 : vector<16xi32> to vector<16x1xi32>
        %gather3A = vector.shape_cast %broadcast_in_dim3A_282 : vector<16x1xi32> to vector<16xi32>
        %gather3A_283 = tpu.dynamic_gather %select_n3A_266[%gather3A] in [0] : vector<16xi32>, vector<16xi32> -> vector<16xi32>
        %lt3A_284 = arith.constant 15 : i32
        %lt3A_285 = vector.broadcast %lt3A_284 : i32 to vector<16xi32>
        %lt3A_286 = arith.cmpi slt, %iota3A, %lt3A_285 : vector<16xi32>
        %eq3A_287 = arith.cmpi eq, %gather3A_283, %select_n3A_266 : vector<16xi32>
        %and3A_288 = arith.andi %lt3A_286, %eq3A_287 : vector<16xi1>
        %or3A = arith.ori %broadcast_in_dim3A_268, %and3A_288 : vector<16xi1>
        %add3A_289 = arith.constant 2 : i32
        %add3A_290 = vector.broadcast %add3A_289 : i32 to vector<16xi32>
        %add3A_291 = arith.addi %iota3A, %add3A_290 : vector<16xi32>
        %min3A_292 = arith.constant 15 : i32
        %min3A_293 = vector.broadcast %min3A_292 : i32 to vector<16xi32>
        %min3A_294 = arith.minsi %add3A_291, %min3A_293 : vector<16xi32>
        %lt3A_295 = arith.constant 0 : i32
        %lt3A_296 = vector.broadcast %lt3A_295 : i32 to vector<16xi32>
        %lt3A_297 = arith.cmpi slt, %min3A_294, %lt3A_296 : vector<16xi32>
        %add3A_298 = arith.constant 16 : i32
        %add3A_299 = vector.broadcast %add3A_298 : i32 to vector<16xi32>
        %add3A_300 = arith.addi %min3A_294, %add3A_299 : vector<16xi32>
        %select_n3A_301 = arith.select %lt3A_297, %add3A_300, %min3A_294 : vector<16xi1>, vector<16xi32>
        %broadcast_in_dim3A_302 = vector.shape_cast %select_n3A_301 : vector<16xi32> to vector<16x1xi32>
        %gather3A_303 = vector.shape_cast %broadcast_in_dim3A_302 : vector<16x1xi32> to vector<16xi32>
        %gather3A_304 = tpu.dynamic_gather %select_n3A_266[%gather3A_303] in [0] : vector<16xi32>, vector<16xi32> -> vector<16xi32>
        %lt3A_305 = arith.constant 14 : i32
        %lt3A_306 = vector.broadcast %lt3A_305 : i32 to vector<16xi32>
        %lt3A_307 = arith.cmpi slt, %iota3A, %lt3A_306 : vector<16xi32>
        %eq3A_308 = arith.cmpi eq, %gather3A_304, %select_n3A_266 : vector<16xi32>
        %and3A_309 = arith.andi %lt3A_307, %eq3A_308 : vector<16xi1>
        %or3A_310 = arith.ori %or3A, %and3A_309 : vector<16xi1>
        %add3A_311 = arith.constant 3 : i32
        %add3A_312 = vector.broadcast %add3A_311 : i32 to vector<16xi32>
        %add3A_313 = arith.addi %iota3A, %add3A_312 : vector<16xi32>
        %min3A_314 = arith.constant 15 : i32
        %min3A_315 = vector.broadcast %min3A_314 : i32 to vector<16xi32>
        %min3A_316 = arith.minsi %add3A_313, %min3A_315 : vector<16xi32>
        %lt3A_317 = arith.constant 0 : i32
        %lt3A_318 = vector.broadcast %lt3A_317 : i32 to vector<16xi32>
        %lt3A_319 = arith.cmpi slt, %min3A_316, %lt3A_318 : vector<16xi32>
        %add3A_320 = arith.constant 16 : i32
        %add3A_321 = vector.broadcast %add3A_320 : i32 to vector<16xi32>
        %add3A_322 = arith.addi %min3A_316, %add3A_321 : vector<16xi32>
        %select_n3A_323 = arith.select %lt3A_319, %add3A_322, %min3A_316 : vector<16xi1>, vector<16xi32>
        %broadcast_in_dim3A_324 = vector.shape_cast %select_n3A_323 : vector<16xi32> to vector<16x1xi32>
        %gather3A_325 = vector.shape_cast %broadcast_in_dim3A_324 : vector<16x1xi32> to vector<16xi32>
        %gather3A_326 = tpu.dynamic_gather %select_n3A_266[%gather3A_325] in [0] : vector<16xi32>, vector<16xi32> -> vector<16xi32>
        %lt3A_327 = arith.constant 13 : i32
        %lt3A_328 = vector.broadcast %lt3A_327 : i32 to vector<16xi32>
        %lt3A_329 = arith.cmpi slt, %iota3A, %lt3A_328 : vector<16xi32>
        %eq3A_330 = arith.cmpi eq, %gather3A_326, %select_n3A_266 : vector<16xi32>
        %and3A_331 = arith.andi %lt3A_329, %eq3A_330 : vector<16xi1>
        %or3A_332 = arith.ori %or3A_310, %and3A_331 : vector<16xi1>
        %add3A_333 = arith.constant 4 : i32
        %add3A_334 = vector.broadcast %add3A_333 : i32 to vector<16xi32>
        %add3A_335 = arith.addi %iota3A, %add3A_334 : vector<16xi32>
        %min3A_336 = arith.constant 15 : i32
        %min3A_337 = vector.broadcast %min3A_336 : i32 to vector<16xi32>
        %min3A_338 = arith.minsi %add3A_335, %min3A_337 : vector<16xi32>
        %lt3A_339 = arith.constant 0 : i32
        %lt3A_340 = vector.broadcast %lt3A_339 : i32 to vector<16xi32>
        %lt3A_341 = arith.cmpi slt, %min3A_338, %lt3A_340 : vector<16xi32>
        %add3A_342 = arith.constant 16 : i32
        %add3A_343 = vector.broadcast %add3A_342 : i32 to vector<16xi32>
        %add3A_344 = arith.addi %min3A_338, %add3A_343 : vector<16xi32>
        %select_n3A_345 = arith.select %lt3A_341, %add3A_344, %min3A_338 : vector<16xi1>, vector<16xi32>
        %broadcast_in_dim3A_346 = vector.shape_cast %select_n3A_345 : vector<16xi32> to vector<16x1xi32>
        %gather3A_347 = vector.shape_cast %broadcast_in_dim3A_346 : vector<16x1xi32> to vector<16xi32>
        %gather3A_348 = tpu.dynamic_gather %select_n3A_266[%gather3A_347] in [0] : vector<16xi32>, vector<16xi32> -> vector<16xi32>
        %lt3A_349 = arith.constant 12 : i32
        %lt3A_350 = vector.broadcast %lt3A_349 : i32 to vector<16xi32>
        %lt3A_351 = arith.cmpi slt, %iota3A, %lt3A_350 : vector<16xi32>
        %eq3A_352 = arith.cmpi eq, %gather3A_348, %select_n3A_266 : vector<16xi32>
        %and3A_353 = arith.andi %lt3A_351, %eq3A_352 : vector<16xi1>
        %or3A_354 = arith.ori %or3A_332, %and3A_353 : vector<16xi1>
        %add3A_355 = arith.constant 5 : i32
        %add3A_356 = vector.broadcast %add3A_355 : i32 to vector<16xi32>
        %add3A_357 = arith.addi %iota3A, %add3A_356 : vector<16xi32>
        %min3A_358 = arith.constant 15 : i32
        %min3A_359 = vector.broadcast %min3A_358 : i32 to vector<16xi32>
        %min3A_360 = arith.minsi %add3A_357, %min3A_359 : vector<16xi32>
        %lt3A_361 = arith.constant 0 : i32
        %lt3A_362 = vector.broadcast %lt3A_361 : i32 to vector<16xi32>
        %lt3A_363 = arith.cmpi slt, %min3A_360, %lt3A_362 : vector<16xi32>
        %add3A_364 = arith.constant 16 : i32
        %add3A_365 = vector.broadcast %add3A_364 : i32 to vector<16xi32>
        %add3A_366 = arith.addi %min3A_360, %add3A_365 : vector<16xi32>
        %select_n3A_367 = arith.select %lt3A_363, %add3A_366, %min3A_360 : vector<16xi1>, vector<16xi32>
        %broadcast_in_dim3A_368 = vector.shape_cast %select_n3A_367 : vector<16xi32> to vector<16x1xi32>
        %gather3A_369 = vector.shape_cast %broadcast_in_dim3A_368 : vector<16x1xi32> to vector<16xi32>
        %gather3A_370 = tpu.dynamic_gather %select_n3A_266[%gather3A_369] in [0] : vector<16xi32>, vector<16xi32> -> vector<16xi32>
        %lt3A_371 = arith.constant 11 : i32
        %lt3A_372 = vector.broadcast %lt3A_371 : i32 to vector<16xi32>
        %lt3A_373 = arith.cmpi slt, %iota3A, %lt3A_372 : vector<16xi32>
        %eq3A_374 = arith.cmpi eq, %gather3A_370, %select_n3A_266 : vector<16xi32>
        %and3A_375 = arith.andi %lt3A_373, %eq3A_374 : vector<16xi1>
        %or3A_376 = arith.ori %or3A_354, %and3A_375 : vector<16xi1>
        %add3A_377 = arith.constant 6 : i32
        %add3A_378 = vector.broadcast %add3A_377 : i32 to vector<16xi32>
        %add3A_379 = arith.addi %iota3A, %add3A_378 : vector<16xi32>
        %min3A_380 = arith.constant 15 : i32
        %min3A_381 = vector.broadcast %min3A_380 : i32 to vector<16xi32>
        %min3A_382 = arith.minsi %add3A_379, %min3A_381 : vector<16xi32>
        %lt3A_383 = arith.constant 0 : i32
        %lt3A_384 = vector.broadcast %lt3A_383 : i32 to vector<16xi32>
        %lt3A_385 = arith.cmpi slt, %min3A_382, %lt3A_384 : vector<16xi32>
        %add3A_386 = arith.constant 16 : i32
        %add3A_387 = vector.broadcast %add3A_386 : i32 to vector<16xi32>
        %add3A_388 = arith.addi %min3A_382, %add3A_387 : vector<16xi32>
        %select_n3A_389 = arith.select %lt3A_385, %add3A_388, %min3A_382 : vector<16xi1>, vector<16xi32>
        %broadcast_in_dim3A_390 = vector.shape_cast %select_n3A_389 : vector<16xi32> to vector<16x1xi32>
        %gather3A_391 = vector.shape_cast %broadcast_in_dim3A_390 : vector<16x1xi32> to vector<16xi32>
        %gather3A_392 = tpu.dynamic_gather %select_n3A_266[%gather3A_391] in [0] : vector<16xi32>, vector<16xi32> -> vector<16xi32>
        %lt3A_393 = arith.constant 10 : i32
        %lt3A_394 = vector.broadcast %lt3A_393 : i32 to vector<16xi32>
        %lt3A_395 = arith.cmpi slt, %iota3A, %lt3A_394 : vector<16xi32>
        %eq3A_396 = arith.cmpi eq, %gather3A_392, %select_n3A_266 : vector<16xi32>
        %and3A_397 = arith.andi %lt3A_395, %eq3A_396 : vector<16xi1>
        %or3A_398 = arith.ori %or3A_376, %and3A_397 : vector<16xi1>
        %add3A_399 = arith.constant 7 : i32
        %add3A_400 = vector.broadcast %add3A_399 : i32 to vector<16xi32>
        %add3A_401 = arith.addi %iota3A, %add3A_400 : vector<16xi32>
        %min3A_402 = arith.constant 15 : i32
        %min3A_403 = vector.broadcast %min3A_402 : i32 to vector<16xi32>
        %min3A_404 = arith.minsi %add3A_401, %min3A_403 : vector<16xi32>
        %lt3A_405 = arith.constant 0 : i32
        %lt3A_406 = vector.broadcast %lt3A_405 : i32 to vector<16xi32>
        %lt3A_407 = arith.cmpi slt, %min3A_404, %lt3A_406 : vector<16xi32>
        %add3A_408 = arith.constant 16 : i32
        %add3A_409 = vector.broadcast %add3A_408 : i32 to vector<16xi32>
        %add3A_410 = arith.addi %min3A_404, %add3A_409 : vector<16xi32>
        %select_n3A_411 = arith.select %lt3A_407, %add3A_410, %min3A_404 : vector<16xi1>, vector<16xi32>
        %broadcast_in_dim3A_412 = vector.shape_cast %select_n3A_411 : vector<16xi32> to vector<16x1xi32>
        %gather3A_413 = vector.shape_cast %broadcast_in_dim3A_412 : vector<16x1xi32> to vector<16xi32>
        %gather3A_414 = tpu.dynamic_gather %select_n3A_266[%gather3A_413] in [0] : vector<16xi32>, vector<16xi32> -> vector<16xi32>
        %lt3A_415 = arith.constant 9 : i32
        %lt3A_416 = vector.broadcast %lt3A_415 : i32 to vector<16xi32>
        %lt3A_417 = arith.cmpi slt, %iota3A, %lt3A_416 : vector<16xi32>
        %eq3A_418 = arith.cmpi eq, %gather3A_414, %select_n3A_266 : vector<16xi32>
        %and3A_419 = arith.andi %lt3A_417, %eq3A_418 : vector<16xi1>
        %or3A_420 = arith.ori %or3A_398, %and3A_419 : vector<16xi1>
        %add3A_421 = arith.constant 8 : i32
        %add3A_422 = vector.broadcast %add3A_421 : i32 to vector<16xi32>
        %add3A_423 = arith.addi %iota3A, %add3A_422 : vector<16xi32>
        %min3A_424 = arith.constant 15 : i32
        %min3A_425 = vector.broadcast %min3A_424 : i32 to vector<16xi32>
        %min3A_426 = arith.minsi %add3A_423, %min3A_425 : vector<16xi32>
        %lt3A_427 = arith.constant 0 : i32
        %lt3A_428 = vector.broadcast %lt3A_427 : i32 to vector<16xi32>
        %lt3A_429 = arith.cmpi slt, %min3A_426, %lt3A_428 : vector<16xi32>
        %add3A_430 = arith.constant 16 : i32
        %add3A_431 = vector.broadcast %add3A_430 : i32 to vector<16xi32>
        %add3A_432 = arith.addi %min3A_426, %add3A_431 : vector<16xi32>
        %select_n3A_433 = arith.select %lt3A_429, %add3A_432, %min3A_426 : vector<16xi1>, vector<16xi32>
        %broadcast_in_dim3A_434 = vector.shape_cast %select_n3A_433 : vector<16xi32> to vector<16x1xi32>
        %gather3A_435 = vector.shape_cast %broadcast_in_dim3A_434 : vector<16x1xi32> to vector<16xi32>
        %gather3A_436 = tpu.dynamic_gather %select_n3A_266[%gather3A_435] in [0] : vector<16xi32>, vector<16xi32> -> vector<16xi32>
        %lt3A_437 = arith.constant 8 : i32
        %lt3A_438 = vector.broadcast %lt3A_437 : i32 to vector<16xi32>
        %lt3A_439 = arith.cmpi slt, %iota3A, %lt3A_438 : vector<16xi32>
        %eq3A_440 = arith.cmpi eq, %gather3A_436, %select_n3A_266 : vector<16xi32>
        %and3A_441 = arith.andi %lt3A_439, %eq3A_440 : vector<16xi1>
        %or3A_442 = arith.ori %or3A_420, %and3A_441 : vector<16xi1>
        %add3A_443 = arith.constant 9 : i32
        %add3A_444 = vector.broadcast %add3A_443 : i32 to vector<16xi32>
        %add3A_445 = arith.addi %iota3A, %add3A_444 : vector<16xi32>
        %min3A_446 = arith.constant 15 : i32
        %min3A_447 = vector.broadcast %min3A_446 : i32 to vector<16xi32>
        %min3A_448 = arith.minsi %add3A_445, %min3A_447 : vector<16xi32>
        %lt3A_449 = arith.constant 0 : i32
        %lt3A_450 = vector.broadcast %lt3A_449 : i32 to vector<16xi32>
        %lt3A_451 = arith.cmpi slt, %min3A_448, %lt3A_450 : vector<16xi32>
        %add3A_452 = arith.constant 16 : i32
        %add3A_453 = vector.broadcast %add3A_452 : i32 to vector<16xi32>
        %add3A_454 = arith.addi %min3A_448, %add3A_453 : vector<16xi32>
        %select_n3A_455 = arith.select %lt3A_451, %add3A_454, %min3A_448 : vector<16xi1>, vector<16xi32>
        %broadcast_in_dim3A_456 = vector.shape_cast %select_n3A_455 : vector<16xi32> to vector<16x1xi32>
        %gather3A_457 = vector.shape_cast %broadcast_in_dim3A_456 : vector<16x1xi32> to vector<16xi32>
        %gather3A_458 = tpu.dynamic_gather %select_n3A_266[%gather3A_457] in [0] : vector<16xi32>, vector<16xi32> -> vector<16xi32>
        %lt3A_459 = arith.constant 7 : i32
        %lt3A_460 = vector.broadcast %lt3A_459 : i32 to vector<16xi32>
        %lt3A_461 = arith.cmpi slt, %iota3A, %lt3A_460 : vector<16xi32>
        %eq3A_462 = arith.cmpi eq, %gather3A_458, %select_n3A_266 : vector<16xi32>
        %and3A_463 = arith.andi %lt3A_461, %eq3A_462 : vector<16xi1>
        %or3A_464 = arith.ori %or3A_442, %and3A_463 : vector<16xi1>
        %add3A_465 = arith.constant 10 : i32
        %add3A_466 = vector.broadcast %add3A_465 : i32 to vector<16xi32>
        %add3A_467 = arith.addi %iota3A, %add3A_466 : vector<16xi32>
        %min3A_468 = arith.constant 15 : i32
        %min3A_469 = vector.broadcast %min3A_468 : i32 to vector<16xi32>
        %min3A_470 = arith.minsi %add3A_467, %min3A_469 : vector<16xi32>
        %lt3A_471 = arith.constant 0 : i32
        %lt3A_472 = vector.broadcast %lt3A_471 : i32 to vector<16xi32>
        %lt3A_473 = arith.cmpi slt, %min3A_470, %lt3A_472 : vector<16xi32>
        %add3A_474 = arith.constant 16 : i32
        %add3A_475 = vector.broadcast %add3A_474 : i32 to vector<16xi32>
        %add3A_476 = arith.addi %min3A_470, %add3A_475 : vector<16xi32>
        %select_n3A_477 = arith.select %lt3A_473, %add3A_476, %min3A_470 : vector<16xi1>, vector<16xi32>
        %broadcast_in_dim3A_478 = vector.shape_cast %select_n3A_477 : vector<16xi32> to vector<16x1xi32>
        %gather3A_479 = vector.shape_cast %broadcast_in_dim3A_478 : vector<16x1xi32> to vector<16xi32>
        %gather3A_480 = tpu.dynamic_gather %select_n3A_266[%gather3A_479] in [0] : vector<16xi32>, vector<16xi32> -> vector<16xi32>
        %lt3A_481 = arith.constant 6 : i32
        %lt3A_482 = vector.broadcast %lt3A_481 : i32 to vector<16xi32>
        %lt3A_483 = arith.cmpi slt, %iota3A, %lt3A_482 : vector<16xi32>
        %eq3A_484 = arith.cmpi eq, %gather3A_480, %select_n3A_266 : vector<16xi32>
        %and3A_485 = arith.andi %lt3A_483, %eq3A_484 : vector<16xi1>
        %or3A_486 = arith.ori %or3A_464, %and3A_485 : vector<16xi1>
        %add3A_487 = arith.constant 11 : i32
        %add3A_488 = vector.broadcast %add3A_487 : i32 to vector<16xi32>
        %add3A_489 = arith.addi %iota3A, %add3A_488 : vector<16xi32>
        %min3A_490 = arith.constant 15 : i32
        %min3A_491 = vector.broadcast %min3A_490 : i32 to vector<16xi32>
        %min3A_492 = arith.minsi %add3A_489, %min3A_491 : vector<16xi32>
        %lt3A_493 = arith.constant 0 : i32
        %lt3A_494 = vector.broadcast %lt3A_493 : i32 to vector<16xi32>
        %lt3A_495 = arith.cmpi slt, %min3A_492, %lt3A_494 : vector<16xi32>
        %add3A_496 = arith.constant 16 : i32
        %add3A_497 = vector.broadcast %add3A_496 : i32 to vector<16xi32>
        %add3A_498 = arith.addi %min3A_492, %add3A_497 : vector<16xi32>
        %select_n3A_499 = arith.select %lt3A_495, %add3A_498, %min3A_492 : vector<16xi1>, vector<16xi32>
        %broadcast_in_dim3A_500 = vector.shape_cast %select_n3A_499 : vector<16xi32> to vector<16x1xi32>
        %gather3A_501 = vector.shape_cast %broadcast_in_dim3A_500 : vector<16x1xi32> to vector<16xi32>
        %gather3A_502 = tpu.dynamic_gather %select_n3A_266[%gather3A_501] in [0] : vector<16xi32>, vector<16xi32> -> vector<16xi32>
        %lt3A_503 = arith.constant 5 : i32
        %lt3A_504 = vector.broadcast %lt3A_503 : i32 to vector<16xi32>
        %lt3A_505 = arith.cmpi slt, %iota3A, %lt3A_504 : vector<16xi32>
        %eq3A_506 = arith.cmpi eq, %gather3A_502, %select_n3A_266 : vector<16xi32>
        %and3A_507 = arith.andi %lt3A_505, %eq3A_506 : vector<16xi1>
        %or3A_508 = arith.ori %or3A_486, %and3A_507 : vector<16xi1>
        %add3A_509 = arith.constant 12 : i32
        %add3A_510 = vector.broadcast %add3A_509 : i32 to vector<16xi32>
        %add3A_511 = arith.addi %iota3A, %add3A_510 : vector<16xi32>
        %min3A_512 = arith.constant 15 : i32
        %min3A_513 = vector.broadcast %min3A_512 : i32 to vector<16xi32>
        %min3A_514 = arith.minsi %add3A_511, %min3A_513 : vector<16xi32>
        %lt3A_515 = arith.constant 0 : i32
        %lt3A_516 = vector.broadcast %lt3A_515 : i32 to vector<16xi32>
        %lt3A_517 = arith.cmpi slt, %min3A_514, %lt3A_516 : vector<16xi32>
        %add3A_518 = arith.constant 16 : i32
        %add3A_519 = vector.broadcast %add3A_518 : i32 to vector<16xi32>
        %add3A_520 = arith.addi %min3A_514, %add3A_519 : vector<16xi32>
        %select_n3A_521 = arith.select %lt3A_517, %add3A_520, %min3A_514 : vector<16xi1>, vector<16xi32>
        %broadcast_in_dim3A_522 = vector.shape_cast %select_n3A_521 : vector<16xi32> to vector<16x1xi32>
        %gather3A_523 = vector.shape_cast %broadcast_in_dim3A_522 : vector<16x1xi32> to vector<16xi32>
        %gather3A_524 = tpu.dynamic_gather %select_n3A_266[%gather3A_523] in [0] : vector<16xi32>, vector<16xi32> -> vector<16xi32>
        %lt3A_525 = arith.constant 4 : i32
        %lt3A_526 = vector.broadcast %lt3A_525 : i32 to vector<16xi32>
        %lt3A_527 = arith.cmpi slt, %iota3A, %lt3A_526 : vector<16xi32>
        %eq3A_528 = arith.cmpi eq, %gather3A_524, %select_n3A_266 : vector<16xi32>
        %and3A_529 = arith.andi %lt3A_527, %eq3A_528 : vector<16xi1>
        %or3A_530 = arith.ori %or3A_508, %and3A_529 : vector<16xi1>
        %add3A_531 = arith.constant 13 : i32
        %add3A_532 = vector.broadcast %add3A_531 : i32 to vector<16xi32>
        %add3A_533 = arith.addi %iota3A, %add3A_532 : vector<16xi32>
        %min3A_534 = arith.constant 15 : i32
        %min3A_535 = vector.broadcast %min3A_534 : i32 to vector<16xi32>
        %min3A_536 = arith.minsi %add3A_533, %min3A_535 : vector<16xi32>
        %lt3A_537 = arith.constant 0 : i32
        %lt3A_538 = vector.broadcast %lt3A_537 : i32 to vector<16xi32>
        %lt3A_539 = arith.cmpi slt, %min3A_536, %lt3A_538 : vector<16xi32>
        %add3A_540 = arith.constant 16 : i32
        %add3A_541 = vector.broadcast %add3A_540 : i32 to vector<16xi32>
        %add3A_542 = arith.addi %min3A_536, %add3A_541 : vector<16xi32>
        %select_n3A_543 = arith.select %lt3A_539, %add3A_542, %min3A_536 : vector<16xi1>, vector<16xi32>
        %broadcast_in_dim3A_544 = vector.shape_cast %select_n3A_543 : vector<16xi32> to vector<16x1xi32>
        %gather3A_545 = vector.shape_cast %broadcast_in_dim3A_544 : vector<16x1xi32> to vector<16xi32>
        %gather3A_546 = tpu.dynamic_gather %select_n3A_266[%gather3A_545] in [0] : vector<16xi32>, vector<16xi32> -> vector<16xi32>
        %lt3A_547 = arith.constant 3 : i32
        %lt3A_548 = vector.broadcast %lt3A_547 : i32 to vector<16xi32>
        %lt3A_549 = arith.cmpi slt, %iota3A, %lt3A_548 : vector<16xi32>
        %eq3A_550 = arith.cmpi eq, %gather3A_546, %select_n3A_266 : vector<16xi32>
        %and3A_551 = arith.andi %lt3A_549, %eq3A_550 : vector<16xi1>
        %or3A_552 = arith.ori %or3A_530, %and3A_551 : vector<16xi1>
        %add3A_553 = arith.constant 14 : i32
        %add3A_554 = vector.broadcast %add3A_553 : i32 to vector<16xi32>
        %add3A_555 = arith.addi %iota3A, %add3A_554 : vector<16xi32>
        %min3A_556 = arith.constant 15 : i32
        %min3A_557 = vector.broadcast %min3A_556 : i32 to vector<16xi32>
        %min3A_558 = arith.minsi %add3A_555, %min3A_557 : vector<16xi32>
        %lt3A_559 = arith.constant 0 : i32
        %lt3A_560 = vector.broadcast %lt3A_559 : i32 to vector<16xi32>
        %lt3A_561 = arith.cmpi slt, %min3A_558, %lt3A_560 : vector<16xi32>
        %add3A_562 = arith.constant 16 : i32
        %add3A_563 = vector.broadcast %add3A_562 : i32 to vector<16xi32>
        %add3A_564 = arith.addi %min3A_558, %add3A_563 : vector<16xi32>
        %select_n3A_565 = arith.select %lt3A_561, %add3A_564, %min3A_558 : vector<16xi1>, vector<16xi32>
        %broadcast_in_dim3A_566 = vector.shape_cast %select_n3A_565 : vector<16xi32> to vector<16x1xi32>
        %gather3A_567 = vector.shape_cast %broadcast_in_dim3A_566 : vector<16x1xi32> to vector<16xi32>
        %gather3A_568 = tpu.dynamic_gather %select_n3A_266[%gather3A_567] in [0] : vector<16xi32>, vector<16xi32> -> vector<16xi32>
        %lt3A_569 = arith.constant 2 : i32
        %lt3A_570 = vector.broadcast %lt3A_569 : i32 to vector<16xi32>
        %lt3A_571 = arith.cmpi slt, %iota3A, %lt3A_570 : vector<16xi32>
        %eq3A_572 = arith.cmpi eq, %gather3A_568, %select_n3A_266 : vector<16xi32>
        %and3A_573 = arith.andi %lt3A_571, %eq3A_572 : vector<16xi1>
        %or3A_574 = arith.ori %or3A_552, %and3A_573 : vector<16xi1>
        %add3A_575 = arith.constant 15 : i32
        %add3A_576 = vector.broadcast %add3A_575 : i32 to vector<16xi32>
        %add3A_577 = arith.addi %iota3A, %add3A_576 : vector<16xi32>
        %min3A_578 = arith.constant 15 : i32
        %min3A_579 = vector.broadcast %min3A_578 : i32 to vector<16xi32>
        %min3A_580 = arith.minsi %add3A_577, %min3A_579 : vector<16xi32>
        %lt3A_581 = arith.constant 0 : i32
        %lt3A_582 = vector.broadcast %lt3A_581 : i32 to vector<16xi32>
        %lt3A_583 = arith.cmpi slt, %min3A_580, %lt3A_582 : vector<16xi32>
        %add3A_584 = arith.constant 16 : i32
        %add3A_585 = vector.broadcast %add3A_584 : i32 to vector<16xi32>
        %add3A_586 = arith.addi %min3A_580, %add3A_585 : vector<16xi32>
        %select_n3A_587 = arith.select %lt3A_583, %add3A_586, %min3A_580 : vector<16xi1>, vector<16xi32>
        %broadcast_in_dim3A_588 = vector.shape_cast %select_n3A_587 : vector<16xi32> to vector<16x1xi32>
        %gather3A_589 = vector.shape_cast %broadcast_in_dim3A_588 : vector<16x1xi32> to vector<16xi32>
        %gather3A_590 = tpu.dynamic_gather %select_n3A_266[%gather3A_589] in [0] : vector<16xi32>, vector<16xi32> -> vector<16xi32>
        %lt3A_591 = arith.constant 1 : i32
        %lt3A_592 = vector.broadcast %lt3A_591 : i32 to vector<16xi32>
        %lt3A_593 = arith.cmpi slt, %iota3A, %lt3A_592 : vector<16xi32>
        %eq3A_594 = arith.cmpi eq, %gather3A_590, %select_n3A_266 : vector<16xi32>
        %and3A_595 = arith.andi %lt3A_593, %eq3A_594 : vector<16xi1>
        %or3A_596 = arith.ori %or3A_574, %and3A_595 : vector<16xi1>
        %not3A = arith.constant dense<true> : vector<16xi1>
        %not3A_597 = arith.xori %or3A_596, %not3A : vector<16xi1>
        %and3A_598 = arith.andi %and3A_250, %not3A_597 : vector<16xi1>
        tpu.vector_store_idx %arg10[%select_n3A_254], %add3A_252 masked %and3A_598 : memref<3136xi32, #tpu.memory_space<vmem>>[vector<16xi32>], vector<16xi32>, vector<16xi1>
      } else {
      }
    }
    %sub3A_103 = arith.constant 2 : i32
    %sub3A_104 = arith.subi %select_n3A, %sub3A_103 : i32
    %and3A_105 = arith.constant 1 : i32
    %and3A_106 = arith.andi %select_n3A, %and3A_105 : i32
    %mul3A_107 = arith.constant 128 : i32
    %mul3A_108 = arith.muli %sub3A_104, %mul3A_107 : i32
    %min3A_109 = arith.minsi %mul3A_108, %sub3A_35 : i32
    %add3A_110 = arith.addi %multiple_of3A, %min3A_109 : i32
    %multiple_of3A_111 = tpu.assume_multiple %add3A_110, 8 : i32
    %mul3A_112 = arith.constant 128 : i32
    %mul3A_113 = arith.muli %sub3A_104, %mul3A_112 : i32
    %min3A_114 = arith.minsi %mul3A_113, %sub3A_35 : i32
    %add3A_115 = arith.addi %multiple_of3A, %min3A_114 : i32
    %multiple_of3A_116 = tpu.assume_multiple %add3A_115, 8 : i32
    %dma_wait3A = arith.constant 0 : i32
    %dma_wait3A_117 = arith.constant 0 : i32
    %dma_wait3A_118 = tpu.memref_slice %arg15[%and3A_106, %dma_wait3A, %dma_wait3A_117] : memref<2x128x128xi32, #tpu.memory_space<vmem>> -> memref<1x128x128xi32, #tpu.memory_space<vmem>>
    %dma_wait3A_119 = tpu.memref_squeeze %dma_wait3A_118 : memref<1x128x128xi32, #tpu.memory_space<vmem>> -> memref<128x128xi32, #tpu.memory_space<vmem>>
    %dma_wait3A_120 = arith.constant 0 : i32
    %dma_wait3A_121 = tpu.memref_slice %arg7[%multiple_of3A_111, %dma_wait3A_120] : memref<100000x128xi32, #tpu.memory_space<hbm>> -> memref<128x128xi32, #tpu.memory_space<hbm>>
    %dma_wait3A_122 = tpu.memref_slice %arg17[%and3A_106] : memref<2x!tpu.dma_semaphore, #tpu.memory_space<semaphore_mem>> -> memref<1x!tpu.dma_semaphore, #tpu.memory_space<semaphore_mem>>
    %dma_wait3A_123 = tpu.memref_squeeze %dma_wait3A_122 : memref<1x!tpu.dma_semaphore, #tpu.memory_space<semaphore_mem>> -> memref<!tpu.dma_semaphore, #tpu.memory_space<semaphore_mem>>
    %dma_wait3A_124 = arith.constant 0 : i32
    %dma_wait3A_125 = tpu.memref_slice %arg7[%multiple_of3A_111, %dma_wait3A_124] : memref<100000x128xi32, #tpu.memory_space<hbm>> -> memref<128x128xi32, #tpu.memory_space<hbm>>
    %dma_wait3A_126 = arith.constant 0 : i32
    %dma_wait3A_127 = arith.constant 0 : i32
    %dma_wait3A_128 = tpu.memref_slice %arg15[%and3A_106, %dma_wait3A_126, %dma_wait3A_127] : memref<2x128x128xi32, #tpu.memory_space<vmem>> -> memref<1x128x128xi32, #tpu.memory_space<vmem>>
    %dma_wait3A_129 = tpu.memref_squeeze %dma_wait3A_128 : memref<1x128x128xi32, #tpu.memory_space<vmem>> -> memref<128x128xi32, #tpu.memory_space<vmem>>
    tpu.wait_dma2 semaphore(%dma_wait3A_123 : memref<!tpu.dma_semaphore, #tpu.memory_space<semaphore_mem>>) src(%dma_wait3A_129 : memref<128x128xi32, #tpu.memory_space<vmem>>) dst(%dma_wait3A_125 : memref<128x128xi32, #tpu.memory_space<hbm>>)
    %dma_wait3A_130 = arith.constant 0 : i32
    %dma_wait3A_131 = arith.constant 0 : i32
    %dma_wait3A_132 = tpu.memref_slice %arg21[%and3A_106, %dma_wait3A_130, %dma_wait3A_131] : memref<2x128x128xi32, #tpu.memory_space<vmem>> -> memref<1x128x128xi32, #tpu.memory_space<vmem>>
    %dma_wait3A_133 = tpu.memref_squeeze %dma_wait3A_132 : memref<1x128x128xi32, #tpu.memory_space<vmem>> -> memref<128x128xi32, #tpu.memory_space<vmem>>
    %dma_wait3A_134 = arith.constant 0 : i32
    %dma_wait3A_135 = tpu.memref_slice %arg8[%multiple_of3A_116, %dma_wait3A_134] : memref<100000x128xi32, #tpu.memory_space<hbm>> -> memref<128x128xi32, #tpu.memory_space<hbm>>
    %dma_wait3A_136 = tpu.memref_slice %arg23[%and3A_106] : memref<2x!tpu.dma_semaphore, #tpu.memory_space<semaphore_mem>> -> memref<1x!tpu.dma_semaphore, #tpu.memory_space<semaphore_mem>>
    %dma_wait3A_137 = tpu.memref_squeeze %dma_wait3A_136 : memref<1x!tpu.dma_semaphore, #tpu.memory_space<semaphore_mem>> -> memref<!tpu.dma_semaphore, #tpu.memory_space<semaphore_mem>>
    %dma_wait3A_138 = arith.constant 0 : i32
    %dma_wait3A_139 = tpu.memref_slice %arg8[%multiple_of3A_116, %dma_wait3A_138] : memref<100000x128xi32, #tpu.memory_space<hbm>> -> memref<128x128xi32, #tpu.memory_space<hbm>>
    %dma_wait3A_140 = arith.constant 0 : i32
    %dma_wait3A_141 = arith.constant 0 : i32
    %dma_wait3A_142 = tpu.memref_slice %arg21[%and3A_106, %dma_wait3A_140, %dma_wait3A_141] : memref<2x128x128xi32, #tpu.memory_space<vmem>> -> memref<1x128x128xi32, #tpu.memory_space<vmem>>
    %dma_wait3A_143 = tpu.memref_squeeze %dma_wait3A_142 : memref<1x128x128xi32, #tpu.memory_space<vmem>> -> memref<128x128xi32, #tpu.memory_space<vmem>>
    tpu.wait_dma2 semaphore(%dma_wait3A_137 : memref<!tpu.dma_semaphore, #tpu.memory_space<semaphore_mem>>) src(%dma_wait3A_143 : memref<128x128xi32, #tpu.memory_space<vmem>>) dst(%dma_wait3A_139 : memref<128x128xi32, #tpu.memory_space<hbm>>)
    %sub3A_144 = arith.constant 1 : i32
    %sub3A_145 = arith.subi %select_n3A, %sub3A_144 : i32
    %sub3A_146 = arith.constant 1 : i32
    %sub3A_147 = arith.subi %select_n3A, %sub3A_146 : i32
    %and3A_148 = arith.constant 1 : i32
    %and3A_149 = arith.andi %sub3A_147, %and3A_148 : i32
    %mul3A_150 = arith.constant 128 : i32
    %mul3A_151 = arith.muli %sub3A_145, %mul3A_150 : i32
    %min3A_152 = arith.minsi %mul3A_151, %sub3A_35 : i32
    %add3A_153 = arith.addi %multiple_of3A, %min3A_152 : i32
    %multiple_of3A_154 = tpu.assume_multiple %add3A_153, 8 : i32
    %mul3A_155 = arith.constant 128 : i32
    %mul3A_156 = arith.muli %sub3A_145, %mul3A_155 : i32
    %min3A_157 = arith.minsi %mul3A_156, %sub3A_35 : i32
    %add3A_158 = arith.addi %multiple_of3A, %min3A_157 : i32
    %multiple_of3A_159 = tpu.assume_multiple %add3A_158, 8 : i32
    %dma_wait3A_160 = arith.constant 0 : i32
    %dma_wait3A_161 = arith.constant 0 : i32
    %dma_wait3A_162 = tpu.memref_slice %arg15[%and3A_149, %dma_wait3A_160, %dma_wait3A_161] : memref<2x128x128xi32, #tpu.memory_space<vmem>> -> memref<1x128x128xi32, #tpu.memory_space<vmem>>
    %dma_wait3A_163 = tpu.memref_squeeze %dma_wait3A_162 : memref<1x128x128xi32, #tpu.memory_space<vmem>> -> memref<128x128xi32, #tpu.memory_space<vmem>>
    %dma_wait3A_164 = arith.constant 0 : i32
    %dma_wait3A_165 = tpu.memref_slice %arg7[%multiple_of3A_154, %dma_wait3A_164] : memref<100000x128xi32, #tpu.memory_space<hbm>> -> memref<128x128xi32, #tpu.memory_space<hbm>>
    %dma_wait3A_166 = tpu.memref_slice %arg17[%and3A_149] : memref<2x!tpu.dma_semaphore, #tpu.memory_space<semaphore_mem>> -> memref<1x!tpu.dma_semaphore, #tpu.memory_space<semaphore_mem>>
    %dma_wait3A_167 = tpu.memref_squeeze %dma_wait3A_166 : memref<1x!tpu.dma_semaphore, #tpu.memory_space<semaphore_mem>> -> memref<!tpu.dma_semaphore, #tpu.memory_space<semaphore_mem>>
    %dma_wait3A_168 = arith.constant 0 : i32
    %dma_wait3A_169 = tpu.memref_slice %arg7[%multiple_of3A_154, %dma_wait3A_168] : memref<100000x128xi32, #tpu.memory_space<hbm>> -> memref<128x128xi32, #tpu.memory_space<hbm>>
    %dma_wait3A_170 = arith.constant 0 : i32
    %dma_wait3A_171 = arith.constant 0 : i32
    %dma_wait3A_172 = tpu.memref_slice %arg15[%and3A_149, %dma_wait3A_170, %dma_wait3A_171] : memref<2x128x128xi32, #tpu.memory_space<vmem>> -> memref<1x128x128xi32, #tpu.memory_space<vmem>>
    %dma_wait3A_173 = tpu.memref_squeeze %dma_wait3A_172 : memref<1x128x128xi32, #tpu.memory_space<vmem>> -> memref<128x128xi32, #tpu.memory_space<vmem>>
    tpu.wait_dma2 semaphore(%dma_wait3A_167 : memref<!tpu.dma_semaphore, #tpu.memory_space<semaphore_mem>>) src(%dma_wait3A_173 : memref<128x128xi32, #tpu.memory_space<vmem>>) dst(%dma_wait3A_169 : memref<128x128xi32, #tpu.memory_space<hbm>>)
    %dma_wait3A_174 = arith.constant 0 : i32
    %dma_wait3A_175 = arith.constant 0 : i32
    %dma_wait3A_176 = tpu.memref_slice %arg21[%and3A_149, %dma_wait3A_174, %dma_wait3A_175] : memref<2x128x128xi32, #tpu.memory_space<vmem>> -> memref<1x128x128xi32, #tpu.memory_space<vmem>>
    %dma_wait3A_177 = tpu.memref_squeeze %dma_wait3A_176 : memref<1x128x128xi32, #tpu.memory_space<vmem>> -> memref<128x128xi32, #tpu.memory_space<vmem>>
    %dma_wait3A_178 = arith.constant 0 : i32
    %dma_wait3A_179 = tpu.memref_slice %arg8[%multiple_of3A_159, %dma_wait3A_178] : memref<100000x128xi32, #tpu.memory_space<hbm>> -> memref<128x128xi32, #tpu.memory_space<hbm>>
    %dma_wait3A_180 = tpu.memref_slice %arg23[%and3A_149] : memref<2x!tpu.dma_semaphore, #tpu.memory_space<semaphore_mem>> -> memref<1x!tpu.dma_semaphore, #tpu.memory_space<semaphore_mem>>
    %dma_wait3A_181 = tpu.memref_squeeze %dma_wait3A_180 : memref<1x!tpu.dma_semaphore, #tpu.memory_space<semaphore_mem>> -> memref<!tpu.dma_semaphore, #tpu.memory_space<semaphore_mem>>
    %dma_wait3A_182 = arith.constant 0 : i32
    %dma_wait3A_183 = tpu.memref_slice %arg8[%multiple_of3A_159, %dma_wait3A_182] : memref<100000x128xi32, #tpu.memory_space<hbm>> -> memref<128x128xi32, #tpu.memory_space<hbm>>
    %dma_wait3A_184 = arith.constant 0 : i32
    %dma_wait3A_185 = arith.constant 0 : i32
    %dma_wait3A_186 = tpu.memref_slice %arg21[%and3A_149, %dma_wait3A_184, %dma_wait3A_185] : memref<2x128x128xi32, #tpu.memory_space<vmem>> -> memref<1x128x128xi32, #tpu.memory_space<vmem>>
    %dma_wait3A_187 = tpu.memref_squeeze %dma_wait3A_186 : memref<1x128x128xi32, #tpu.memory_space<vmem>> -> memref<128x128xi32, #tpu.memory_space<vmem>>
    tpu.wait_dma2 semaphore(%dma_wait3A_181 : memref<!tpu.dma_semaphore, #tpu.memory_space<semaphore_mem>>) src(%dma_wait3A_187 : memref<128x128xi32, #tpu.memory_space<vmem>>) dst(%dma_wait3A_183 : memref<128x128xi32, #tpu.memory_space<hbm>>)
    %while3A_188 = arith.constant 0 : i32
    %while3A_189 = arith.constant 196 : i32
    %while3A_190 = arith.constant 0 : i32
    %while3A_191 = arith.constant 0 : i32
    %while3A_192 = arith.constant 0 : i32
    %while3A_193 = arith.subi %while3A_189, %while3A_188 : i32
    %while3A_194 = arith.addi %while3A_188, %while3A_193 : i32
    %while3A_195 = arith.constant 1 : i32
    %while3A_196 = arith.divsi %while3A_193, %while3A_195 : i32
    %while3A_197 = arith.muli %while3A_196, %while3A_195 : i32
    %while3A_198 = arith.addi %while3A_188, %while3A_197 : i32
    %while3A_199 = arith.constant 1 : i32
    %while3A_200:3 = scf.for %while3A_241 = %while3A_188 to %while3A_198 step %while3A_199 iter_args(%while3A_242 = %while3A_190, %while3A_243 = %while3A_191, %while3A_244 = %while3A_192) -> (i32, i32, i32)  : i32 {
      %mul3A_245 = arith.constant 16 : i32
      %mul3A_246 = arith.muli %while3A_241, %mul3A_245 : i32
      %get3A = arith.index_cast %mul3A_246 : i32 to index
      %get3A_247 = tpu.vector_load %arg10[%get3A] {strides = array<i32>} : memref<3136xi32, #tpu.memory_space<vmem>>, vector<16xi32>,
      %ge3A = arith.constant 0 : i32
      %ge3A_248 = vector.broadcast %ge3A : i32 to vector<16xi32>
      %ge3A_249 = arith.cmpi sge, %get3A_247, %ge3A_248 : vector<16xi32>
      %all_reduce_population_count3A = tpu.all_reduce %ge3A_249 {dim = 0 : i64, kind = #tpu.reduction_kind<sum>} : vector<16xi1> -> vector<16xi32>
      %slice3A = vector.extract_strided_slice %all_reduce_population_count3A {offsets = [0], sizes = [1], strides = [1]} : vector<16xi32> to vector<1xi32>
      %squeeze3A = vector.extract %slice3A[0] : i32 from vector<1xi32>
      %mul3A_250 = arith.constant 16 : i32
      %mul3A_251 = arith.muli %while3A_241, %mul3A_250 : i32
      %add3A_252 = arith.addi %multiple_of3A, %mul3A_251 : i32
      %add3A_253 = vector.broadcast %add3A_252 : i32 to vector<16xi32>
      %add3A_254 = arith.addi %add3A_253, %iota3A : vector<16xi32>
      %swap3A = arith.index_cast %while3A_242 : i32 to index
      %swap3A_255 = tpu.vector_load %arg11[%swap3A] masked %ge3A_249 {strides = array<i32>} : memref<3392xi32, #tpu.memory_space<vmem>>, vector<16xi32>, vector<16xi1>
      tpu.vector_store %arg11[%swap3A], %get3A_247 masked %ge3A_249 {strides = array<i32>} : memref<3392xi32, #tpu.memory_space<vmem>>, vector<16xi32>, vector<16xi1>
      %swap3A_256 = arith.index_cast %while3A_242 : i32 to index
      %swap3A_257 = tpu.vector_load %arg12[%swap3A_256] masked %ge3A_249 {strides = array<i32>} : memref<3392xi32, #tpu.memory_space<vmem>>, vector<16xi32>, vector<16xi1>
      tpu.vector_store %arg12[%swap3A_256], %add3A_254 masked %ge3A_249 {strides = array<i32>} : memref<3392xi32, #tpu.memory_space<vmem>>, vector<16xi32>, vector<16xi1>
      %jit3A_258 = arith.constant -1 : i32
      %broadcast_in_dim3A = vector.broadcast %jit3A_258 : i32 to vector<16xi32>
      %select_n3A_259 = arith.select %ge3A_249, %add3A_254, %broadcast_in_dim3A : vector<16xi1>, vector<16xi32>
      %reduce_max3A = arith.constant true
      %reduce_max3A_260 = vector.broadcast %reduce_max3A : i1 to vector<16xi1>
      %reduce_max3A_261 = arith.constant -2147483648 : i32
      %reduce_max3A_262 = vector.broadcast %reduce_max3A_261 : i32 to vector<16xi32>
      %reduce_max3A_263 = arith.xori %select_n3A_259, %reduce_max3A_262 : vector<16xi32>
      %reduce_max3A_264 = tpu.scan <max>, %reduce_max3A_263 masked %reduce_max3A_260 : vector<16xi32>, vector<16xi1> -> vector<16xi32>
      %reduce_max3A_265 = arith.xori %reduce_max3A_264, %reduce_max3A_262 : vector<16xi32>
      %reduce_max3A_266 = vector.extract %reduce_max3A_265[15] : i32 from vector<16xi32>
      %eq3A = vector.broadcast %reduce_max3A_266 : i32 to vector<16xi32>
      %eq3A_267 = arith.cmpi eq, %add3A_254, %eq3A : vector<16xi32>
      %and3A_268 = arith.andi %ge3A_249, %eq3A_267 : vector<16xi1>
      %jit3A_269 = arith.constant -1 : i32
      %broadcast_in_dim3A_270 = vector.broadcast %jit3A_269 : i32 to vector<16xi32>
      %select_n3A_271 = arith.select %and3A_268, %get3A_247, %broadcast_in_dim3A_270 : vector<16xi1>, vector<16xi32>
      %reduce_max3A_272 = arith.constant true
      %reduce_max3A_273 = vector.broadcast %reduce_max3A_272 : i1 to vector<16xi1>
      %reduce_max3A_274 = arith.constant -2147483648 : i32
      %reduce_max3A_275 = vector.broadcast %reduce_max3A_274 : i32 to vector<16xi32>
      %reduce_max3A_276 = arith.xori %select_n3A_271, %reduce_max3A_275 : vector<16xi32>
      %reduce_max3A_277 = tpu.scan <max>, %reduce_max3A_276 masked %reduce_max3A_273 : vector<16xi32>, vector<16xi1> -> vector<16xi32>
      %reduce_max3A_278 = arith.xori %reduce_max3A_277, %reduce_max3A_275 : vector<16xi32>
      %reduce_max3A_279 = vector.extract %reduce_max3A_278[15] : i32 from vector<16xi32>
      %gt3A_280 = arith.constant 0 : i32
      %gt3A_281 = arith.cmpi sgt, %squeeze3A, %gt3A_280 : i32
      %select_n3A_282 = arith.select %gt3A_281, %reduce_max3A_266, %while3A_243 : i32
      %gt3A_283 = arith.constant 0 : i32
      %gt3A_284 = arith.cmpi sgt, %squeeze3A, %gt3A_283 : i32
      %select_n3A_285 = arith.select %gt3A_284, %reduce_max3A_279, %while3A_244 : i32
      %add3A_286 = arith.addi %while3A_242, %squeeze3A : i32
      scf.yield %add3A_286, %select_n3A_282, %select_n3A_285 : i32, i32, i32
    }
    %while3A_201 = arith.constant 1 : i32
    %while3A_202:3 = scf.for %while3A_241 = %while3A_198 to %while3A_194 step %while3A_201 iter_args(%while3A_242 = %while3A_200#0, %while3A_243 = %while3A_200#1, %while3A_244 = %while3A_200#2) -> (i32, i32, i32)  : i32 {
      %mul3A_245 = arith.constant 16 : i32
      %mul3A_246 = arith.muli %while3A_241, %mul3A_245 : i32
      %get3A = arith.index_cast %mul3A_246 : i32 to index
      %get3A_247 = tpu.vector_load %arg10[%get3A] {strides = array<i32>} : memref<3136xi32, #tpu.memory_space<vmem>>, vector<16xi32>,
      %ge3A = arith.constant 0 : i32
      %ge3A_248 = vector.broadcast %ge3A : i32 to vector<16xi32>
      %ge3A_249 = arith.cmpi sge, %get3A_247, %ge3A_248 : vector<16xi32>
      %all_reduce_population_count3A = tpu.all_reduce %ge3A_249 {dim = 0 : i64, kind = #tpu.reduction_kind<sum>} : vector<16xi1> -> vector<16xi32>
      %slice3A = vector.extract_strided_slice %all_reduce_population_count3A {offsets = [0], sizes = [1], strides = [1]} : vector<16xi32> to vector<1xi32>
      %squeeze3A = vector.extract %slice3A[0] : i32 from vector<1xi32>
      %mul3A_250 = arith.constant 16 : i32
      %mul3A_251 = arith.muli %while3A_241, %mul3A_250 : i32
      %add3A_252 = arith.addi %multiple_of3A, %mul3A_251 : i32
      %add3A_253 = vector.broadcast %add3A_252 : i32 to vector<16xi32>
      %add3A_254 = arith.addi %add3A_253, %iota3A : vector<16xi32>
      %swap3A = arith.index_cast %while3A_242 : i32 to index
      %swap3A_255 = tpu.vector_load %arg11[%swap3A] masked %ge3A_249 {strides = array<i32>} : memref<3392xi32, #tpu.memory_space<vmem>>, vector<16xi32>, vector<16xi1>
      tpu.vector_store %arg11[%swap3A], %get3A_247 masked %ge3A_249 {strides = array<i32>} : memref<3392xi32, #tpu.memory_space<vmem>>, vector<16xi32>, vector<16xi1>
      %swap3A_256 = arith.index_cast %while3A_242 : i32 to index
      %swap3A_257 = tpu.vector_load %arg12[%swap3A_256] masked %ge3A_249 {strides = array<i32>} : memref<3392xi32, #tpu.memory_space<vmem>>, vector<16xi32>, vector<16xi1>
      tpu.vector_store %arg12[%swap3A_256], %add3A_254 masked %ge3A_249 {strides = array<i32>} : memref<3392xi32, #tpu.memory_space<vmem>>, vector<16xi32>, vector<16xi1>
      %jit3A_258 = arith.constant -1 : i32
      %broadcast_in_dim3A = vector.broadcast %jit3A_258 : i32 to vector<16xi32>
      %select_n3A_259 = arith.select %ge3A_249, %add3A_254, %broadcast_in_dim3A : vector<16xi1>, vector<16xi32>
      %reduce_max3A = arith.constant true
      %reduce_max3A_260 = vector.broadcast %reduce_max3A : i1 to vector<16xi1>
      %reduce_max3A_261 = arith.constant -2147483648 : i32
      %reduce_max3A_262 = vector.broadcast %reduce_max3A_261 : i32 to vector<16xi32>
      %reduce_max3A_263 = arith.xori %select_n3A_259, %reduce_max3A_262 : vector<16xi32>
      %reduce_max3A_264 = tpu.scan <max>, %reduce_max3A_263 masked %reduce_max3A_260 : vector<16xi32>, vector<16xi1> -> vector<16xi32>
      %reduce_max3A_265 = arith.xori %reduce_max3A_264, %reduce_max3A_262 : vector<16xi32>
      %reduce_max3A_266 = vector.extract %reduce_max3A_265[15] : i32 from vector<16xi32>
      %eq3A = vector.broadcast %reduce_max3A_266 : i32 to vector<16xi32>
      %eq3A_267 = arith.cmpi eq, %add3A_254, %eq3A : vector<16xi32>
      %and3A_268 = arith.andi %ge3A_249, %eq3A_267 : vector<16xi1>
      %jit3A_269 = arith.constant -1 : i32
      %broadcast_in_dim3A_270 = vector.broadcast %jit3A_269 : i32 to vector<16xi32>
      %select_n3A_271 = arith.select %and3A_268, %get3A_247, %broadcast_in_dim3A_270 : vector<16xi1>, vector<16xi32>
      %reduce_max3A_272 = arith.constant true
      %reduce_max3A_273 = vector.broadcast %reduce_max3A_272 : i1 to vector<16xi1>
      %reduce_max3A_274 = arith.constant -2147483648 : i32
      %reduce_max3A_275 = vector.broadcast %reduce_max3A_274 : i32 to vector<16xi32>
      %reduce_max3A_276 = arith.xori %select_n3A_271, %reduce_max3A_275 : vector<16xi32>
      %reduce_max3A_277 = tpu.scan <max>, %reduce_max3A_276 masked %reduce_max3A_273 : vector<16xi32>, vector<16xi1> -> vector<16xi32>
      %reduce_max3A_278 = arith.xori %reduce_max3A_277, %reduce_max3A_275 : vector<16xi32>
      %reduce_max3A_279 = vector.extract %reduce_max3A_278[15] : i32 from vector<16xi32>
      %gt3A_280 = arith.constant 0 : i32
      %gt3A_281 = arith.cmpi sgt, %squeeze3A, %gt3A_280 : i32
      %select_n3A_282 = arith.select %gt3A_281, %reduce_max3A_266, %while3A_243 : i32
      %gt3A_283 = arith.constant 0 : i32
      %gt3A_284 = arith.cmpi sgt, %squeeze3A, %gt3A_283 : i32
      %select_n3A_285 = arith.select %gt3A_284, %reduce_max3A_279, %while3A_244 : i32
      %add3A_286 = arith.addi %while3A_242, %squeeze3A : i32
      scf.yield %add3A_286, %select_n3A_282, %select_n3A_285 : i32, i32, i32
    }
    %gt3A = arith.constant 0 : i32
    %gt3A_203 = arith.cmpi sgt, %while3A_202#0, %gt3A : i32
    %convert_element_type3A = arith.extui %gt3A_203 : i1 to i32
    %cond3A = arith.constant 0 : i32
    %cond3A_204 = arith.cmpi ne, %convert_element_type3A, %cond3A : i32
    scf.if %cond3A_204 {
      %broadcast_in_dim3A = vector.broadcast %while3A_202#1 : i32 to vector<16xi32>
      %broadcast_in_dim3A_241 = vector.broadcast %while3A_202#2 : i32 to vector<16xi32>
      %add3A_242 = arith.constant 0 : i32
      %add3A_243 = arith.addi %while3A_202#0, %add3A_242 : i32
      %swap3A = arith.index_cast %add3A_243 : i32 to index
      %swap3A_244 = tpu.vector_load %arg12[%swap3A] {strides = array<i32>} : memref<3392xi32, #tpu.memory_space<vmem>>, vector<16xi32>,
      tpu.vector_store %arg12[%swap3A], %broadcast_in_dim3A {strides = array<i32>} : memref<3392xi32, #tpu.memory_space<vmem>>, vector<16xi32>,
      %add3A_245 = arith.constant 0 : i32
      %add3A_246 = arith.addi %while3A_202#0, %add3A_245 : i32
      %swap3A_247 = arith.index_cast %add3A_246 : i32 to index
      %swap3A_248 = tpu.vector_load %arg11[%swap3A_247] {strides = array<i32>} : memref<3392xi32, #tpu.memory_space<vmem>>, vector<16xi32>,
      tpu.vector_store %arg11[%swap3A_247], %broadcast_in_dim3A_241 {strides = array<i32>} : memref<3392xi32, #tpu.memory_space<vmem>>, vector<16xi32>,
      %add3A_249 = arith.constant 16 : i32
      %add3A_250 = arith.addi %while3A_202#0, %add3A_249 : i32
      %swap3A_251 = arith.index_cast %add3A_250 : i32 to index
      %swap3A_252 = tpu.vector_load %arg12[%swap3A_251] {strides = array<i32>} : memref<3392xi32, #tpu.memory_space<vmem>>, vector<16xi32>,
      tpu.vector_store %arg12[%swap3A_251], %broadcast_in_dim3A {strides = array<i32>} : memref<3392xi32, #tpu.memory_space<vmem>>, vector<16xi32>,
      %add3A_253 = arith.constant 16 : i32
      %add3A_254 = arith.addi %while3A_202#0, %add3A_253 : i32
      %swap3A_255 = arith.index_cast %add3A_254 : i32 to index
      %swap3A_256 = tpu.vector_load %arg11[%swap3A_255] {strides = array<i32>} : memref<3392xi32, #tpu.memory_space<vmem>>, vector<16xi32>,
      tpu.vector_store %arg11[%swap3A_255], %broadcast_in_dim3A_241 {strides = array<i32>} : memref<3392xi32, #tpu.memory_space<vmem>>, vector<16xi32>,
      %add3A_257 = arith.constant 32 : i32
      %add3A_258 = arith.addi %while3A_202#0, %add3A_257 : i32
      %swap3A_259 = arith.index_cast %add3A_258 : i32 to index
      %swap3A_260 = tpu.vector_load %arg12[%swap3A_259] {strides = array<i32>} : memref<3392xi32, #tpu.memory_space<vmem>>, vector<16xi32>,
      tpu.vector_store %arg12[%swap3A_259], %broadcast_in_dim3A {strides = array<i32>} : memref<3392xi32, #tpu.memory_space<vmem>>, vector<16xi32>,
      %add3A_261 = arith.constant 32 : i32
      %add3A_262 = arith.addi %while3A_202#0, %add3A_261 : i32
      %swap3A_263 = arith.index_cast %add3A_262 : i32 to index
      %swap3A_264 = tpu.vector_load %arg11[%swap3A_263] {strides = array<i32>} : memref<3392xi32, #tpu.memory_space<vmem>>, vector<16xi32>,
      tpu.vector_store %arg11[%swap3A_263], %broadcast_in_dim3A_241 {strides = array<i32>} : memref<3392xi32, #tpu.memory_space<vmem>>, vector<16xi32>,
      %add3A_265 = arith.constant 48 : i32
      %add3A_266 = arith.addi %while3A_202#0, %add3A_265 : i32
      %swap3A_267 = arith.index_cast %add3A_266 : i32 to index
      %swap3A_268 = tpu.vector_load %arg12[%swap3A_267] {strides = array<i32>} : memref<3392xi32, #tpu.memory_space<vmem>>, vector<16xi32>,
      tpu.vector_store %arg12[%swap3A_267], %broadcast_in_dim3A {strides = array<i32>} : memref<3392xi32, #tpu.memory_space<vmem>>, vector<16xi32>,
      %add3A_269 = arith.constant 48 : i32
      %add3A_270 = arith.addi %while3A_202#0, %add3A_269 : i32
      %swap3A_271 = arith.index_cast %add3A_270 : i32 to index
      %swap3A_272 = tpu.vector_load %arg11[%swap3A_271] {strides = array<i32>} : memref<3392xi32, #tpu.memory_space<vmem>>, vector<16xi32>,
      tpu.vector_store %arg11[%swap3A_271], %broadcast_in_dim3A_241 {strides = array<i32>} : memref<3392xi32, #tpu.memory_space<vmem>>, vector<16xi32>,
      %add3A_273 = arith.constant 64 : i32
      %add3A_274 = arith.addi %while3A_202#0, %add3A_273 : i32
      %swap3A_275 = arith.index_cast %add3A_274 : i32 to index
      %swap3A_276 = tpu.vector_load %arg12[%swap3A_275] {strides = array<i32>} : memref<3392xi32, #tpu.memory_space<vmem>>, vector<16xi32>,
      tpu.vector_store %arg12[%swap3A_275], %broadcast_in_dim3A {strides = array<i32>} : memref<3392xi32, #tpu.memory_space<vmem>>, vector<16xi32>,
      %add3A_277 = arith.constant 64 : i32
      %add3A_278 = arith.addi %while3A_202#0, %add3A_277 : i32
      %swap3A_279 = arith.index_cast %add3A_278 : i32 to index
      %swap3A_280 = tpu.vector_load %arg11[%swap3A_279] {strides = array<i32>} : memref<3392xi32, #tpu.memory_space<vmem>>, vector<16xi32>,
      tpu.vector_store %arg11[%swap3A_279], %broadcast_in_dim3A_241 {strides = array<i32>} : memref<3392xi32, #tpu.memory_space<vmem>>, vector<16xi32>,
      %add3A_281 = arith.constant 80 : i32
      %add3A_282 = arith.addi %while3A_202#0, %add3A_281 : i32
      %swap3A_283 = arith.index_cast %add3A_282 : i32 to index
      %swap3A_284 = tpu.vector_load %arg12[%swap3A_283] {strides = array<i32>} : memref<3392xi32, #tpu.memory_space<vmem>>, vector<16xi32>,
      tpu.vector_store %arg12[%swap3A_283], %broadcast_in_dim3A {strides = array<i32>} : memref<3392xi32, #tpu.memory_space<vmem>>, vector<16xi32>,
      %add3A_285 = arith.constant 80 : i32
      %add3A_286 = arith.addi %while3A_202#0, %add3A_285 : i32
      %swap3A_287 = arith.index_cast %add3A_286 : i32 to index
      %swap3A_288 = tpu.vector_load %arg11[%swap3A_287] {strides = array<i32>} : memref<3392xi32, #tpu.memory_space<vmem>>, vector<16xi32>,
      tpu.vector_store %arg11[%swap3A_287], %broadcast_in_dim3A_241 {strides = array<i32>} : memref<3392xi32, #tpu.memory_space<vmem>>, vector<16xi32>,
      %add3A_289 = arith.constant 96 : i32
      %add3A_290 = arith.addi %while3A_202#0, %add3A_289 : i32
      %swap3A_291 = arith.index_cast %add3A_290 : i32 to index
      %swap3A_292 = tpu.vector_load %arg12[%swap3A_291] {strides = array<i32>} : memref<3392xi32, #tpu.memory_space<vmem>>, vector<16xi32>,
      tpu.vector_store %arg12[%swap3A_291], %broadcast_in_dim3A {strides = array<i32>} : memref<3392xi32, #tpu.memory_space<vmem>>, vector<16xi32>,
      %add3A_293 = arith.constant 96 : i32
      %add3A_294 = arith.addi %while3A_202#0, %add3A_293 : i32
      %swap3A_295 = arith.index_cast %add3A_294 : i32 to index
      %swap3A_296 = tpu.vector_load %arg11[%swap3A_295] {strides = array<i32>} : memref<3392xi32, #tpu.memory_space<vmem>>, vector<16xi32>,
      tpu.vector_store %arg11[%swap3A_295], %broadcast_in_dim3A_241 {strides = array<i32>} : memref<3392xi32, #tpu.memory_space<vmem>>, vector<16xi32>,
      %add3A_297 = arith.constant 112 : i32
      %add3A_298 = arith.addi %while3A_202#0, %add3A_297 : i32
      %swap3A_299 = arith.index_cast %add3A_298 : i32 to index
      %swap3A_300 = tpu.vector_load %arg12[%swap3A_299] {strides = array<i32>} : memref<3392xi32, #tpu.memory_space<vmem>>, vector<16xi32>,
      tpu.vector_store %arg12[%swap3A_299], %broadcast_in_dim3A {strides = array<i32>} : memref<3392xi32, #tpu.memory_space<vmem>>, vector<16xi32>,
      %add3A_301 = arith.constant 112 : i32
      %add3A_302 = arith.addi %while3A_202#0, %add3A_301 : i32
      %swap3A_303 = arith.index_cast %add3A_302 : i32 to index
      %swap3A_304 = tpu.vector_load %arg11[%swap3A_303] {strides = array<i32>} : memref<3392xi32, #tpu.memory_space<vmem>>, vector<16xi32>,
      tpu.vector_store %arg11[%swap3A_303], %broadcast_in_dim3A_241 {strides = array<i32>} : memref<3392xi32, #tpu.memory_space<vmem>>, vector<16xi32>,
    } else {
    }
    %add3A_205 = arith.constant 127 : i32
    %add3A_206 = arith.addi %while3A_202#0, %add3A_205 : i32
    %jit3A_207 = arith.constant 128 : i32
    %div3A_208 = arith.divsi %add3A_206, %jit3A_207 : i32
    %sign3A_209 = arith.constant 0 : i32
    %sign3A_210 = arith.cmpi sgt, %add3A_206, %sign3A_209 : i32
    %sign3A_211 = arith.extui %sign3A_210 : i1 to i32
    %sign3A_212 = arith.constant 0 : i32
    %sign3A_213 = arith.cmpi slt, %add3A_206, %sign3A_212 : i32
    %sign3A_214 = arith.extui %sign3A_213 : i1 to i32
    %sign3A_215 = arith.subi %sign3A_211, %sign3A_214 : i32
    %sign3A_216 = arith.constant 0 : i32
    %sign3A_217 = arith.cmpi sgt, %jit3A_207, %sign3A_216 : i32
    %sign3A_218 = arith.extui %sign3A_217 : i1 to i32
    %sign3A_219 = arith.constant 0 : i32
    %sign3A_220 = arith.cmpi slt, %jit3A_207, %sign3A_219 : i32
    %sign3A_221 = arith.extui %sign3A_220 : i1 to i32
    %sign3A_222 = arith.subi %sign3A_218, %sign3A_221 : i32
    %ne3A_223 = arith.cmpi ne, %sign3A_215, %sign3A_222 : i32
    %rem3A_224 = arith.remsi %add3A_206, %jit3A_207 : i32
    %ne3A_225 = arith.constant 0 : i32
    %ne3A_226 = arith.cmpi ne, %rem3A_224, %ne3A_225 : i32
    %and3A_227 = arith.andi %ne3A_223, %ne3A_226 : i1
    %sub3A_228 = arith.constant 1 : i32
    %sub3A_229 = arith.subi %div3A_208, %sub3A_228 : i32
    %select_n3A_230 = arith.select %and3A_227, %sub3A_229, %div3A_208 : i32
    %while3A_231 = arith.constant 0 : i32
    %while3A_232 = arith.constant 0 : i32
    %while3A_233 = arith.subi %select_n3A_230, %while3A_232 : i32
    %while3A_234 = arith.addi %while3A_232, %while3A_233 : i32
    %while3A_235 = arith.constant 1 : i32
    %while3A_236 = arith.divsi %while3A_233, %while3A_235 : i32
    %while3A_237 = arith.muli %while3A_236, %while3A_235 : i32
    %while3A_238 = arith.addi %while3A_232, %while3A_237 : i32
    %while3A_239 = arith.constant 1 : i32
    scf.for %while3A_241 = %while3A_232 to %while3A_238 step %while3A_239  : i32 {
      %mul3A_242 = arith.constant 128 : i32
      %mul3A_243 = arith.muli %while3A_241, %mul3A_242 : i32
      %dma_start3A_244 = tpu.memref_slice %arg11[%mul3A_243] : memref<3392xi32, #tpu.memory_space<vmem>> -> memref<128xi32, #tpu.memory_space<vmem>>
      %dma_start3A_245 = arith.constant 0 : i32
      %dma_start3A_246 = arith.constant 0 : i32
      %dma_start3A_247 = tpu.memref_slice %arg5[%dma_start3A_245, %dma_start3A_246] : memref<16384x128xi32, #tpu.memory_space<hbm>> -> memref<16384x128xi32, #tpu.memory_space<hbm>>
      tpu.enqueue_indirect_dma source(%dma_start3A_247 : memref<16384x128xi32, #tpu.memory_space<hbm>>) target(%arg14 : memref<128x128xi32, #tpu.memory_space<vmem>>) offsets(%dma_start3A_244 : memref<128xi32, #tpu.memory_space<vmem>>) semaphore(%arg18 : memref<!tpu.dma_semaphore, #tpu.memory_space<semaphore_mem>>)
      %dma_start3A_248 = tpu.memref_slice %arg11[%mul3A_243] : memref<3392xi32, #tpu.memory_space<vmem>> -> memref<128xi32, #tpu.memory_space<vmem>>
      %dma_start3A_249 = arith.constant 0 : i32
      %dma_start3A_250 = arith.constant 0 : i32
      %dma_start3A_251 = tpu.memref_slice %arg6[%dma_start3A_249, %dma_start3A_250] : memref<16384x128xi32, #tpu.memory_space<hbm>> -> memref<16384x128xi32, #tpu.memory_space<hbm>>
      tpu.enqueue_indirect_dma source(%dma_start3A_251 : memref<16384x128xi32, #tpu.memory_space<hbm>>) target(%arg20 : memref<128x128xi32, #tpu.memory_space<vmem>>) offsets(%dma_start3A_248 : memref<128xi32, #tpu.memory_space<vmem>>) semaphore(%arg24 : memref<!tpu.dma_semaphore, #tpu.memory_space<semaphore_mem>>)
      %add3A_252 = arith.constant 0 : i32
      %add3A_253 = arith.addi %mul3A_243, %add3A_252 : i32
      %get3A = arith.index_cast %add3A_253 : i32 to index
      %get3A_254 = tpu.vector_load %arg12[%get3A] {strides = array<i32>} : memref<3392xi32, #tpu.memory_space<vmem>>, vector<16xi32>,
      %swap3A = arith.constant 0 : index
      %swap3A_255 = tpu.vector_load %arg13[%swap3A] {strides = array<i32>} : memref<128xi32, #tpu.memory_space<vmem>>, vector<16xi32>,
      tpu.vector_store %arg13[%swap3A], %get3A_254 {strides = array<i32>} : memref<128xi32, #tpu.memory_space<vmem>>, vector<16xi32>,
      %add3A_256 = arith.constant 16 : i32
      %add3A_257 = arith.addi %mul3A_243, %add3A_256 : i32
      %get3A_258 = arith.index_cast %add3A_257 : i32 to index
      %get3A_259 = tpu.vector_load %arg12[%get3A_258] {strides = array<i32>} : memref<3392xi32, #tpu.memory_space<vmem>>, vector<16xi32>,
      %swap3A_260 = arith.constant 16 : index
      %swap3A_261 = tpu.vector_load %arg13[%swap3A_260] {strides = array<i32>} : memref<128xi32, #tpu.memory_space<vmem>>, vector<16xi32>,
      tpu.vector_store %arg13[%swap3A_260], %get3A_259 {strides = array<i32>} : memref<128xi32, #tpu.memory_space<vmem>>, vector<16xi32>,
      %add3A_262 = arith.constant 32 : i32
      %add3A_263 = arith.addi %mul3A_243, %add3A_262 : i32
      %get3A_264 = arith.index_cast %add3A_263 : i32 to index
      %get3A_265 = tpu.vector_load %arg12[%get3A_264] {strides = array<i32>} : memref<3392xi32, #tpu.memory_space<vmem>>, vector<16xi32>,
      %swap3A_266 = arith.constant 32 : index
      %swap3A_267 = tpu.vector_load %arg13[%swap3A_266] {strides = array<i32>} : memref<128xi32, #tpu.memory_space<vmem>>, vector<16xi32>,
      tpu.vector_store %arg13[%swap3A_266], %get3A_265 {strides = array<i32>} : memref<128xi32, #tpu.memory_space<vmem>>, vector<16xi32>,
      %add3A_268 = arith.constant 48 : i32
      %add3A_269 = arith.addi %mul3A_243, %add3A_268 : i32
      %get3A_270 = arith.index_cast %add3A_269 : i32 to index
      %get3A_271 = tpu.vector_load %arg12[%get3A_270] {strides = array<i32>} : memref<3392xi32, #tpu.memory_space<vmem>>, vector<16xi32>,
      %swap3A_272 = arith.constant 48 : index
      %swap3A_273 = tpu.vector_load %arg13[%swap3A_272] {strides = array<i32>} : memref<128xi32, #tpu.memory_space<vmem>>, vector<16xi32>,
      tpu.vector_store %arg13[%swap3A_272], %get3A_271 {strides = array<i32>} : memref<128xi32, #tpu.memory_space<vmem>>, vector<16xi32>,
      %add3A_274 = arith.constant 64 : i32
      %add3A_275 = arith.addi %mul3A_243, %add3A_274 : i32
      %get3A_276 = arith.index_cast %add3A_275 : i32 to index
      %get3A_277 = tpu.vector_load %arg12[%get3A_276] {strides = array<i32>} : memref<3392xi32, #tpu.memory_space<vmem>>, vector<16xi32>,
      %swap3A_278 = arith.constant 64 : index
      %swap3A_279 = tpu.vector_load %arg13[%swap3A_278] {strides = array<i32>} : memref<128xi32, #tpu.memory_space<vmem>>, vector<16xi32>,
      tpu.vector_store %arg13[%swap3A_278], %get3A_277 {strides = array<i32>} : memref<128xi32, #tpu.memory_space<vmem>>, vector<16xi32>,
      %add3A_280 = arith.constant 80 : i32
      %add3A_281 = arith.addi %mul3A_243, %add3A_280 : i32
      %get3A_282 = arith.index_cast %add3A_281 : i32 to index
      %get3A_283 = tpu.vector_load %arg12[%get3A_282] {strides = array<i32>} : memref<3392xi32, #tpu.memory_space<vmem>>, vector<16xi32>,
      %swap3A_284 = arith.constant 80 : index
      %swap3A_285 = tpu.vector_load %arg13[%swap3A_284] {strides = array<i32>} : memref<128xi32, #tpu.memory_space<vmem>>, vector<16xi32>,
      tpu.vector_store %arg13[%swap3A_284], %get3A_283 {strides = array<i32>} : memref<128xi32, #tpu.memory_space<vmem>>, vector<16xi32>,
      %add3A_286 = arith.constant 96 : i32
      %add3A_287 = arith.addi %mul3A_243, %add3A_286 : i32
      %get3A_288 = arith.index_cast %add3A_287 : i32 to index
      %get3A_289 = tpu.vector_load %arg12[%get3A_288] {strides = array<i32>} : memref<3392xi32, #tpu.memory_space<vmem>>, vector<16xi32>,
      %swap3A_290 = arith.constant 96 : index
      %swap3A_291 = tpu.vector_load %arg13[%swap3A_290] {strides = array<i32>} : memref<128xi32, #tpu.memory_space<vmem>>, vector<16xi32>,
      tpu.vector_store %arg13[%swap3A_290], %get3A_289 {strides = array<i32>} : memref<128xi32, #tpu.memory_space<vmem>>, vector<16xi32>,
      %add3A_292 = arith.constant 112 : i32
      %add3A_293 = arith.addi %mul3A_243, %add3A_292 : i32
      %get3A_294 = arith.index_cast %add3A_293 : i32 to index
      %get3A_295 = tpu.vector_load %arg12[%get3A_294] {strides = array<i32>} : memref<3392xi32, #tpu.memory_space<vmem>>, vector<16xi32>,
      %swap3A_296 = arith.constant 112 : index
      %swap3A_297 = tpu.vector_load %arg13[%swap3A_296] {strides = array<i32>} : memref<128xi32, #tpu.memory_space<vmem>>, vector<16xi32>,
      tpu.vector_store %arg13[%swap3A_296], %get3A_295 {strides = array<i32>} : memref<128xi32, #tpu.memory_space<vmem>>, vector<16xi32>,
      %dma_wait3A_298 = tpu.memref_slice %arg11[%mul3A_243] : memref<3392xi32, #tpu.memory_space<vmem>> -> memref<128xi32, #tpu.memory_space<vmem>>
      %dma_wait3A_299 = arith.constant 0 : i32
      %dma_wait3A_300 = arith.constant 0 : i32
      %dma_wait3A_301 = tpu.memref_slice %arg5[%dma_wait3A_299, %dma_wait3A_300] : memref<16384x128xi32, #tpu.memory_space<hbm>> -> memref<16384x128xi32, #tpu.memory_space<hbm>>
      tpu.wait_indirect_dma semaphore(%arg18 : memref<!tpu.dma_semaphore, #tpu.memory_space<semaphore_mem>>) src(%dma_wait3A_301 : memref<16384x128xi32, #tpu.memory_space<hbm>>) dst(%arg14 : memref<128x128xi32, #tpu.memory_space<vmem>>)
      %dma_wait3A_302 = tpu.memref_slice %arg11[%mul3A_243] : memref<3392xi32, #tpu.memory_space<vmem>> -> memref<128xi32, #tpu.memory_space<vmem>>
      %dma_wait3A_303 = arith.constant 0 : i32
      %dma_wait3A_304 = arith.constant 0 : i32
      %dma_wait3A_305 = tpu.memref_slice %arg6[%dma_wait3A_303, %dma_wait3A_304] : memref<16384x128xi32, #tpu.memory_space<hbm>> -> memref<16384x128xi32, #tpu.memory_space<hbm>>
      tpu.wait_indirect_dma semaphore(%arg24 : memref<!tpu.dma_semaphore, #tpu.memory_space<semaphore_mem>>) src(%dma_wait3A_305 : memref<16384x128xi32, #tpu.memory_space<hbm>>) dst(%arg20 : memref<128x128xi32, #tpu.memory_space<vmem>>)
      %dma_start3A_306 = arith.constant 0 : i32
      %dma_start3A_307 = arith.constant 0 : i32
      %dma_start3A_308 = tpu.memref_slice %arg7[%dma_start3A_306, %dma_start3A_307] : memref<100000x128xi32, #tpu.memory_space<hbm>> -> memref<100000x128xi32, #tpu.memory_space<hbm>>
      tpu.enqueue_indirect_dma source(%arg14 : memref<128x128xi32, #tpu.memory_space<vmem>>) target(%dma_start3A_308 : memref<100000x128xi32, #tpu.memory_space<hbm>>) offsets(%arg13 : memref<128xi32, #tpu.memory_space<vmem>>) semaphore(%arg19 : memref<!tpu.dma_semaphore, #tpu.memory_space<semaphore_mem>>)
      %dma_start3A_309 = arith.constant 0 : i32
      %dma_start3A_310 = arith.constant 0 : i32
      %dma_start3A_311 = tpu.memref_slice %arg8[%dma_start3A_309, %dma_start3A_310] : memref<100000x128xi32, #tpu.memory_space<hbm>> -> memref<100000x128xi32, #tpu.memory_space<hbm>>
      tpu.enqueue_indirect_dma source(%arg20 : memref<128x128xi32, #tpu.memory_space<vmem>>) target(%dma_start3A_311 : memref<100000x128xi32, #tpu.memory_space<hbm>>) offsets(%arg13 : memref<128xi32, #tpu.memory_space<vmem>>) semaphore(%arg25 : memref<!tpu.dma_semaphore, #tpu.memory_space<semaphore_mem>>)
      %dma_wait3A_312 = arith.constant 0 : i32
      %dma_wait3A_313 = arith.constant 0 : i32
      %dma_wait3A_314 = tpu.memref_slice %arg7[%dma_wait3A_312, %dma_wait3A_313] : memref<100000x128xi32, #tpu.memory_space<hbm>> -> memref<100000x128xi32, #tpu.memory_space<hbm>>
      tpu.wait_indirect_dma semaphore(%arg19 : memref<!tpu.dma_semaphore, #tpu.memory_space<semaphore_mem>>) src(%arg14 : memref<128x128xi32, #tpu.memory_space<vmem>>) dst(%dma_wait3A_314 : memref<100000x128xi32, #tpu.memory_space<hbm>>)
      %dma_wait3A_315 = arith.constant 0 : i32
      %dma_wait3A_316 = arith.constant 0 : i32
      %dma_wait3A_317 = tpu.memref_slice %arg8[%dma_wait3A_315, %dma_wait3A_316] : memref<100000x128xi32, #tpu.memory_space<hbm>> -> memref<100000x128xi32, #tpu.memory_space<hbm>>
      tpu.wait_indirect_dma semaphore(%arg25 : memref<!tpu.dma_semaphore, #tpu.memory_space<semaphore_mem>>) src(%arg20 : memref<128x128xi32, #tpu.memory_space<vmem>>) dst(%dma_wait3A_317 : memref<100000x128xi32, #tpu.memory_space<hbm>>)
    }
    %while3A_240 = arith.constant 1 : i32
    scf.for %while3A_241 = %while3A_238 to %while3A_234 step %while3A_240  : i32 {
      %mul3A_242 = arith.constant 128 : i32
      %mul3A_243 = arith.muli %while3A_241, %mul3A_242 : i32
      %dma_start3A_244 = tpu.memref_slice %arg11[%mul3A_243] : memref<3392xi32, #tpu.memory_space<vmem>> -> memref<128xi32, #tpu.memory_space<vmem>>
      %dma_start3A_245 = arith.constant 0 : i32
      %dma_start3A_246 = arith.constant 0 : i32
      %dma_start3A_247 = tpu.memref_slice %arg5[%dma_start3A_245, %dma_start3A_246] : memref<16384x128xi32, #tpu.memory_space<hbm>> -> memref<16384x128xi32, #tpu.memory_space<hbm>>
      tpu.enqueue_indirect_dma source(%dma_start3A_247 : memref<16384x128xi32, #tpu.memory_space<hbm>>) target(%arg14 : memref<128x128xi32, #tpu.memory_space<vmem>>) offsets(%dma_start3A_244 : memref<128xi32, #tpu.memory_space<vmem>>) semaphore(%arg18 : memref<!tpu.dma_semaphore, #tpu.memory_space<semaphore_mem>>)
      %dma_start3A_248 = tpu.memref_slice %arg11[%mul3A_243] : memref<3392xi32, #tpu.memory_space<vmem>> -> memref<128xi32, #tpu.memory_space<vmem>>
      %dma_start3A_249 = arith.constant 0 : i32
      %dma_start3A_250 = arith.constant 0 : i32
      %dma_start3A_251 = tpu.memref_slice %arg6[%dma_start3A_249, %dma_start3A_250] : memref<16384x128xi32, #tpu.memory_space<hbm>> -> memref<16384x128xi32, #tpu.memory_space<hbm>>
      tpu.enqueue_indirect_dma source(%dma_start3A_251 : memref<16384x128xi32, #tpu.memory_space<hbm>>) target(%arg20 : memref<128x128xi32, #tpu.memory_space<vmem>>) offsets(%dma_start3A_248 : memref<128xi32, #tpu.memory_space<vmem>>) semaphore(%arg24 : memref<!tpu.dma_semaphore, #tpu.memory_space<semaphore_mem>>)
      %add3A_252 = arith.constant 0 : i32
      %add3A_253 = arith.addi %mul3A_243, %add3A_252 : i32
      %get3A = arith.index_cast %add3A_253 : i32 to index
      %get3A_254 = tpu.vector_load %arg12[%get3A] {strides = array<i32>} : memref<3392xi32, #tpu.memory_space<vmem>>, vector<16xi32>,
      %swap3A = arith.constant 0 : index
      %swap3A_255 = tpu.vector_load %arg13[%swap3A] {strides = array<i32>} : memref<128xi32, #tpu.memory_space<vmem>>, vector<16xi32>,
      tpu.vector_store %arg13[%swap3A], %get3A_254 {strides = array<i32>} : memref<128xi32, #tpu.memory_space<vmem>>, vector<16xi32>,
      %add3A_256 = arith.constant 16 : i32
      %add3A_257 = arith.addi %mul3A_243, %add3A_256 : i32
      %get3A_258 = arith.index_cast %add3A_257 : i32 to index
      %get3A_259 = tpu.vector_load %arg12[%get3A_258] {strides = array<i32>} : memref<3392xi32, #tpu.memory_space<vmem>>, vector<16xi32>,
      %swap3A_260 = arith.constant 16 : index
      %swap3A_261 = tpu.vector_load %arg13[%swap3A_260] {strides = array<i32>} : memref<128xi32, #tpu.memory_space<vmem>>, vector<16xi32>,
      tpu.vector_store %arg13[%swap3A_260], %get3A_259 {strides = array<i32>} : memref<128xi32, #tpu.memory_space<vmem>>, vector<16xi32>,
      %add3A_262 = arith.constant 32 : i32
      %add3A_263 = arith.addi %mul3A_243, %add3A_262 : i32
      %get3A_264 = arith.index_cast %add3A_263 : i32 to index
      %get3A_265 = tpu.vector_load %arg12[%get3A_264] {strides = array<i32>} : memref<3392xi32, #tpu.memory_space<vmem>>, vector<16xi32>,
      %swap3A_266 = arith.constant 32 : index
      %swap3A_267 = tpu.vector_load %arg13[%swap3A_266] {strides = array<i32>} : memref<128xi32, #tpu.memory_space<vmem>>, vector<16xi32>,
      tpu.vector_store %arg13[%swap3A_266], %get3A_265 {strides = array<i32>} : memref<128xi32, #tpu.memory_space<vmem>>, vector<16xi32>,
      %add3A_268 = arith.constant 48 : i32
      %add3A_269 = arith.addi %mul3A_243, %add3A_268 : i32
      %get3A_270 = arith.index_cast %add3A_269 : i32 to index
      %get3A_271 = tpu.vector_load %arg12[%get3A_270] {strides = array<i32>} : memref<3392xi32, #tpu.memory_space<vmem>>, vector<16xi32>,
      %swap3A_272 = arith.constant 48 : index
      %swap3A_273 = tpu.vector_load %arg13[%swap3A_272] {strides = array<i32>} : memref<128xi32, #tpu.memory_space<vmem>>, vector<16xi32>,
      tpu.vector_store %arg13[%swap3A_272], %get3A_271 {strides = array<i32>} : memref<128xi32, #tpu.memory_space<vmem>>, vector<16xi32>,
      %add3A_274 = arith.constant 64 : i32
      %add3A_275 = arith.addi %mul3A_243, %add3A_274 : i32
      %get3A_276 = arith.index_cast %add3A_275 : i32 to index
      %get3A_277 = tpu.vector_load %arg12[%get3A_276] {strides = array<i32>} : memref<3392xi32, #tpu.memory_space<vmem>>, vector<16xi32>,
      %swap3A_278 = arith.constant 64 : index
      %swap3A_279 = tpu.vector_load %arg13[%swap3A_278] {strides = array<i32>} : memref<128xi32, #tpu.memory_space<vmem>>, vector<16xi32>,
      tpu.vector_store %arg13[%swap3A_278], %get3A_277 {strides = array<i32>} : memref<128xi32, #tpu.memory_space<vmem>>, vector<16xi32>,
      %add3A_280 = arith.constant 80 : i32
      %add3A_281 = arith.addi %mul3A_243, %add3A_280 : i32
      %get3A_282 = arith.index_cast %add3A_281 : i32 to index
      %get3A_283 = tpu.vector_load %arg12[%get3A_282] {strides = array<i32>} : memref<3392xi32, #tpu.memory_space<vmem>>, vector<16xi32>,
      %swap3A_284 = arith.constant 80 : index
      %swap3A_285 = tpu.vector_load %arg13[%swap3A_284] {strides = array<i32>} : memref<128xi32, #tpu.memory_space<vmem>>, vector<16xi32>,
      tpu.vector_store %arg13[%swap3A_284], %get3A_283 {strides = array<i32>} : memref<128xi32, #tpu.memory_space<vmem>>, vector<16xi32>,
      %add3A_286 = arith.constant 96 : i32
      %add3A_287 = arith.addi %mul3A_243, %add3A_286 : i32
      %get3A_288 = arith.index_cast %add3A_287 : i32 to index
      %get3A_289 = tpu.vector_load %arg12[%get3A_288] {strides = array<i32>} : memref<3392xi32, #tpu.memory_space<vmem>>, vector<16xi32>,
      %swap3A_290 = arith.constant 96 : index
      %swap3A_291 = tpu.vector_load %arg13[%swap3A_290] {strides = array<i32>} : memref<128xi32, #tpu.memory_space<vmem>>, vector<16xi32>,
      tpu.vector_store %arg13[%swap3A_290], %get3A_289 {strides = array<i32>} : memref<128xi32, #tpu.memory_space<vmem>>, vector<16xi32>,
      %add3A_292 = arith.constant 112 : i32
      %add3A_293 = arith.addi %mul3A_243, %add3A_292 : i32
      %get3A_294 = arith.index_cast %add3A_293 : i32 to index
      %get3A_295 = tpu.vector_load %arg12[%get3A_294] {strides = array<i32>} : memref<3392xi32, #tpu.memory_space<vmem>>, vector<16xi32>,
      %swap3A_296 = arith.constant 112 : index
      %swap3A_297 = tpu.vector_load %arg13[%swap3A_296] {strides = array<i32>} : memref<128xi32, #tpu.memory_space<vmem>>, vector<16xi32>,
      tpu.vector_store %arg13[%swap3A_296], %get3A_295 {strides = array<i32>} : memref<128xi32, #tpu.memory_space<vmem>>, vector<16xi32>,
      %dma_wait3A_298 = tpu.memref_slice %arg11[%mul3A_243] : memref<3392xi32, #tpu.memory_space<vmem>> -> memref<128xi32, #tpu.memory_space<vmem>>
      %dma_wait3A_299 = arith.constant 0 : i32
      %dma_wait3A_300 = arith.constant 0 : i32
      %dma_wait3A_301 = tpu.memref_slice %arg5[%dma_wait3A_299, %dma_wait3A_300] : memref<16384x128xi32, #tpu.memory_space<hbm>> -> memref<16384x128xi32, #tpu.memory_space<hbm>>
      tpu.wait_indirect_dma semaphore(%arg18 : memref<!tpu.dma_semaphore, #tpu.memory_space<semaphore_mem>>) src(%dma_wait3A_301 : memref<16384x128xi32, #tpu.memory_space<hbm>>) dst(%arg14 : memref<128x128xi32, #tpu.memory_space<vmem>>)
      %dma_wait3A_302 = tpu.memref_slice %arg11[%mul3A_243] : memref<3392xi32, #tpu.memory_space<vmem>> -> memref<128xi32, #tpu.memory_space<vmem>>
      %dma_wait3A_303 = arith.constant 0 : i32
      %dma_wait3A_304 = arith.constant 0 : i32
      %dma_wait3A_305 = tpu.memref_slice %arg6[%dma_wait3A_303, %dma_wait3A_304] : memref<16384x128xi32, #tpu.memory_space<hbm>> -> memref<16384x128xi32, #tpu.memory_space<hbm>>
      tpu.wait_indirect_dma semaphore(%arg24 : memref<!tpu.dma_semaphore, #tpu.memory_space<semaphore_mem>>) src(%dma_wait3A_305 : memref<16384x128xi32, #tpu.memory_space<hbm>>) dst(%arg20 : memref<128x128xi32, #tpu.memory_space<vmem>>)
      %dma_start3A_306 = arith.constant 0 : i32
      %dma_start3A_307 = arith.constant 0 : i32
      %dma_start3A_308 = tpu.memref_slice %arg7[%dma_start3A_306, %dma_start3A_307] : memref<100000x128xi32, #tpu.memory_space<hbm>> -> memref<100000x128xi32, #tpu.memory_space<hbm>>
      tpu.enqueue_indirect_dma source(%arg14 : memref<128x128xi32, #tpu.memory_space<vmem>>) target(%dma_start3A_308 : memref<100000x128xi32, #tpu.memory_space<hbm>>) offsets(%arg13 : memref<128xi32, #tpu.memory_space<vmem>>) semaphore(%arg19 : memref<!tpu.dma_semaphore, #tpu.memory_space<semaphore_mem>>)
      %dma_start3A_309 = arith.constant 0 : i32
      %dma_start3A_310 = arith.constant 0 : i32
      %dma_start3A_311 = tpu.memref_slice %arg8[%dma_start3A_309, %dma_start3A_310] : memref<100000x128xi32, #tpu.memory_space<hbm>> -> memref<100000x128xi32, #tpu.memory_space<hbm>>
      tpu.enqueue_indirect_dma source(%arg20 : memref<128x128xi32, #tpu.memory_space<vmem>>) target(%dma_start3A_311 : memref<100000x128xi32, #tpu.memory_space<hbm>>) offsets(%arg13 : memref<128xi32, #tpu.memory_space<vmem>>) semaphore(%arg25 : memref<!tpu.dma_semaphore, #tpu.memory_space<semaphore_mem>>)
      %dma_wait3A_312 = arith.constant 0 : i32
      %dma_wait3A_313 = arith.constant 0 : i32
      %dma_wait3A_314 = tpu.memref_slice %arg7[%dma_wait3A_312, %dma_wait3A_313] : memref<100000x128xi32, #tpu.memory_space<hbm>> -> memref<100000x128xi32, #tpu.memory_space<hbm>>
      tpu.wait_indirect_dma semaphore(%arg19 : memref<!tpu.dma_semaphore, #tpu.memory_space<semaphore_mem>>) src(%arg14 : memref<128x128xi32, #tpu.memory_space<vmem>>) dst(%dma_wait3A_314 : memref<100000x128xi32, #tpu.memory_space<hbm>>)
      %dma_wait3A_315 = arith.constant 0 : i32
      %dma_wait3A_316 = arith.constant 0 : i32
      %dma_wait3A_317 = tpu.memref_slice %arg8[%dma_wait3A_315, %dma_wait3A_316] : memref<100000x128xi32, #tpu.memory_space<hbm>> -> memref<100000x128xi32, #tpu.memory_space<hbm>>
      tpu.wait_indirect_dma semaphore(%arg25 : memref<!tpu.dma_semaphore, #tpu.memory_space<semaphore_mem>>) src(%arg20 : memref<128x128xi32, #tpu.memory_space<vmem>>) dst(%dma_wait3A_317 : memref<100000x128xi32, #tpu.memory_space<hbm>>)
    }
    return
  }
}

</mosaic_0001>

<sc_bundles>
// kernel: kernel.3.cloned.1.call-start
scs
__scs_entry_jumppad:
0x0: {  	(pc) =	sbr.rel $0x88, $3  }
0x1: {  	(tag) =	ssettag $0x0;
	lr =	simm.s32 $0x1  }
0x2: {  	[smem:$0x3F9E] =	sst lr;
	_ =	strace $0xD0000000  }
0x3: {  	_ = 	snop  }
0x4: {  	_ = 	snop  }
0x5: {  	_ = 	snop  }
0x6: {  	_ = 	snop  }
0x7: {  	_ = 	snop  }
__scs_overlays_trampoline_lowered:
0x8: {  	[smem:$0x3FAD] =	sst s0  }
0x9: {  	[smem:$0x3FAE] =	sst s1  }
0xa: {  	[smem:$0x3FAF] =	sst s2  }
0xb: {  	[smem:$0x3FB0] =	sst s3  }
0xc: {  	[smem:$0x3FB1] =	sst s4  }
0xd: {  	[smem:$0x3FB2] =	sst s5  }
0xe: {  	[smem:$0x3FB3] =	sst s6  }
0xf: {  	[smem:$0x3FB4] =	sst s7  }
0x10: {  	[smem:$0x3FB5] =	sst s8  }
0x11: {  	[smem:$0x3FB6] =	sst s9;
	s0 =	simm.s32 @!p0 $0x0  }
0x12: {  	s1 =	sld [smem:$0x3F9C];
	s0 =	simm.s32 @p0 $0x1  }
0x13: {  	[smem:$0x3FB7] =	sst s0;
	s0 =	simm.s32 @!p1 $0x0  }
0x14: {  	s2 =	sld [smem:$0x3F9B];
	s0 =	simm.s32 @p1 $0x1  }
0x15: {  	[smem:$0x3FB8] =	sst s0;
	s0 =	simm.s32 @!p2 $0x0  }
0x16: {  	s3 =	sld [smem:$0x3FDB];
	s0 =	simm.s32 @p2 $0x1  }
0x17: {  	s4 =	simm.s32 $0x1BF5;
	[smem:$0x3FBA] =	sst s0  }
0x18: {  	s0 =	sld [smem:$0x3F9D];
	_ =	swait.ge [sflag:s4], $0x0  }
0x19: {  	s7 =	sld [smem:$0x3F9E]  }
0x1a: {  	s8 =	sadd.s32 $0xFFFFE003, lr  }
0x1b: {  	s9 =	sadd.s32 $0xFFFFFEF7, lr;
	s5 =	simm.s32 $0xFFFFFFFF;
	p2 =	slt.u32 s8, $0xFFFFF086  }
0x1c: {  	p1 =	slt.u32 s9, $0xF7A;
	s5 =	simm.s32 @!p2 $0x0  }
0x1d: {  	s5 =	simm.s32 @p1 $0x1;
	p0 =	seq.s32 s7, s2  }
0x1e: {  	s7 =	smul.u32 @!p0 $0xF7A, s2;
	p2 =	seq.s32 @!p0 s5, $0x0  }
0x1f: {  	s9 =	smul.u32 $0xF7A, s1;
	s8 =	simm.s32 @!p0 $0x1BF5;
	p2 =	por !p2, p0  }
0x20: {  	[sflag:s8] =	ssyncset.s32 @!p0 $0xFFFFF086;
	s6 =	sadd.s32 @!p0 s3, s7;
	s7 =	simm.s32 @!p0 $0x108  }
0x21: {  	s3 =	sadd.s32 s3, s9;
	s6 =	sadd.s32 @!p0 $0x88, s6;
	s7 =	simm.s32 @p2 $0x1082  }
0x22: {  	[simem:s7], [sflag:s8] =	dma.local @!p0 [hbm:s6], $0xF7A  }
0x23: {  	s9 =	sor.u32 $0xD0000000, s2;
	s6 =	simm.s32 $0x108;
	_ =	swait.ge @!p0 [sflag:s8], $0x0  }
0x24: {  	s3 =	sadd.s32 $0x88, s3;
	s6 =	simm.s32 @!p1 $0x1082;
	[sflag:s4] =	ssyncset.s32 $0xFFFFF086  }
0x25: {  	[simem:s6], [sflag:s4] =	dma.local [hbm:s3], $0xF7A  }
0x26: {  	[smem:$0x3F9E] =	sst s1;
	(tag) =	ssettag s2;
	_ =	strace s9  }
0x27: {  	s1 =	sld [smem:$0x3FAE]  }
0x28: {  	s2 =	sld [smem:$0x3FAF]  }
0x29: {  	s4 =	sld [smem:$0x3FB1]  }
0x2a: {  	p0 =	seq.s32 s5, $0x0;
	s5 =	sld [smem:$0x3FB2]  }
0x2b: {  	s6 =	sld [smem:$0x3FB3]  }
0x2c: {  	s7 =	sld [smem:$0x3FB4]  }
0x2d: {  	s3 =	simm.s32 $0x108;
	s8 =	sld [smem:$0x3FB5]  }
0x2e: {  	s3 =	simm.s32 @!p0 $0x1082;
	s9 =	sld [smem:$0x3FB6]  }
0x2f: {  	lr =	sadd.s32 s0, s3;
	s0 =	sld [smem:$0x3FAD]  }
0x30: {  	s3 =	sld [smem:$0x3FB0]  }
0x31: {  	[smem:$0x3FB9] =	sst s10  }
0x32: {  	s10 =	sld [smem:$0x3FB7];
	_ =	sdelay $0x3  }
0x33: {  	p0 =	seq.s32 s10, $0x1;
	s10 =	sld [smem:$0x3FB9];
	_ =	sdelay $0x3  }
0x34: {  	[smem:$0x3FB9] =	sst s10  }
0x35: {  	s10 =	sld [smem:$0x3FB8];
	_ =	sdelay $0x3  }
0x36: {  	p1 =	seq.s32 s10, $0x1;
	s10 =	sld [smem:$0x3FB9];
	_ =	sdelay $0x3  }
0x37: {  	[smem:$0x3FB9] =	sst s10  }
0x38: {  	s10 =	sld [smem:$0x3FBA]  }
0x39: {  	_ = 	snop;
	(pc) =	sbr.ind lr, $3  }
0x3a: {  	_ = 	snop  }
0x3b: {  	_ = 	snop  }
0x3c: {  	p2 =	seq.s32 s10, $0x1;
	s10 =	sld [smem:$0x3FB9]  }
0x3d: {  	_ =	shalt  }
0x3e: {  	_ =	shalt  }
0x3f: {  	_ =	shalt  }
0x40: {  	_ =	shalt  }
0x41: {  	_ =	shalt  }
0x42: {  	_ =	shalt  }
0x43: {  	_ =	shalt  }
0x44: {  	_ =	shalt  }
0x45: {  	_ =	shalt  }
0x46: {  	_ =	shalt  }
0x47: {  	_ =	shalt  }
0x48: {  	_ =	shalt  }
0x49: {  	_ =	shalt  }
0x4a: {  	_ =	shalt  }
0x4b: {  	_ =	shalt  }
0x4c: {  	_ =	shalt  }
0x4d: {  	_ =	shalt  }
0x4e: {  	_ =	shalt  }
0x4f: {  	_ =	shalt  }
0x50: {  	_ =	shalt  }
0x51: {  	_ =	shalt  }
0x52: {  	_ =	shalt  }
0x53: {  	_ =	shalt  }
0x54: {  	_ =	shalt  }
0x55: {  	_ =	shalt  }
0x56: {  	_ =	shalt  }
0x57: {  	_ =	shalt  }
0x58: {  	_ =	shalt  }
0x59: {  	_ =	shalt  }
0x5a: {  	_ =	shalt  }
0x5b: {  	_ =	shalt  }
0x5c: {  	_ =	shalt  }
0x5d: {  	_ =	shalt  }
0x5e: {  	_ =	shalt  }
0x5f: {  	_ =	shalt  }
0x60: {  	_ =	shalt  }
0x61: {  	_ =	shalt  }
0x62: {  	_ =	shalt  }
0x63: {  	_ =	shalt  }
0x64: {  	_ =	shalt  }
0x65: {  	_ =	shalt  }
0x66: {  	_ =	shalt  }
0x67: {  	_ =	shalt  }
0x68: {  	_ =	shalt  }
0x69: {  	_ =	shalt  }
0x6a: {  	_ =	shalt  }
0x6b: {  	_ =	shalt  }
0x6c: {  	_ =	shalt  }
0x6d: {  	_ =	shalt  }
0x6e: {  	_ =	shalt  }
0x6f: {  	_ =	shalt  }
0x70: {  	_ =	shalt  }
0x71: {  	_ =	shalt  }
0x72: {  	_ =	shalt  }
0x73: {  	_ =	shalt  }
0x74: {  	_ =	shalt  }
0x75: {  	_ =	shalt  }
0x76: {  	_ =	shalt  }
0x77: {  	_ =	shalt  }
0x78: {  	_ =	shalt  }
0x79: {  	_ =	shalt  }
0x7a: {  	_ =	shalt  }
0x7b: {  	_ =	shalt  }
0x7c: {  	_ =	shalt  }
0x7d: {  	_ =	shalt  }
0x7e: {  	_ =	shalt  }
0x7f: {  	_ =	shalt  }
0x80: {  	_ =	shalt  }
0x81: {  	_ =	shalt  }
0x82: {  	_ =	shalt  }
0x83: {  	_ =	shalt  }
0x84: {  	_ =	shalt  }
0x85: {  	_ =	shalt  }
0x86: {  	_ =	shalt  }
0x87: {  	_ =	shalt  }
.Lfunc_end0:
.L_simem_size_0:
called_computation_lowered:
.L_overlay_start_0:
0x88: {  	s2 =	sld [smem:$0x3FD9]  }
0x89: {  	s3 =	sld [smem:$0x3FFE];
	_ =	sdelay $0x1  }
0x8a: {  	s1 =	srdreg.scid  }
0x8b: {  	s0 =	sand.u32 $0x1, s1  }
0x8c: {  	s17 =	sshll.u32 s0, $0xA;
	s2 =	sadd.s32 s3, s2  }
0x8d: {  	s2 =	sadd.s32 s2, s17  }
0x8e: {  	[smem:$0x3FC5] =	sst s2  }
0x8f: {  	_ = 	snop  }
0x90: {  	s2 =	sld [smem:$0x3FD0];
	(tm) =	ssettm $0x1  }
0x91: {  	s18 =	sld [smem:$0x3FFB];
	_ =	sdelay $0x3  }
0x92: {  	_ =	strace s18  }
0x93: {  	s3 =	sld [smem:$0x3FFC];
	_ =	sdelay $0x3  }
0x94: {  	_ =	strace s3  }
0x95: {  	s3 =	sld [smem:$0x3FFD];
	_ =	sdelay $0x3  }
0x96: {  	_ =	strace s3  }
0x97: {  	_ =	strace $0x8FFFFFFF  }
0x98: {  	s19 =	sld [smem:$0x3FDB];
	_ =	sdelay $0x1  }
0x99: {  	s4 =	simm.s32 $_scs_section_size  }
0x9a: {  	s5 =	simm.s32 $_size__tile_overlayer_lowered;
	s6 =	simm.s32 $_tile_overlayer_lowered  }
0x9b: {  	s22 =	simm.s32 $0x1BFF;
	s21 =	sshll.u32 s6, $0x1;
	s3 =	sadd.s32 s4, s19  }
0x9c: {  	s7 =	simm.s32 $0x0;
	s20 =	sshll.u32 s5, $0x1;
	s5 =	sadd.s32 s21, s3  }
0x9d: {  	[timem:s7], [sflag:s22] =	dma.local [hbm:s5], s20  }
0x9e: {  	_ =	swait.ge [sflag:s22], s20  }
0x9f: {  	s4 =	ssub.s32 $0x0, s20;
	[sflag:s22] =	ssyncset.done $0x0  }
0xa0: {  	[sflag:s22] =	ssyncadd.s32 s4;
	_ =	sdelay $0x1  }
0xa1: {  	s23 =	simm.s32 $0x1B8B  }
0xa2: {  	_ =	swait.ge [sflag:s23], $0x1  }
0xa3: {  	[sflag:s23] =	ssyncset.done $0x0  }
0xa4: {  	s25 =	simm.s32 $0x1B8E;
	s24 =	sld [smem:$0x3FFE];
	[sflag:s23] =	ssyncadd.s32 $0xFFFFFFFF  }
0xa5: {  	s26 =	simm.s32 $execute0_lowered;
	[smem:$0x3FD2] =	sst s25  }
0xa6: {  	s5 =	sshll.u32 s26, $0x1;
	_ =	strace $0x80000046;
	[dreg:$0x1] =	wrdreg $0xFFFFFFFF  }
0xa7: {  	s28 =	simm.s32 $_size_execute0_lowered;
	s3 =	sadd.s32 s3, s5;
	[dreg:$0x0] =	wrdreg $0x0  }
0xa8: {  	s5 =	sshll.u32 s28, $0x1;
	[dreg:$0x2] =	wrdreg s3  }
0xa9: {  	[dreg:$0x3] =	wrdreg s5  }
0xaa: {  	[dreg:$0x4] =	wrdreg $0xC0  }
0xab: {  	_ =	task [dreg:s7], $0x5FFFF  }
0xac: {  	[dreg:$0x1] =	wrdreg $0xFFFFFFFF  }
0xad: {  	[dreg:$0x0] =	wrdreg $0x60  }
0xae: {  	[dreg:$0x2] =	wrdreg s2  }
0xaf: {  	[dreg:$0x3] =	wrdreg s24  }
0xb0: {  	[dreg:$0x4] =	wrdreg $0x9  }
0xb1: {  	_ =	task.clear_ibuf [dreg:s7], $0x5FFFF;
	_ =	strace $0x90000046  }
0xb2: {  	s29 =	simm.s32 $0x9;
	_ =	strace $0x80000048  }
0xb3: {  	_ =	swait.ge [sflag:s29], $0x1  }
0xb4: {  	[sflag:s29] =	ssyncadd.s32 $0xFFFFFFFF  }
0xb5: {  	_ =	strace $0x90000048  }
0xb6: {  	_ =	sfence  }
0xb7: {  	s30 =	sld [smem:$0x0];
	_ =	sdelay $0x2  }
0xb8: {  	s31 =	sshll.u32 s1, $0xD;
	s1 =	sshrl.u32 s1, $0x2  }
0xb9: {  	s3 =	sand.u32 $0x4000, s31;
	s1 =	sadd.s32 s1, s30  }
0xba: {  	s0 =	sor.u32 s3, s0;
	s1 =	sshll.u32 s1, $0x11  }
0xbb: {  	s0 =	sor.u32 s1, s0  }
0xbc: {  	s0 =	sadd.s32 $0x8F2B, s0  }
0xbd: {  	[sflag:s0] =	ssyncadd.remote.s32 $0x1  }
0xbe: {  	_ =	sfence.sel $0xFFFF  }
0xbf: {  	[dreg:$0x0] =	wrdreg $0xFFFFFFFF;
	(pc) =	sbr.abs _section_cstart, $3  }
0xc0: {  	[dreg:$0x1] =	wrdreg $0xFFFFFFFF  }
0xc1: {  	_ =	task.clear_ibuf [dreg:s7], $0x2FFFF;
	_ =	strace $0x9FFFFFFF  }
0xc2: {  	(tm) =	ssettm $0x7FFFFFFF  }
0xc3: {  	_ =	shalt  }
tec
execute0_lowered:
.L_overlay_start_1:
0x0: {  	(tag) =	ssettag $0x1  }
0x1: {  	v2 =	vimm.s32 $0x87654321;
	v5 =	vimm.s32 $0x98765432  }
0x2: {  	v6 =	vimm.s32 $0xFFFEDCBA;
	vm0 =	vmmov $0x7fff;
	vm9 =	vcmask $0x1F00  }
0x3: {  	vm4 =	vcmask $0x2F20;
	v8 =	vimm.s32 $0x0;
	v9 =	vimm.s32 $0xCBA98765  }
0x4: {  	v10 =	vimm.s32 $0xF0F0E0D;
	v11 =	vimm.s32 $0xFEDCBA98;
	vm3 =	vmmov $0xfff  }
0x5: {  	vm5 =	vmmov $0x3ff;
	vm6 =	vmmov $0x1ff;
	vm7 =	vmmov $0xff  }
0x6: {  	vm8 =	vmmov $0x7f;
	vm10 =	vmmov $0x1f;
	vm11 =	vmmov $0xf  }
0x7: {  	s0 =	srdreg.scid;
	vm13 =	vcmask $0x300;
	v16 =	vimm.s32 $0xF;
	vm12 =	vmmov $0x7  }
0x8: {  	s4 =	stileid.u32;
	s10 =	rddreg [dreg:$0x1];
	vm14 =	vmmov $0x1;
	v3 =	vunpack.c.l.s4.s8 v2;
	v2 =	vimm.s32 $0xFFEDCBA9  }
0x9: {  	s5 =	simm.s32 $0x0;
	s28 =	simm.s32 $0x6800;
	s29 =	simm.s32 $0x12800;
	v5 =	vunpack.c.l.s4.s8 v5;
	v6 =	vunpack.c.l.s4.s8 v6;
	v17 =	vunpack.c.0.s8.s32 v10  }
0xa: {  	s30 =	simm.s32 $0x5;
	s31 =	simm.s32 $0xB;
	s15 =	smul.u32 $0xFFFFE790, s4;
	v10 =	vimm.s32 $0xEDCBA987;
	v11 =	vunpack.c.l.s4.s8 v11;
	v18 =	vsel vm13, $0xE, v16  }
0xb: {  	s0 =	sand.u32 $0x1, s0;
	s1 =	sshll.u32 s4, $0x1;
	s24 =	smul.u32 $0x1870, s4;
	vm13 =	vmmov $0x3;
	v4 =	vunpack.c.l.s4.s8 v2;
	v2 =	vimm.s32 $0xFFFFFFFF  }
0xc: {  	[smem:$0x7FF] =	sst s5;
	s7 =	sadd.s32 $0x187400, s10;
	s13 =	smul.u32 $0xFFFFF3C8, s0;
	v10 =	vunpack.c.l.s4.s8 v10;
	v7 =	vunpack.c.0.s8.s32 v3;
	v3 =	vimm.s32 $0xA9876543  }
0xd: {  	s6 =	sor.u32 s0, s1;
	s11 =	ssub.s32 $0x2, s0;
	s0 =	smul.u32 $0xC38, s0;
	v5 =	vunpack.c.0.s8.s32 v5;
	v13 =	vunpack.c.0.s8.s32 v6;
	v12 =	vunpack.c.0.s8.s32 v4  }
0xe: {  	s17 =	sadd.s32 $0xA00, s10;
	s8 =	sadd.s32 $0x187C00, s10;
	s1 =	smul.u32 $0xC38, s6;
	v11 =	vunpack.c.0.s8.s32 v11;
	v6 =	vunpack.c.l.s4.s8 v3;
	v3 =	vlaneseq.u32  }
0xf: {  	s9 =	sadd.s32 $0x207C00, s10;
	s6 =	smul.u32 $0xC380, s6;
	s12 =	sshrl.u32 s11, $0x1;
	v10 =	vunpack.c.0.s8.s32 v10;
	v4 =	vcombine.low v7, v12;
	v7 =	vimm.s32 $0x0  }
0x10: {  	s16 =	ssub.s32 s11, s12;
	s13 =	sadd.s32 s15, s13;
	s2 =	ssub.s32 $0x186A0, s1;
	v0 =	vmov s1;
	v5 =	vcombine.low v5, v13;
	v7 =	vsel vm0, $0xFFFFFFFF, v7  }
0x11: {  	s0 =	sadd.s32 s0, s24;
	v11 =	vnsel vm9, $0xF, v11;
	v13 =	vnsel vm9, $0xF, v13;
	s3 =	smin.u32 s2, $0xC38;
	s2 =	rddreg [dreg:$0x0];
	vm0 =	vmmov $0x3fff;
	[tilespmem:$0x1FFD0] =	vst v7  }
0x12: {  	v19 =	vor.u32 $0x80000000, v3;
	v6 =	vunpack.c.0.s8.s32 v6;
	s19 =	sadd.s32 s2, s6;
	v8 =	vsel vm0, $0xFFFFFFFF, v8;
	_ =	strace $0x80000047;
	[dreg:$0x4] =	wrdreg s7  }
0x13: {  	s22 =	sadd.s32 $0x186A0, s13;
	s26 =	smax.u32 s16, $0x1;
	v7 =	vimm.s32 $0xE0D0C0B;
	vm0 =	vmmov $0x1fff;
	[tilespmem:$0x1FFE0] =	vst v8;
	v8 =	vimm.s32 $0x0;
	[dreg:$0x5] =	wrdreg s19  }
0x14: {  	s14 =	sadd.s32 $0x78, s3;
	s6 =	sadd.s32 s17, s6;
	v14 =	vunpack.c.0.s8.s32 v7;
	v7 =	vimm.s32 $0xBA987654;
	[dreg:$0x3] =	wrdreg s17;
	v8 =	vsel vm0, $0xFFFFFFFF, v8  }
0x15: {  	v10 =	vnsel vm9, $0xF, v10;
	s12 =	sadd.s32 $0xFFFFFF80, s3;
	s11 =	sshrl.u32 s14, $0x7;
	[dreg:$0x6] =	wrdreg s6;
	v7 =	vunpack.c.l.s4.s8 v7;
	[tilespmem:$0x1FFF0] =	vst v8;
	v8 =	vimm.s32 $0xF0E0D0C  }
0x16: {  	s7 =	sadd.s32 $0x1C7C00, s10;
	s10 =	sadd.s32 $0x38E600, s10;
	[dreg:$0xb] =	wrdreg s26;
	v15 =	vunpack.c.0.s8.s32 v8;
	v8 =	vunpack.c.l.s4.s8 v9;
	v9 =	vimm.s32 $0xDCBA9876  }
0x17: {  	v12 =	vnsel vm9, $0xF, v12;
	s20 =	sand.u32 $0x1, s11;
	s6 =	smin.u32 s22, $0xC38;
	[dreg:$0xc] =	wrdreg s0;
	v7 =	vunpack.c.0.s8.s32 v7;
	v9 =	vunpack.c.l.s4.s8 v9  }
0x18: {  	v1 =	vmov s3;
	v6 =	vnsel vm9, $0xF, v6;
	s26 =	simm.s32 $0x80;
	s0 =	simm.s32 $0x6;
	s21 =	sadd.s32 $0x3, s20;
	v8 =	vunpack.c.0.s8.s32 v8  }
.Ltmp0:
0x19: {  	vm0 =	vcmask $0x2320;
	s23 =	sadd.s32 $0x9, s20;
	[dreg:$0x7] =	wrdreg s21;
	v7 =	vnsel vm9, $0xF, v7;
	v9 =	vunpack.c.0.s8.s32 v9;
	(pc) =	sbr.rel .LBB2_1-.Ltmp0, $4  }
0x1a: {  	s3 =	sxor.u32 $0x1, s20;
	s6 =	sadd.s32 $0x78, s6;
	v6 =	vsel vm4, v14, v6;
	[dreg:$0x8] =	wrdreg s23;
	v7 =	vsel vm4, v15, v7;
	v8 =	vnsel vm9, $0xF, v8  }
0x1b: {  	s25 =	sadd.s32 $0x3, s3;
	s3 =	sadd.s32 $0x9, s3;
	s19 =	sshrl.u32 s6, $0x7;
	v8 =	vsel vm4, v17, v8;
	v9 =	vnsel vm9, $0xF, v9;
	vm4 =	vmmov $0x7ff  }
0x1c: {  	s23 =	simm.s32 $0xC;
	s6 =	simm.s32 $0x0;
	[dreg:$0x9] =	wrdreg s25;
	vm9 =	vmmov $0x3f;
	v9 =	vsel vm0, $0xE, v9;
	vm0 =	vcmask $0xF00  }
0x1d: {  	[dreg:$0xa] =	wrdreg s3;
	s25 =	simm.s32 $0x4000;
	s3 =	simm.s32 $0x6780;
	v14 =	vnsel vm0, $0xF, v14;
	v15 =	vnsel vm0, $0xF, v15;
	v17 =	vnsel vm0, $0xF, v17  }
.LBB2_16:
0x1e: {  	[sflag:s23] =	ssyncadd.s32 $0xFFFFC000;
	s6 =	rddreg [dreg:$0xd]  }
.LBB2_17:
0x1f: {  	s6 =	sadd.s32 $0x1, s6;
	s4 =	rddreg [dreg:$0xb]  }
0x20: {  	p0 =	sne.s32 s6, s4  }
.Ltmp1:
0x21: {  	_ = 	snop;
	(pc) =	sbr.rel @!p0 .LBB2_18-.Ltmp1, $1  }
0x22: {  	_ =	sdelay $0x3  }
.LBB2_1:
0x23: {  	[dreg:$0xd] =	wrdreg s6  }
0x24: {  	s4 =	rddreg [dreg:$0x4];
	s24 =	simm.s32 $0xD  }
0x25: {  	[tilespmem:s5], [sflag:$0xD] =	stream.linear.gather [hbm4b:s4+s5], $0x4000, $0x38;
	[tilespmem:$0x1E800] =	vst v63  }
0x26: {  	_ =	swait.ge [sflag:s24], $0x4000  }
0x27: {  	[sflag:s24] =	ssyncset.done $0x0  }
0x28: {  	s6 =	simm.s32 $0x40;
	s13 =	simm.s32 $0x0;
	[sflag:s24] =	ssyncadd.s32 $0xFFFFC000  }
.LBB2_2:
0x29: {  	p0 =	sne.s32 s6, $0x30C0;
	[tilespmem:s13+$0x4000] =	vst v2;
	s13 =	smov.u32 s6;
	s6 =	sadd.s32 $0x40, s6  }
.Ltmp2:
0x2a: {  	(pc) =	sbr.rel @p0 .LBB2_2-.Ltmp2, $2  }
0x2b: {  	_ =	sdelay $0x2  }
0x2c: {  	s13 =	sshra.s32 s13, $0x2  }
.Ltmp3:
0x2d: {  	s16 =	simm.s32 $0x0;
	s4 =	rddreg [dreg:$0x5];
	(pc) =	sbr.rel .LBB2_4-.Ltmp3, $4  }
0x2e: {  	[tilespmem:s13+$0x4000] =	vst v2;
	s6 =	simm.s32 $0xA800;
	s22 =	rddreg [dreg:$0x6];
	s24 =	simm.s32 $0x16800  }
0x2f: {  	[tilespmem:s6], [sflag:$0x1] =	stream.linear.gather [hbm4b:s4+s16], $0x4000, $0x38;
	[tilespmem:$0x1E800] =	vst v63  }
0x30: {  	s17 =	simm.s32 $0x0;
	s14 =	simm.s32 $0x0;
	s4 =	rddreg [dreg:$0x3]  }
0x31: {  	[tilespmem:s24], [sflag:$0x7] =	stream.linear.gather [hbm4b:s22+s16], $0x4000, $0x38;
	[tilespmem:$0x1E800] =	vst v63  }
.LBB2_10:
0x32: {  	s6 =	sand.u32 $0x1, s14;
	s14 =	sshll.u32 s14, $0x7;
	s15 =	smov.u32 s12  }
0x33: {  	s17 =	sadd.s32 $0x2B0, s17;
	s16 =	sadd.s32 $0x2B0, s16;
	s13 =	sadd.s32 $0x1, s6  }
0x34: {  	s22 =	sadd.s32 $0x7, s6;
	p0 =	slt.s32 s14, s12;
	_ =	swait.ge [sflag:s13], $0x4000  }
0x35: {  	s24 =	sshll.u32 s6, $0xE;
	s15 =	smov.u32 @p0 s14;
	[sflag:s13] =	ssyncset.done $0x0  }
0x36: {  	s18 =	sor.u32 $0xA800, s24;
	s24 =	sadd.s32 $0x16800, s24;
	[sflag:s13] =	ssyncadd.s32 $0xFFFFC000  }
0x37: {  	p0 =	sne.s32 s20, s19;
	s14 =	sadd.s32 s1, s15;
	_ =	swait.ge [sflag:s22], $0x4000  }
.Ltmp4:
0x38: {  	s13 =	sshll.u32 s14, $0x4;
	[sflag:s22] =	ssyncset.done $0x0;
	(pc) =	sbr.rel @!p0 .LBB2_11-.Ltmp4, $4  }
0x39: {  	s21 =	sadd.s32 s9, s13;
	[sflag:s22] =	ssyncadd.s32 $0xFFFFC000;
	s22 =	sadd.s32 $0x3, s6  }
0x3a: {  	[hbm4b:s21+s5] =	stream.linear.scatter [tilespmem:s18], [sflag:s22], $0x4000, $0x38;
	[tilespmem:$0x1E800] =	vst v63  }
0x3b: {  	s14 =	smov.u32 s20;
	s13 =	sadd.s32 s10, s13;
	s6 =	sadd.s32 $0x9, s6  }
0x3c: {  	[hbm4b:s13+s5] =	stream.linear.scatter [tilespmem:s24], [sflag:s6], $0x4000, $0x38;
	[tilespmem:$0x1E800] =	vst v63  }
.LBB2_4:
0x3d: {  	s20 =	sadd.s32 $0x1, s14  }
0x3e: {  	p0 =	sge.u32 s20, s11  }
0x3f: {  	p1 =	seq.s32 @!p0 s14, $0x0  }
0x40: {  	s6 =	sand.u32 $0x1, s20;
	p1 =	por p1, p0  }
0x41: {  	s15 =	sshll.u32 @!p0 s20, $0x7;
	s13 =	sadd.s32 @!p1 $0x3, s6  }
0x42: {  	p2 =	slt.s32 @!p0 s15, s12;
	_ =	swait.ge @!p1 [sflag:s13], $0x4000  }
0x43: {  	s18 =	sshll.u32 @!p0 s6, $0xE;
	p2 =	por !p2, p0;
	[sflag:s13] =	ssyncset.done @!p1 $0x0  }
0x44: {  	s15 =	smov.u32 @p2 s12;
	[sflag:s13] =	ssyncadd.s32 @!p1 $0xFFFFC000;
	s13 =	sadd.s32 @!p1 $0x9, s6  }
0x45: {  	s22 =	sadd.s32 @!p0 $0x1, s6;
	s15 =	sadd.s32 @!p0 s1, s15;
	_ =	swait.ge @!p1 [sflag:s13], $0x4000  }
0x46: {  	s24 =	simm.s32 @!p0 $0x0;
	s15 =	sshll.u32 @!p0 s15, $0x4;
	[sflag:s13] =	ssyncset.done @!p1 $0x0  }
0x47: {  	s21 =	sadd.s32 @!p0 s2, s15;
	[sflag:s13] =	ssyncadd.s32 @!p1 $0xFFFFC000;
	s13 =	sor.u32 @!p0 $0xA800, s18  }
0x48: {  	[tilespmem:s13], [sflag:s22] =	stream.linear.gather @!p0 [hbm4b:s21+s24], $0x4000, $0x38;
	[tilespmem:$0x1E800] =	vst v63  }
0x49: {  	s6 =	sadd.s32 @!p0 $0x7, s6;
	s15 =	sadd.s32 @!p0 s4, s15;
	s13 =	sadd.s32 @!p0 $0x16800, s18  }
0x4a: {  	[tilespmem:s13], [sflag:s6] =	stream.linear.gather @!p0 [hbm4b:s15+s24], $0x4000, $0x38;
	[tilespmem:$0x1E800] =	vst v63  }
0x4b: {  	s24 =	smul.u32 $0x2B, s20  }
0x4c: {  	s22 =	smul.u32 $0x2B, s14  }
0x4d: {  	s15 =	smin.u32 s24, $0x400  }
0x4e: {  	p0 =	sge.u32 s22, s15  }
.Ltmp5:
0x4f: {  	_ = 	snop;
	(pc) =	sbr.rel @p0 .LBB2_10-.Ltmp5, $4  }
.Ltmp6:
0x50: {  	_ = 	snop;
	(pc) =	sbr.rel @!p0 .LBB2_5-.Ltmp6, $4  }
0x51: {  	_ = 	snop  }
0x52: {  	_ = 	snop  }
0x53: {  	s6 =	smov.u32 s16;
	s13 =	smov.u32 s17  }
0x54: {  	_ = 	snop  }
.LBB2_8:
0x55: {  	v20 =	vnsel vm0, $0x0, v20;
	_ =	sdelay $0x3  }
0x56: {  	v21 =	vor.u32 s6, v3  }
0x57: {  	[tilespmem:v20+s25+$0x0] =	vst.idx.msk vm15, v21  }
.LBB2_9:
0x58: {  	s22 =	sadd.s32 $0x1, s22  }
0x59: {  	p0 =	slt.u32 s22, s15  }
.Ltmp7:
0x5a: {  	_ = 	snop;
	(pc) =	sbr.rel @!p0 .LBB2_10-.Ltmp7, $2  }
0x5b: {  	_ =	sdelay $0x2  }
0x5c: {  	s13 =	sadd.s32 $0x10, s13;
	s6 =	sadd.s32 $0x10, s6  }
.LBB2_5:
0x5d: {  	v20 =	vld [tilespmem:s13+$0x0];
	_ =	sdelay $0x4  }
0x5e: {  	v20 =	vsub.s32 v20, v0  }
0x5f: {  	vm0 =	vgt.s32 v20, $0xFFFFFFFF;
	vm15 =	vlt.s32 v20, v1  }
0x60: {  	vm0 =	vmand vm0, vm15  }
0x61: {  	v21 =	vmpcnt.ones.xlane vm0;
	_ =	sdelay $0x1  }
0x62: {  	(v2sf) =	vpush v21, $0x0;
	_ =	sdelay $0xe  }
0x63: {  	s18 =	spop (v2sf)  }
0x64: {  	p0 =	seq.s32 s18, $0x1  }
.Ltmp8:
0x65: {  	_ = 	snop;
	(pc) =	sbr.rel @p0 .LBB2_8-.Ltmp8, $2  }
0x66: {  	_ =	sdelay $0x2  }
0x67: {  	vm15 =	vmmov vm0  }
0x68: {  	p0 =	slt.s32 s18, $0x2  }
.Ltmp9:
0x69: {  	_ = 	snop;
	(pc) =	sbr.rel @p0 .LBB2_9-.Ltmp9, $1  }
0x6a: {  	_ =	sdelay $0x3  }
0x6b: {  	v24 =	vld [tilespmem:$0x1FFD0];
	_ =	sdelay $0x1  }
0x6c: {  	v21 =	vnsel vm0, $0xFFFFFFFF, v20  }
0x6d: {  	v22 =	vperm.xlane v21, v4  }
0x6e: {  	v23 =	vperm.xlane v21, v5  }
0x6f: {  	vm15 =	veq.s32 v22, v21;
	vm1 =	vnez.u8 v24  }
0x70: {  	vm15 =	vmand vm15, vm1;
	vm1 =	veq.s32 v23, v21;
	v23 =	vld [tilespmem:$0x1FFE0];
	_ =	sdelay $0x4  }
0x71: {  	vm2 =	vnez.u8 v23;
	v23 =	vld [tilespmem:$0x1FFF0];
	_ =	sdelay $0x1  }
0x72: {  	v22 =	vperm.xlane v21, v6;
	_ =	sdelay $0x1  }
0x73: {  	vm1 =	vmand vm1, vm2;
	vm2 =	veq.s32 v22, v21  }
0x74: {  	v22 =	vperm.xlane v21, v7;
	vm1 =	vmor vm15, vm1;
	vm15 =	vnez.u8 v23  }
0x75: {  	v23 =	vperm.xlane v21, v8;
	vm2 =	vmand vm2, vm15  }
0x76: {  	vm1 =	vmor vm1, vm2;
	vm2 =	veq.s32 v22, v21  }
0x77: {  	vm15 =	veq.s32 v23, v21;
	v22 =	vperm.xlane v21, v9;
	vm2 =	vmand vm2, vm3  }
0x78: {  	v23 =	vperm.xlane v21, v10;
	vm1 =	vmor vm1, vm2;
	vm2 =	vmand vm15, vm4  }
0x79: {  	vm1 =	vmor vm1, vm2;
	vm2 =	veq.s32 v22, v21  }
0x7a: {  	vm15 =	veq.s32 v23, v21;
	v22 =	vperm.xlane v21, v11;
	vm2 =	vmand vm2, vm5  }
0x7b: {  	v23 =	vperm.xlane v21, v12;
	vm1 =	vmor vm1, vm2;
	vm2 =	vmand vm15, vm6  }
0x7c: {  	vm1 =	vmor vm1, vm2;
	vm2 =	veq.s32 v22, v21  }
0x7d: {  	vm15 =	veq.s32 v23, v21;
	v22 =	vperm.xlane v21, v13;
	vm2 =	vmand vm2, vm7  }
0x7e: {  	v23 =	vperm.xlane v21, v14;
	vm1 =	vmor vm1, vm2;
	vm2 =	vmand vm15, vm8  }
0x7f: {  	vm1 =	vmor vm1, vm2;
	vm2 =	veq.s32 v22, v21  }
0x80: {  	vm15 =	veq.s32 v23, v21;
	v22 =	vperm.xlane v21, v15;
	vm2 =	vmand vm2, vm9  }
0x81: {  	v23 =	vperm.xlane v21, v17;
	vm1 =	vmor vm1, vm2;
	vm2 =	vmand vm15, vm10  }
0x82: {  	vm1 =	vmor vm1, vm2;
	vm2 =	veq.s32 v22, v21;
	v22 =	vperm.xlane v21, v18  }
0x83: {  	vm15 =	veq.s32 v23, v21;
	v23 =	vperm.xlane v21, v16;
	vm2 =	vmand vm2, vm11  }
0x84: {  	vm15 =	vmand vm15, vm12;
	vm1 =	vmor vm1, vm2;
	vm2 =	veq.s32 v22, v21  }
.Ltmp10:
0x85: {  	vm1 =	vmor vm1, vm15;
	vm15 =	veq.s32 v23, v21;
	vm2 =	vmand vm2, vm13;
	(pc) =	sbr.rel .LBB2_8-.Ltmp10, $4  }
0x86: {  	vm1 =	vmor vm1, vm2;
	vm2 =	vmand vm15, vm14  }
0x87: {  	vm1 =	vmor vm1, vm2  }
0x88: {  	vm1 =	vmneg vm1  }
0x89: {  	vm15 =	vmand vm0, vm1  }
.LBB2_11:
0x8a: {  	s2 =	rddreg [dreg:$0x7]  }
0x8b: {  	_ =	swait.ge [sflag:s2], $0x4000  }
0x8c: {  	[sflag:s2] =	ssyncset.done $0x0  }
0x8d: {  	s17 =	rddreg [dreg:$0x8];
	[sflag:s2] =	ssyncadd.s32 $0xFFFFC000  }
0x8e: {  	_ =	swait.ge [sflag:s17], $0x4000  }
0x8f: {  	[sflag:s17] =	ssyncset.done $0x0  }
0x90: {  	s18 =	rddreg [dreg:$0x9];
	[sflag:s17] =	ssyncadd.s32 $0xFFFFC000  }
0x91: {  	_ =	swait.ge [sflag:s18], $0x4000  }
0x92: {  	[sflag:s18] =	ssyncset.done $0x0  }
0x93: {  	s20 =	rddreg [dreg:$0xa];
	[sflag:s18] =	ssyncadd.s32 $0xFFFFC000  }
0x94: {  	_ =	swait.ge [sflag:s20], $0x4000  }
0x95: {  	[sflag:s20] =	ssyncset.done $0x0  }
0x96: {  	s6 =	simm.s32 $0x0;
	[sflag:s20] =	ssyncadd.s32 $0xFFFFC000  }
0x97: {  	v21 =	vld [tilespmem:s6+$0x4000];
	_ =	sdelay $0x3  }
0x98: {  	s21 =	rddreg [dreg:$0xc]  }
0x99: {  	v20 =	vadd.s32 s21, v19;
	vm0 =	vgt.s32 v21, $0xFFFFFFFF  }
0x9a: {  	s6 =	simm.s32 $0x0;
	v20 =	vnsel vm0, $0x7FFFFFFF, v20  }
0x9b: {  	v22 =	vadd.s32 s21, v3;
	[tilespmem:s6+$0x4C80] =	vst.msk vm0, v21;
	(xrf0) =	vmax.scan.msk.u32 $0xffff, v20  }
0x9c: {  	s13 =	simm.s32 $0x10;
	[tilespmem:s6+$0x5A00] =	vst.msk vm0, v22  }
0x9d: {  	v20 =	vmpcnt.ones.xlane vm0;
	v23 =	vld [tilespmem:s13+$0x4000];
	_ =	sdelay $0x1  }
0x9e: {  	(v2sf) =	vpush v20, $0x0;
	_ =	sdelay $0x1  }
0x9f: {  	v20, _, _ =	vpop (xrf0)  }
0xa0: {  	vm0 =	vgt.s32 v23, $0xFFFFFFFF;
	(v2sf) =	vpush v20, $0xF  }
0xa1: {  	v20 =	vmpcnt.ones.xlane vm0;
	_ =	sdelay $0x1  }
0xa2: {  	(v2sf) =	vpush v20, $0x0;
	_ =	sdelay $0x4  }
0xa3: {  	s14 =	sadd.s32 $0x10, s21  }
0xa4: {  	v24 =	vadd.s32 s14, v19  }
0xa5: {  	v24 =	vnsel vm0, $0x7FFFFFFF, v24  }
0xa6: {  	(xrf0) =	vmax.scan.msk.u32 $0xffff, v24  }
0xa7: {  	s22 =	spop (v2sf)  }
0xa8: {  	s16 =	sadd.s32 $0x0, s22  }
0xa9: {  	v20 =	vadd.s32 s14, v3;
	[tilespmem:s16+$0x4C80] =	vst.msk vm0, v23  }
0xaa: {  	s17 =	simm.s32 $0x20;
	[tilespmem:s16+$0x5A00] =	vst.msk vm0, v20;
	s15 =	spop (v2sf)  }
0xab: {  	v60 =	vld [tilespmem:s17+$0x4000];
	s18 =	sxor.u32 $0x80000000, s15  }
0xac: {  	v25 =	vshra.s32 v21, $0x1F;
	vm0 =	veq.s32 v22, s18;
	v22, _, _ =	vpop (xrf0)  }
0xad: {  	v21 =	vor.u32 v25, v21;
	s24 =	spop (v2sf);
	(v2sf) =	vpush v22, $0xF  }
0xae: {  	v21 =	vxor.u32 $0x80000000, v21  }
0xaf: {  	v21 =	vnsel vm0, $0x7FFFFFFF, v21  }
0xb0: {  	(xrf0) =	vmax.scan.msk.u32 $0xffff, v21;
	v21 =	vshra.s32 v23, $0x1F;
	vm0 =	vgt.s32 v60, $0xFFFFFFFF  }
0xb1: {  	v21 =	vor.u32 v21, v23;
	v23 =	vmpcnt.ones.xlane vm0;
	_ =	sdelay $0x1  }
0xb2: {  	s20 =	sadd.s32 s16, s24;
	s16 =	sadd.s32 $0x10, s14;
	(v2sf) =	vpush v23, $0x0  }
0xb3: {  	v26 =	vadd.s32 s16, v19  }
0xb4: {  	p0 =	sgt.s32 s22, $0x0;
	v62 =	vnsel vm0, $0x7FFFFFFF, v26  }
0xb5: {  	p0 =	por p0, p0;
	(xrf0) =	vmax.scan.msk.u32 $0xffff, v62;
	v63, _, _ =	vpop (xrf0)  }
0xb6: {  	s13 =	simm.s32 $0x0;
	s22 =	simm.s32 $0x100;
	p1 =	por p0, p0;
	v61 =	vshra.s32 v60, $0x1F;
	(v2sf) =	vpush v63, $0xF  }
0xb7: {  	s17 =	simm.s32 $0x180;
	s15 =	simm.s32 $0xC0;
	p2 =	sgt.s32 s24, $0x0;
	v22 =	vadd.s32 s16, v3;
	[tilespmem:s20+$0x4C80] =	vst.msk vm0, v60;
	v24 =	vor.u32 v61, v60  }
0xb8: {  	s13 =	smov.u32 @p0 s18;
	s14 =	simm.s32 $0x140;
	p0 =	por p2, p2;
	[tilespmem:s20+$0x5A00] =	vst.msk vm0, v22;
	v23 =	vxor.u32 $0x80000000, v21;
	v21 =	vxor.u32 $0x80000000, v24  }
.LBB2_12:
0xb9: {  	p2 =	sne.s32 s17, $0x30C0;
	s18 =	sshra.s32 s15, $0x2;
	s15 =	smov.u32 s22  }
0xba: {  	s22 =	smov.u32 s14;
	s14 =	smov.u32 s17;
	v24 =	vld [tilespmem:s18+$0x4000]  }
0xbb: {  	v25, _, _ =	vpop (xrf0);
	s18 =	spop (v2sf)  }
0xbc: {  	(v2sf) =	vpush v25, $0xF;
	s18 =	sxor.u32 $0x80000000, s18  }
0xbd: {  	vm0 =	veq.s32 v20, s18;
	s13 =	smov.u32 @p0 s18;
	v20 =	vmov v22  }
0xbe: {  	v22 =	vnsel vm0, $0x7FFFFFFF, v23;
	v23 =	vmov v21  }
0xbf: {  	vm0 =	vgt.s32 v24, $0xFFFFFFFF;
	v21 =	vshra.s32 v24, $0x1F;
	(xrf0) =	vmax.scan.msk.u32 $0xffff, v22  }
0xc0: {  	v22 =	vmpcnt.ones.xlane vm0;
	v21 =	vor.u32 v21, v24  }
0xc1: {  	v21 =	vxor.u32 $0x80000000, v21;
	s18 =	spop (v2sf)  }
0xc2: {  	s16 =	sadd.s32 $0x10, s16;
	(v2sf) =	vpush v22, $0x0;
	p3 =	sgt.s32 s18, $0x0;
	s20 =	sadd.s32 s20, s18  }
0xc3: {  	v26 =	vadd.s32 s16, v19;
	v22 =	vadd.s32 s16, v3;
	[tilespmem:s20+$0x4C80] =	vst.msk vm0, v24  }
.Ltmp11:
0xc4: {  	v25 =	vnsel vm0, $0x7FFFFFFF, v26;
	[tilespmem:s20+$0x5A00] =	vst.msk vm0, v22;
	(pc) =	sbr.rel @p2 .LBB2_12-.Ltmp11, $4  }
0xc5: {  	(xrf0) =	vmax.scan.msk.u32 $0xffff, v25;
	v24, _, _ =	vpop (xrf0);
	s18 =	spop (v2sf)  }
0xc6: {  	(v2sf) =	vpush v24, $0xF;
	s18 =	sxor.u32 $0x80000000, s18  }
0xc7: {  	s6 =	smov.u32 @p1 s18;
	p1 =	por p0, p0;
	p0 =	por p3, p3  }
0xc8: {  	s17 =	sadd.s32 $0x40, s17  }
0xc9: {  	s15 =	sshra.s32 s15, $0x2  }
0xca: {  	v24 =	vld [tilespmem:s15+$0x4000];
	_ =	sdelay $0x1  }
0xcb: {  	s18 =	spop (v2sf)  }
0xcc: {  	s2 =	sxor.u32 $0x80000000, s18  }
0xcd: {  	s18 =	sadd.s32 $0x10, s16;
	vm0 =	veq.s32 v20, s2  }
0xce: {  	v54 =	vadd.s32 s18, v19;
	v20 =	vnsel vm0, $0x7FFFFFFF, v23;
	vm0 =	vgt.s32 v24, $0xFFFFFFFF  }
0xcf: {  	v25, _, _ =	vpop (xrf0);
	(xrf0) =	vmax.scan.msk.u32 $0xffff, v20;
	v20 =	vmpcnt.ones.xlane vm0;
	v23 =	vnsel vm0, $0x7FFFFFFF, v54  }
0xd0: {  	(v2sf) =	vpush v25, $0xF;
	(xrf0) =	vmax.scan.msk.u32 $0xffff, v23  }
0xd1: {  	(v2sf) =	vpush v20, $0x0;
	_ =	sdelay $0x3  }
0xd2: {  	v20, _, _ =	vpop (xrf0)  }
0xd3: {  	(v2sf) =	vpush v20, $0xF;
	v20, _, _ =	vpop (xrf0)  }
0xd4: {  	(v2sf) =	vpush v20, $0xF  }
0xd5: {  	s21 =	spop (v2sf)  }
0xd6: {  	s24 =	sadd.s32 s20, s21  }
0xd7: {  	[tilespmem:s24+$0x4C80] =	vst.msk vm0, v24;
	v20 =	vadd.s32 s18, v3  }
0xd8: {  	[dreg:$0xe] =	wrdreg s2;
	s2 =	sshra.s32 s22, $0x2;
	[tilespmem:s24+$0x5A00] =	vst.msk vm0, v20  }
0xd9: {  	v55 =	vld [tilespmem:s2+$0x4000];
	_ =	sdelay $0x1  }
0xda: {  	s4 =	spop (v2sf)  }
0xdb: {  	[dreg:$0xf] =	wrdreg s21;
	s21 =	spop (v2sf)  }
0xdc: {  	s20 =	spop (v2sf)  }
0xdd: {  	vm0 =	vgt.s32 v55, $0xFFFFFFFF;
	s16 =	sadd.s32 s24, s20;
	s24 =	sadd.s32 $0x10, s18  }
0xde: {  	v56 =	vadd.s32 s24, v3;
	[tilespmem:s16+$0x4C80] =	vst.msk vm0, v55  }
0xdf: {  	s5 =	sshra.s32 s14, $0x2;
	[tilespmem:s16+$0x5A00] =	vst.msk vm0, v56  }
0xe0: {  	s15 =	sxor.u32 $0x80000000, s21;
	v26 =	vld [tilespmem:s5+$0x4000]  }
0xe1: {  	vm1 =	veq.s32 v22, s15;
	s22 =	spop (v2sf)  }
0xe2: {  	v57 =	vshra.s32 v24, $0x1F;
	v21 =	vnsel vm1, $0x7FFFFFFF, v21;
	s14 =	spop (v2sf)  }
0xe3: {  	v22 =	vor.u32 v57, v24;
	(xrf0) =	vmax.scan.msk.u32 $0xffff, v21;
	v27 =	vadd.s32 s24, v19;
	s21 =	sxor.u32 $0x80000000, s14  }
0xe4: {  	v22 =	vxor.u32 $0x80000000, v22;
	s24 =	sadd.s32 $0x10, s24;
	v58 =	vnsel vm0, $0x7FFFFFFF, v27;
	vm1 =	veq.s32 v20, s21  }
0xe5: {  	v59 =	vadd.s32 s24, v19;
	(xrf0) =	vmax.scan.msk.u32 $0xffff, v58;
	v20 =	vnsel vm1, $0x7FFFFFFF, v22;
	vm15 =	vgt.s32 v26, $0xFFFFFFFF  }
0xe6: {  	(xrf0) =	vmax.scan.msk.u32 $0xffff, v20;
	v20 =	vnsel vm15, $0x7FFFFFFF, v59  }
0xe7: {  	v60 =	vmpcnt.ones.xlane vm0;
	_ =	sdelay $0x1  }
0xe8: {  	(v2sf) =	vpush v60, $0x0;
	(xrf0) =	vmax.scan.msk.u32 $0xffff, v20;
	v20, _, _ =	vpop (xrf0)  }
0xe9: {  	(v2sf) =	vpush v20, $0xF;
	v20 =	vmpcnt.ones.xlane vm15  }
0xea: {  	v61, _, _ =	vpop (xrf0)  }
0xeb: {  	(v2sf) =	vpush v61, $0xF;
	_ =	sdelay $0x1  }
0xec: {  	(v2sf) =	vpush v20, $0x0;
	v20, _, _ =	vpop (xrf0)  }
0xed: {  	(v2sf) =	vpush v20, $0xF;
	v20, _, _ =	vpop (xrf0)  }
0xee: {  	(v2sf) =	vpush v20, $0xF;
	_ =	sdelay $0x8  }
0xef: {  	s2 =	spop (v2sf)  }
0xf0: {  	s17 =	spop (v2sf)  }
0xf1: {  	v20 =	vshra.s32 v55, $0x1F;
	s5 =	spop (v2sf)  }
0xf2: {  	v20 =	vor.u32 v20, v55;
	s5 =	sxor.u32 $0x80000000, s5  }
0xf3: {  	v20 =	vxor.u32 $0x80000000, v20;
	s14 =	spop (v2sf);
	vm0 =	veq.s32 v56, s5  }
0xf4: {  	v20 =	vnsel vm0, $0x7FFFFFFF, v20;
	s18 =	spop (v2sf)  }
0xf5: {  	[dreg:$0x10] =	wrdreg s4;
	v62 =	vshra.s32 v26, $0x1F;
	(xrf0) =	vmax.scan.msk.u32 $0xffff, v20;
	s4 =	spop (v2sf)  }
0xf6: {  	v63 =	vadd.s32 s24, v3;
	v21 =	vor.u32 v62, v26;
	s4 =	sxor.u32 $0x80000000, s4  }
0xf7: {  	v21 =	vxor.u32 $0x80000000, v21;
	vm0 =	veq.s32 v63, s4  }
0xf8: {  	v20 =	vnsel vm0, $0x7FFFFFFF, v21;
	_ =	sdelay $0x2  }
0xf9: {  	(xrf0) =	vmax.scan.msk.u32 $0xffff, v20;
	v20, _, _ =	vpop (xrf0)  }
0xfa: {  	(v2sf) =	vpush v20, $0xF;
	_ =	sdelay $0x4  }
0xfb: {  	s24 =	rddreg [dreg:$0xf]  }
0xfc: {  	p2 =	sgt.s32 s24, $0x0;
	s24 =	rddreg [dreg:$0xe]  }
0xfd: {  	p6 =	sgt.s32 s20, $0x0;
	s13 =	smov.u32 @p0 s24;
	v20, _, _ =	vpop (xrf0)  }
0xfe: {  	s24 =	rddreg [dreg:$0x10];
	p2 =	por p2, p2;
	p0 =	por p0, p0;
	(v2sf) =	vpush v20, $0xF  }
0xff: {  	s24 =	sxor.u32 $0x80000000, s24;
	s13 =	smov.u32 @p2 s15;
	s15 =	sxor.u32 $0x80000000, s22  }
0x100: {  	p2 =	por p2, p2;
	s6 =	smov.u32 @p1 s24;
	p1 =	por p6, p6  }
0x101: {  	s6 =	smov.u32 @p0 s15;
	s13 =	smov.u32 @p1 s21;
	p3 =	sgt.s32 s2, $0x0  }
0x102: {  	p1 =	por p1, p1;
	p0 =	por p3, p3;
	s15 =	sxor.u32 $0x80000000, s17  }
0x103: {  	s2 =	sadd.s32 s16, s2;
	s6 =	smov.u32 @p2 s15;
	s13 =	smov.u32 @p0 s5  }
0x104: {  	p4 =	sgt.s32 s14, $0x0;
	p0 =	por p0, p0;
	s5 =	sxor.u32 $0x80000000, s18  }
0x105: {  	s6 =	smov.u32 @p1 s5;
	p1 =	por p4, p4;
	s17 =	spop (v2sf)  }
0x106: {  	s5 =	sadd.s32 s2, s14;
	s13 =	smov.u32 @p1 s4;
	s4 =	sxor.u32 $0x80000000, s17  }
0x107: {  	[tilespmem:s2+$0x4C80] =	vst.msk vm15, v26;
	s6 =	smov.u32 @p0 s4;
	p0 =	slt.s32 s5, $0x1  }
0x108: {  	[tilespmem:s2+$0x5A00] =	vst.msk vm15, v63;
	v20 =	vmov @!p0 s13  }
0x109: {  	[tilespmem:s5+$0x5A00] =	vst @!p0 v20  }
0x10a: {  	[tilespmem:s5+$0x5A10] =	vst @!p0 v20  }
0x10b: {  	[tilespmem:s5+$0x5A20] =	vst @!p0 v20  }
0x10c: {  	p1 =	por p1, p1;
	s20 =	sadd.s32 $0x7F, s5;
	[tilespmem:s5+$0x5A30] =	vst @!p0 v20  }
0x10d: {  	s21 =	sand.u32 $0x7F, s20;
	s22 =	sshra.s32 s20, $0x1F;
	s18 =	spop (v2sf);
	[tilespmem:s5+$0x5A40] =	vst @!p0 v20  }
0x10e: {  	p5 =	slt.s32 s20, $0x1;
	p6 =	sne.s32 s21, $0x0;
	[tilespmem:s5+$0x5A50] =	vst @!p0 v20;
	s4 =	sxor.u32 $0x80000000, s18  }
0x10f: {  	s24 =	sshrl.u32 s22, $0x19;
	[tilespmem:s5+$0x5A60] =	vst @!p0 v20;
	s6 =	smov.u32 @p1 s4;
	p1 =	por !p5, !p6  }
0x110: {  	s2 =	sadd.s32 s24, s20;
	[tilespmem:s5+$0x5A70] =	vst @!p0 v20;
	s4 =	simm.s32 $0x1;
	v21 =	vmov @!p0 s6;
	p1 =	por !p1, !p1  }
0x111: {  	s2 =	sshra.s32 s2, $0x7;
	[tilespmem:s5+$0x4C80] =	vst @!p0 v21;
	s4 =	simm.s32 @!p1 $0x0  }
0x112: {  	[tilespmem:s5+$0x4C90] =	vst @!p0 v21;
	s14 =	ssub.s32 s2, s4  }
0x113: {  	[tilespmem:s5+$0x4CA0] =	vst @!p0 v21;
	p1 =	slt.s32 s14, $0x1  }
.Ltmp12:
0x114: {  	[tilespmem:s5+$0x4CB0] =	vst @!p0 v21;
	(pc) =	sbr.rel @p1 .LBB2_17-.Ltmp12, $4  }
0x115: {  	[tilespmem:s5+$0x4CC0] =	vst @!p0 v21  }
0x116: {  	[tilespmem:s5+$0x4CD0] =	vst @!p0 v21  }
0x117: {  	s6 =	rddreg [dreg:$0xd];
	[tilespmem:s5+$0x4CE0] =	vst @!p0 v21  }
0x118: {  	[tilespmem:s5+$0x4CF0] =	vst @!p0 v21;
	s5 =	simm.s32 $0x0;
	s2 =	rddreg [dreg:$0x0]  }
0x119: {  	s6 =	simm.s32 $0x4C80  }
0x11a: {  	[tilespmem:s28], [sflag:$0x5] =	stream.indirect.gather [hbm4b:s7+s26], $0x80, s6, s26, $0xb8;
	[tilespmem:$0x1E800] =	vst v63  }
0x11b: {  	s13 =	simm.s32 $0x5A40  }
0x11c: {  	[tilespmem:s29], [sflag:$0xB] =	stream.indirect.gather [hbm4b:s8+s26], $0x80, s6, s26, $0xb8;
	[tilespmem:$0x1E800] =	vst v63  }
0x11d: {  	v20 =	vld [tilespmem:s13+$0xFFFFFFC0];
	_ =	sdelay $0x4  }
0x11e: {  	[tilespmem:$0x6780] =	vst v20  }
0x11f: {  	v20 =	vld [tilespmem:s13+$0xFFFFFFD0];
	_ =	sdelay $0x4  }
0x120: {  	[tilespmem:$0x6790] =	vst v20  }
0x121: {  	v20 =	vld [tilespmem:s13+$0xFFFFFFE0];
	_ =	sdelay $0x4  }
0x122: {  	[tilespmem:$0x67A0] =	vst v20  }
0x123: {  	v20 =	vld [tilespmem:s13+$0xFFFFFFF0];
	_ =	sdelay $0x4  }
0x124: {  	[tilespmem:$0x67B0] =	vst v20  }
0x125: {  	v20 =	vld [tilespmem:s13+$0x0];
	_ =	sdelay $0x4  }
0x126: {  	[tilespmem:$0x67C0] =	vst v20  }
0x127: {  	v20 =	vld [tilespmem:s13+$0x10];
	_ =	sdelay $0x4  }
0x128: {  	[tilespmem:$0x67D0] =	vst v20  }
0x129: {  	v20 =	vld [tilespmem:s13+$0x20];
	_ =	sdelay $0x4  }
0x12a: {  	[tilespmem:$0x67E0] =	vst v20  }
0x12b: {  	v20 =	vld [tilespmem:s13+$0x30];
	_ =	sdelay $0x4  }
0x12c: {  	[tilespmem:$0x67F0] =	vst v20  }
0x12d: {  	_ =	swait.ge [sflag:s30], $0x4000  }
0x12e: {  	[sflag:s30] =	ssyncset.done $0x0  }
0x12f: {  	[sflag:s30] =	ssyncadd.s32 $0xFFFFC000  }
0x130: {  	_ =	swait.ge [sflag:s31], $0x4000  }
0x131: {  	[sflag:s31] =	ssyncset.done $0x0  }
0x132: {  	[sflag:s31] =	ssyncadd.s32 $0xFFFFC000  }
0x133: {  	[hbm4b:s9+s26] =	stream.indirect.scatter [tilespmem:s28], [sflag:$0x6], $0x80, s3, s26, $0xb8;
	[tilespmem:$0x1E800] =	vst v63  }
0x134: {  	p0 =	sne.s32 s14, $0x1  }
0x135: {  	[hbm4b:s10+s26] =	stream.indirect.scatter [tilespmem:s29], [sflag:$0xC], $0x80, s3, s26, $0xb8;
	[tilespmem:$0x1E800] =	vst v63  }
.Ltmp13:
0x136: {  	_ =	swait.ge [sflag:s0], $0x4000;
	(pc) =	sbr.rel @!p0 .LBB2_16-.Ltmp13, $4  }
0x137: {  	[sflag:s0] =	ssyncset.done $0x0  }
0x138: {  	[sflag:s0] =	ssyncadd.s32 $0xFFFFC000  }
0x139: {  	_ =	swait.ge [sflag:s23], $0x4000  }
0x13a: {  	s14 =	sadd.s32 $0xFFFFFFFF, s14;
	[sflag:s23] =	ssyncset.done $0x0  }
.LBB2_15:
0x13b: {  	[sflag:s23] =	ssyncadd.s32 $0xFFFFC000;
	s6 =	sadd.s32 $0x80, s6;
	s13 =	sadd.s32 $0x80, s13  }
0x13c: {  	[tilespmem:s28], [sflag:$0x5] =	stream.indirect.gather [hbm4b:s7+s26], $0x80, s6, s26, $0xb8;
	[tilespmem:$0x1E800] =	vst v63  }
0x13d: {  	p0 =	sne.s32 s14, $0x1;
	s14 =	sadd.s32 $0xFFFFFFFF, s14  }
0x13e: {  	[tilespmem:s29], [sflag:$0xB] =	stream.indirect.gather [hbm4b:s8+s26], $0x80, s6, s26, $0xb8;
	[tilespmem:$0x1E800] =	vst v63  }
0x13f: {  	v20 =	vld [tilespmem:s13+$0xFFFFFFC0];
	_ =	sdelay $0x4  }
0x140: {  	[tilespmem:$0x6780] =	vst v20  }
0x141: {  	v20 =	vld [tilespmem:s13+$0xFFFFFFD0];
	_ =	sdelay $0x4  }
0x142: {  	[tilespmem:$0x6790] =	vst v20  }
0x143: {  	v20 =	vld [tilespmem:s13+$0xFFFFFFE0];
	_ =	sdelay $0x4  }
0x144: {  	[tilespmem:$0x67A0] =	vst v20  }
0x145: {  	v20 =	vld [tilespmem:s13+$0xFFFFFFF0];
	_ =	sdelay $0x4  }
0x146: {  	[tilespmem:$0x67B0] =	vst v20  }
0x147: {  	v20 =	vld [tilespmem:s13+$0x0];
	_ =	sdelay $0x4  }
0x148: {  	[tilespmem:$0x67C0] =	vst v20  }
0x149: {  	v20 =	vld [tilespmem:s13+$0x10];
	_ =	sdelay $0x4  }
0x14a: {  	[tilespmem:$0x67D0] =	vst v20  }
0x14b: {  	v20 =	vld [tilespmem:s13+$0x20];
	_ =	sdelay $0x4  }
0x14c: {  	[tilespmem:$0x67E0] =	vst v20  }
0x14d: {  	v20 =	vld [tilespmem:s13+$0x30];
	_ =	sdelay $0x4  }
0x14e: {  	[tilespmem:$0x67F0] =	vst v20  }
0x14f: {  	_ =	swait.ge [sflag:s30], $0x4000  }
0x150: {  	[sflag:s30] =	ssyncset.done $0x0  }
0x151: {  	[sflag:s30] =	ssyncadd.s32 $0xFFFFC000  }
0x152: {  	_ =	swait.ge [sflag:s31], $0x4000  }
0x153: {  	[sflag:s31] =	ssyncset.done $0x0  }
0x154: {  	[sflag:s31] =	ssyncadd.s32 $0xFFFFC000  }
0x155: {  	[hbm4b:s9+s26] =	stream.indirect.scatter [tilespmem:s28], [sflag:$0x6], $0x80, s3, s26, $0xb8;
	[tilespmem:$0x1E800] =	vst v63  }
0x156: {  	_ = 	snop  }
0x157: {  	[hbm4b:s10+s26] =	stream.indirect.scatter [tilespmem:s29], [sflag:$0xC], $0x80, s3, s26, $0xb8;
	[tilespmem:$0x1E800] =	vst v63  }
.Ltmp14:
0x158: {  	_ =	swait.ge [sflag:s0], $0x4000;
	(pc) =	sbr.rel @p0 .LBB2_15-.Ltmp14, $4  }
0x159: {  	[sflag:s0] =	ssyncset.done $0x0  }
0x15a: {  	[sflag:s0] =	ssyncadd.s32 $0xFFFFC000  }
0x15b: {  	_ =	swait.ge [sflag:s23], $0x4000  }
0x15c: {  	[sflag:s23] =	ssyncset.done $0x0  }
.Ltmp15:
0x15d: {  	_ = 	snop;
	(pc) =	sbr.rel .LBB2_16-.Ltmp15, $1  }
0x15e: {  	_ =	sdelay $0x3  }
.LBB2_18:
0x15f: {  	_ =	sfence.sel $0x180000  }
0x160: {  	[bflag:$0x0] =	sbarrier.arrive $0xFFFF  }
0x161: {  	_ =	strace $0x90000047  }
0x162: {  	s0 =	stileid.u32;
	[bflag:$0x2] =	sbarrier.arrive $0xFFFF  }
0x163: {  	p0 =	sne.s32 s0, $0x0;
	s0 =	rddreg [dreg:$0x2]  }
0x164: {  	s0 =	sadd.s32 @!p0 $0x100000, s0  }
0x165: {  	[sflag:s0] =	ssyncadd.tile.s32 @!p0 $0x1;
	_ =	shalt  }
.Lfunc_end2:
_tile_overlayer_lowered:
.L_overlay_start_2:
0x166: {  	(tag) =	ssettag $0x2  }
0x167: {  	s0 =	rddreg [dreg:$0x0];
	s2 =	stileid.u32  }
0x168: {  	s1 =	rddreg [dreg:$0x1];
	p0 =	sne.s32 s2, $0x0  }
0x169: {  	s3 =	rddreg [dreg:$0x2];
	[bflag:$0x3] =	sbarrier.arrive $0xFFFF;
	s2 =	simm.s32 @!p0 $0x1C0D  }
0x16a: {  	[timem:s3], [sflag:s2] =	dma.local @!p0 [hbm:s0], s1  }
0x16b: {  	s0 =	simm.s32 @!p0 $0xD  }
0x16c: {  	_ =	swait.ge @!p0 [sflag:s0], s1  }
0x16d: {  	s1 =	ssub.s32 @!p0 $0x0, s1;
	[sflag:s0] =	ssyncset.done @!p0 $0x0  }
0x16e: {  	[sflag:s0] =	ssyncadd.s32 @!p0 s1  }
0x16f: {  	[bflag:$0x3] =	sbarrier.arrive $0xFFFF  }
0x170: {  	_ =	shalt  }

</sc_bundles>
